<compile_context>
chip_gen: v7x
topology: tpu7x:2x2x1
jax: 0.10.2.dev20260603
libtpu: 0.0.44.dev20260713+nightly
codegen_flags: <defaults>
</compile_context>

<pallas_src>
import functools

import jax
import jax.numpy as jnp
from jax import lax
from jax.experimental import pallas as pl
from jax.experimental.pallas import tpu as pltpu
from jax.experimental.pallas import tpu_sc as plsc

NUM_CORES = 2
NUM_SUBCORES = 16
LANES = 16
NW = NUM_CORES * NUM_SUBCORES
DIM = 16
GROUP = 8
NBUF = 2
BLK = 128


def _mf_body(users_hbm, items_hbm, utabT_hbm, itabT_hbm, out_hbm,
             idx_u, idx_i, ublk, iblk, outv, sem_u, sem_i):
    b_per_w = idx_u.shape[0]
    wid = lax.axis_index("s") * NUM_CORES + lax.axis_index("c")
    base = wid * b_per_w

    pltpu.sync_copy(users_hbm.at[pl.ds(base, b_per_w)], idx_u)
    pltpu.sync_copy(items_hbm.at[pl.ds(base, b_per_w)], idx_i)

    jslot = (lax.iota(jnp.int32, LANES) & (GROUP - 1)) * BLK
    m_lo = lax.iota(jnp.int32, LANES) < GROUP
    dvecs = [jnp.full((LANES,), d, jnp.int32) for d in range(DIM)]

    def fire(vec_u, vec_i, half, buf):
        off_u = lax.shift_right_logical(vec_u, 7) * BLK
        off_i = lax.shift_right_logical(vec_i, 7) * BLK
        for j in range(GROUP):
            k = half * GROUP + j
            ou = pl.multiple_of(off_u[k], BLK)
            oi = pl.multiple_of(off_i[k], BLK)
            pltpu.async_copy(utabT_hbm.at[:, pl.ds(ou, BLK)],
                             ublk.at[buf].at[:, pl.ds(j * BLK, BLK)],
                             sem_u.at[buf])
            pltpu.async_copy(itabT_hbm.at[:, pl.ds(oi, BLK)],
                             iblk.at[buf].at[:, pl.ds(j * BLK, BLK)],
                             sem_i.at[buf])

    def drain(buf):
        pltpu.make_async_copy(utabT_hbm.at[:, pl.ds(0, GROUP * BLK)],
                              ublk.at[buf], sem_u.at[buf]).wait()
        pltpu.make_async_copy(itabT_hbm.at[:, pl.ds(0, GROUP * BLK)],
                              iblk.at[buf], sem_i.at[buf]).wait()

    def extract(vec_u, vec_i, buf):
        lane_u = jslot + (vec_u & (BLK - 1))
        lane_i = jslot + (vec_i & (BLK - 1))
        acc = jnp.zeros((LANES,), jnp.float32)
        for d in range(DIM):
            uu = plsc.load_gather(ublk.at[buf], [dvecs[d], lane_u])
            vv = plsc.load_gather(iblk.at[buf], [dvecs[d], lane_i])
            acc = acc + uu * vv
        return acc

    fire(idx_u[pl.ds(0, LANES)], idx_i[pl.ds(0, LANES)], 0, 0)

    npair = b_per_w // LANES

    @pl.loop(0, npair)
    def _pairs(p):
        sl = pl.ds(p * LANES, LANES)
        vec_u = idx_u[sl]
        vec_i = idx_i[sl]
        fire(vec_u, vec_i, 1, 1)
        drain(0)
        acc_lo = extract(vec_u, vec_i, 0)

        @pl.when(p < npair - 1)
        def _next():
            nsl = pl.ds((p + 1) * LANES, LANES)
            fire(idx_u[nsl], idx_i[nsl], 0, 0)

        drain(1)
        acc_hi = extract(vec_u, vec_i, 1)
        acc = jnp.where(m_lo, acc_lo, acc_hi)
        outv[sl] = 1.0 / (1.0 + jnp.exp(-acc))

    pltpu.sync_copy(outv, out_hbm.at[pl.ds(base, b_per_w)])


def kernel(users, items, user_table, item_table):
    batch = users.shape[0]
    b_per_w = batch // NW
    utabT = user_table.T
    itabT = item_table.T
    mesh = plsc.VectorSubcoreMesh(
        core_axis_name="c", subcore_axis_name="s",
        num_cores=NUM_CORES, num_subcores=NUM_SUBCORES)
    run = functools.partial(
        pl.kernel,
        out_type=jax.ShapeDtypeStruct((batch,), jnp.float32),
        mesh=mesh,
        compiler_params=pltpu.CompilerParams(needs_layout_passes=False),
        scratch_types=[
            pltpu.VMEM((b_per_w,), jnp.int32),
            pltpu.VMEM((b_per_w,), jnp.int32),
            pltpu.VMEM((NBUF, DIM, GROUP * BLK), jnp.float32),
            pltpu.VMEM((NBUF, DIM, GROUP * BLK), jnp.float32),
            pltpu.VMEM((b_per_w,), jnp.float32),
            pltpu.SemaphoreType.DMA((NBUF,)),
            pltpu.SemaphoreType.DMA((NBUF,)),
        ],
    )(_mf_body)
    return run(users, items, utabT, itabT)

# --- scband reference (transcript-rebuilt; emitter-appended) ---
"""Pipeline reference for scband-pure-mf-80221399155437 (READ-ONLY COPY).

The authoritative reference and input builder live on the scoring server;
editing this copy changes nothing except your own understanding.
"""

import jax, jax.numpy as jnp
import numpy as np

NUM_USERS = 1000000
NUM_ITEMS = 1000000
LATENT_DIM = 16
BATCH = 16384


def setup_inputs(seed: int = 0) -> dict:
    key = jax.random.key(seed)
    k1, k2, k3, k4 = jax.random.split(key, 4)
    users = jax.random.randint(k1, (BATCH,), 0, NUM_USERS, dtype=jnp.int64 if jax.config.jax_enable_x64 else jnp.int32).astype(jnp.int32)
    items = jax.random.randint(k2, (BATCH,), 0, NUM_ITEMS, dtype=jnp.int32)
    user_table = jax.random.normal(k3, (NUM_USERS, LATENT_DIM), dtype=jnp.float32) * 0.1
    item_table = jax.random.normal(k4, (NUM_ITEMS, LATENT_DIM), dtype=jnp.float32) * 0.1
    return {"users": users, "items": items, "user_table": user_table, "item_table": item_table}


def reference(users, items, user_table, item_table):
    # embedding lookups (gather)
    users_emb = jnp.take(user_table, users, axis=0)
    items_emb = jnp.take(item_table, items, axis=0)
    # dot-product score per (user, item) pair
    scores = jnp.sum(users_emb * items_emb, axis=1)
    return jax.nn.sigmoid(scores)

if __name__ == "__main__":
    import jax
    _d = setup_inputs()
    print(jax.jit(kernel)(*tuple(_d.values())))

</pallas_src>

<mosaic_0001>
#map = affine_map<(d0, d1) -> (0)>
#map1 = affine_map<(d0, d1) -> (0, 0)>
module attributes {stable_mosaic.version = 14 : i64} {
  func.func @_mf_body(%arg0: i32, %arg1: i32, %arg2: memref<16384xi32, #tpu.memory_space<hbm>>, %arg3: memref<16384xi32, #tpu.memory_space<hbm>>, %arg4: memref<16x1000000xf32, #tpu.memory_space<hbm>>, %arg5: memref<16x1000000xf32, #tpu.memory_space<hbm>>, %arg6: memref<16384xf32, #tpu.memory_space<hbm>>, %arg7: memref<512xi32, #tpu.memory_space<vmem>>, %arg8: memref<512xi32, #tpu.memory_space<vmem>>, %arg9: memref<2x16x1024xf32, #tpu.memory_space<vmem>>, %arg10: memref<2x16x1024xf32, #tpu.memory_space<vmem>>, %arg11: memref<512xf32, #tpu.memory_space<vmem>>, %arg12: memref<2x!tpu.dma_semaphore, #tpu.memory_space<semaphore_mem>>, %arg13: memref<2x!tpu.dma_semaphore, #tpu.memory_space<semaphore_mem>>) attributes {dimension_semantics = [#tpu.dimension_semantics<core_parallel>, #tpu.dimension_semantics<subcore_parallel>], iteration_bounds = array<i64: 2, 16>, scalar_prefetch = 0 : i64, scratch_operands = 7 : i64, tpu.core_type = #tpu.core_type<sc_vector_subcore>, window_params = [{transform_indices = #map}, {transform_indices = #map}, {transform_indices = #map1}, {transform_indices = #map1}, {transform_indices = #map}]} {
    %mul3A = arith.constant 2 : i32
    %mul3A_0 = arith.muli %arg1, %mul3A : i32
    %add3A = arith.addi %mul3A_0, %arg0 : i32
    %mul3A_1 = arith.constant 512 : i32
    %mul3A_2 = arith.muli %add3A, %mul3A_1 : i32
    "tpu.region"() ({
      %run_scoped3A = tpu.sem_alloc : memref<!tpu.dma_semaphore, #tpu.memory_space<semaphore_mem>>
      %dma_start3A_456 = tpu.memref_slice %arg2[%mul3A_2] : memref<16384xi32, #tpu.memory_space<hbm>> -> memref<512xi32, #tpu.memory_space<hbm>>
      %dma_start3A_457 = tpu.memref_slice %arg2[%mul3A_2] : memref<16384xi32, #tpu.memory_space<hbm>> -> memref<512xi32, #tpu.memory_space<hbm>>
      tpu.enqueue_dma source(%dma_start3A_457 : memref<512xi32, #tpu.memory_space<hbm>>) target(%arg7 : memref<512xi32, #tpu.memory_space<vmem>>) target_semaphore(%run_scoped3A : memref<!tpu.dma_semaphore, #tpu.memory_space<semaphore_mem>>)
      %dma_wait3A = tpu.memref_slice %arg2[%mul3A_2] : memref<16384xi32, #tpu.memory_space<hbm>> -> memref<512xi32, #tpu.memory_space<hbm>>
      %dma_wait3A_458 = tpu.memref_slice %arg2[%mul3A_2] : memref<16384xi32, #tpu.memory_space<hbm>> -> memref<512xi32, #tpu.memory_space<hbm>>
      tpu.wait_dma2 semaphore(%run_scoped3A : memref<!tpu.dma_semaphore, #tpu.memory_space<semaphore_mem>>) src(%dma_wait3A_458 : memref<512xi32, #tpu.memory_space<hbm>>) dst(%arg7 : memref<512xi32, #tpu.memory_space<vmem>>)
      tpu.yield
    }) : () -> ()
    "tpu.region"() ({
      %run_scoped3A = tpu.sem_alloc : memref<!tpu.dma_semaphore, #tpu.memory_space<semaphore_mem>>
      %dma_start3A_456 = tpu.memref_slice %arg3[%mul3A_2] : memref<16384xi32, #tpu.memory_space<hbm>> -> memref<512xi32, #tpu.memory_space<hbm>>
      %dma_start3A_457 = tpu.memref_slice %arg3[%mul3A_2] : memref<16384xi32, #tpu.memory_space<hbm>> -> memref<512xi32, #tpu.memory_space<hbm>>
      tpu.enqueue_dma source(%dma_start3A_457 : memref<512xi32, #tpu.memory_space<hbm>>) target(%arg8 : memref<512xi32, #tpu.memory_space<vmem>>) target_semaphore(%run_scoped3A : memref<!tpu.dma_semaphore, #tpu.memory_space<semaphore_mem>>)
      %dma_wait3A = tpu.memref_slice %arg3[%mul3A_2] : memref<16384xi32, #tpu.memory_space<hbm>> -> memref<512xi32, #tpu.memory_space<hbm>>
      %dma_wait3A_458 = tpu.memref_slice %arg3[%mul3A_2] : memref<16384xi32, #tpu.memory_space<hbm>> -> memref<512xi32, #tpu.memory_space<hbm>>
      tpu.wait_dma2 semaphore(%run_scoped3A : memref<!tpu.dma_semaphore, #tpu.memory_space<semaphore_mem>>) src(%dma_wait3A_458 : memref<512xi32, #tpu.memory_space<hbm>>) dst(%arg8 : memref<512xi32, #tpu.memory_space<vmem>>)
      tpu.yield
    }) : () -> ()
    %iota3A = tpu.iota {dimensions = array<i32: 0>} : vector<16xi32>
    %and3A = arith.constant 7 : i32
    %and3A_3 = vector.broadcast %and3A : i32 to vector<16xi32>
    %and3A_4 = arith.andi %iota3A, %and3A_3 : vector<16xi32>
    %mul3A_5 = arith.constant 128 : i32
    %mul3A_6 = vector.broadcast %mul3A_5 : i32 to vector<16xi32>
    %mul3A_7 = arith.muli %and3A_4, %mul3A_6 : vector<16xi32>
    %iota3A_8 = tpu.iota {dimensions = array<i32: 0>} : vector<16xi32>
    %lt3A = arith.constant 8 : i32
    %lt3A_9 = vector.broadcast %lt3A : i32 to vector<16xi32>
    %lt3A_10 = arith.cmpi slt, %iota3A_8, %lt3A_9 : vector<16xi32>
    %broadcast_in_dim3A = arith.constant 0 : i32
    %broadcast_in_dim3A_11 = vector.broadcast %broadcast_in_dim3A : i32 to vector<16xi32>
    %broadcast_in_dim3A_12 = arith.constant 1 : i32
    %broadcast_in_dim3A_13 = vector.broadcast %broadcast_in_dim3A_12 : i32 to vector<16xi32>
    %broadcast_in_dim3A_14 = arith.constant 2 : i32
    %broadcast_in_dim3A_15 = vector.broadcast %broadcast_in_dim3A_14 : i32 to vector<16xi32>
    %broadcast_in_dim3A_16 = arith.constant 3 : i32
    %broadcast_in_dim3A_17 = vector.broadcast %broadcast_in_dim3A_16 : i32 to vector<16xi32>
    %broadcast_in_dim3A_18 = arith.constant 4 : i32
    %broadcast_in_dim3A_19 = vector.broadcast %broadcast_in_dim3A_18 : i32 to vector<16xi32>
    %broadcast_in_dim3A_20 = arith.constant 5 : i32
    %broadcast_in_dim3A_21 = vector.broadcast %broadcast_in_dim3A_20 : i32 to vector<16xi32>
    %broadcast_in_dim3A_22 = arith.constant 6 : i32
    %broadcast_in_dim3A_23 = vector.broadcast %broadcast_in_dim3A_22 : i32 to vector<16xi32>
    %broadcast_in_dim3A_24 = arith.constant 7 : i32
    %broadcast_in_dim3A_25 = vector.broadcast %broadcast_in_dim3A_24 : i32 to vector<16xi32>
    %broadcast_in_dim3A_26 = arith.constant 8 : i32
    %broadcast_in_dim3A_27 = vector.broadcast %broadcast_in_dim3A_26 : i32 to vector<16xi32>
    %broadcast_in_dim3A_28 = arith.constant 9 : i32
    %broadcast_in_dim3A_29 = vector.broadcast %broadcast_in_dim3A_28 : i32 to vector<16xi32>
    %broadcast_in_dim3A_30 = arith.constant 10 : i32
    %broadcast_in_dim3A_31 = vector.broadcast %broadcast_in_dim3A_30 : i32 to vector<16xi32>
    %broadcast_in_dim3A_32 = arith.constant 11 : i32
    %broadcast_in_dim3A_33 = vector.broadcast %broadcast_in_dim3A_32 : i32 to vector<16xi32>
    %broadcast_in_dim3A_34 = arith.constant 12 : i32
    %broadcast_in_dim3A_35 = vector.broadcast %broadcast_in_dim3A_34 : i32 to vector<16xi32>
    %broadcast_in_dim3A_36 = arith.constant 13 : i32
    %broadcast_in_dim3A_37 = vector.broadcast %broadcast_in_dim3A_36 : i32 to vector<16xi32>
    %broadcast_in_dim3A_38 = arith.constant 14 : i32
    %broadcast_in_dim3A_39 = vector.broadcast %broadcast_in_dim3A_38 : i32 to vector<16xi32>
    %broadcast_in_dim3A_40 = arith.constant 15 : i32
    %broadcast_in_dim3A_41 = vector.broadcast %broadcast_in_dim3A_40 : i32 to vector<16xi32>
    %get3A = arith.constant 0 : index
    %get3A_42 = tpu.vector_load %arg7[%get3A] {strides = array<i32>} : memref<512xi32, #tpu.memory_space<vmem>>, vector<16xi32>,
    %get3A_43 = arith.constant 0 : index
    %get3A_44 = tpu.vector_load %arg8[%get3A_43] {strides = array<i32>} : memref<512xi32, #tpu.memory_space<vmem>>, vector<16xi32>,
    %shift_right_logical3A = arith.constant 7 : i32
    %shift_right_logical3A_45 = vector.broadcast %shift_right_logical3A : i32 to vector<16xi32>
    %shift_right_logical3A_46 = arith.shrui %get3A_42, %shift_right_logical3A_45 : vector<16xi32>
    %mul3A_47 = arith.constant 128 : i32
    %mul3A_48 = vector.broadcast %mul3A_47 : i32 to vector<16xi32>
    %mul3A_49 = arith.muli %shift_right_logical3A_46, %mul3A_48 : vector<16xi32>
    %shift_right_logical3A_50 = arith.constant 7 : i32
    %shift_right_logical3A_51 = vector.broadcast %shift_right_logical3A_50 : i32 to vector<16xi32>
    %shift_right_logical3A_52 = arith.shrui %get3A_44, %shift_right_logical3A_51 : vector<16xi32>
    %mul3A_53 = arith.constant 128 : i32
    %mul3A_54 = vector.broadcast %mul3A_53 : i32 to vector<16xi32>
    %mul3A_55 = arith.muli %shift_right_logical3A_52, %mul3A_54 : vector<16xi32>
    %slice3A = vector.extract_strided_slice %mul3A_49 {offsets = [0], sizes = [1], strides = [1]} : vector<16xi32> to vector<1xi32>
    %squeeze3A = vector.extract %slice3A[0] : i32 from vector<1xi32>
    %multiple_of3A = tpu.assume_multiple %squeeze3A, 128 : i32
    %slice3A_56 = vector.extract_strided_slice %mul3A_55 {offsets = [0], sizes = [1], strides = [1]} : vector<16xi32> to vector<1xi32>
    %squeeze3A_57 = vector.extract %slice3A_56[0] : i32 from vector<1xi32>
    %multiple_of3A_58 = tpu.assume_multiple %squeeze3A_57, 128 : i32
    %dma_start3A = arith.constant 0 : i32
    %dma_start3A_59 = arith.constant 0 : i32
    %dma_start3A_60 = arith.constant 0 : i32
    %dma_start3A_61 = arith.constant 0 : i32
    %dma_start3A_62 = tpu.memref_slice %arg9[%dma_start3A, %dma_start3A_60, %dma_start3A_61] : memref<2x16x1024xf32, #tpu.memory_space<vmem>> -> memref<1x16x1024xf32, #tpu.memory_space<vmem>>
    %dma_start3A_63 = tpu.memref_squeeze %dma_start3A_62 : memref<1x16x1024xf32, #tpu.memory_space<vmem>> -> memref<16x1024xf32, #tpu.memory_space<vmem>>
    %dma_start3A_64 = arith.constant 0 : i32
    %dma_start3A_65 = arith.constant 0 : i32
    %dma_start3A_66 = tpu.memref_slice %dma_start3A_63[%dma_start3A_64, %dma_start3A_65] : memref<16x1024xf32, #tpu.memory_space<vmem>> -> memref<16x128xf32, #tpu.memory_space<vmem>>
    %dma_start3A_67 = arith.constant 0 : i32
    %dma_start3A_68 = tpu.memref_slice %arg4[%dma_start3A_67, %multiple_of3A] : memref<16x1000000xf32, #tpu.memory_space<hbm>> -> memref<16x128xf32, #tpu.memory_space<hbm>>
    %dma_start3A_69 = tpu.memref_slice %arg12[%dma_start3A_59] : memref<2x!tpu.dma_semaphore, #tpu.memory_space<semaphore_mem>> -> memref<1x!tpu.dma_semaphore, #tpu.memory_space<semaphore_mem>>
    %dma_start3A_70 = tpu.memref_squeeze %dma_start3A_69 : memref<1x!tpu.dma_semaphore, #tpu.memory_space<semaphore_mem>> -> memref<!tpu.dma_semaphore, #tpu.memory_space<semaphore_mem>>
    %dma_start3A_71 = arith.constant 0 : i32
    %dma_start3A_72 = arith.constant 0 : i32
    %dma_start3A_73 = tpu.memref_slice %arg9[%dma_start3A, %dma_start3A_71, %dma_start3A_72] : memref<2x16x1024xf32, #tpu.memory_space<vmem>> -> memref<1x16x1024xf32, #tpu.memory_space<vmem>>
    %dma_start3A_74 = tpu.memref_squeeze %dma_start3A_73 : memref<1x16x1024xf32, #tpu.memory_space<vmem>> -> memref<16x1024xf32, #tpu.memory_space<vmem>>
    %dma_start3A_75 = arith.constant 0 : i32
    %dma_start3A_76 = arith.constant 0 : i32
    %dma_start3A_77 = tpu.memref_slice %dma_start3A_74[%dma_start3A_75, %dma_start3A_76] : memref<16x1024xf32, #tpu.memory_space<vmem>> -> memref<16x128xf32, #tpu.memory_space<vmem>>
    %dma_start3A_78 = arith.constant 0 : i32
    %dma_start3A_79 = tpu.memref_slice %arg4[%dma_start3A_78, %multiple_of3A] : memref<16x1000000xf32, #tpu.memory_space<hbm>> -> memref<16x128xf32, #tpu.memory_space<hbm>>
    tpu.enqueue_dma source(%dma_start3A_79 : memref<16x128xf32, #tpu.memory_space<hbm>>) target(%dma_start3A_77 : memref<16x128xf32, #tpu.memory_space<vmem>>) target_semaphore(%dma_start3A_70 : memref<!tpu.dma_semaphore, #tpu.memory_space<semaphore_mem>>)
    %dma_start3A_80 = arith.constant 0 : i32
    %dma_start3A_81 = arith.constant 0 : i32
    %dma_start3A_82 = arith.constant 0 : i32
    %dma_start3A_83 = arith.constant 0 : i32
    %dma_start3A_84 = tpu.memref_slice %arg10[%dma_start3A_80, %dma_start3A_82, %dma_start3A_83] : memref<2x16x1024xf32, #tpu.memory_space<vmem>> -> memref<1x16x1024xf32, #tpu.memory_space<vmem>>
    %dma_start3A_85 = tpu.memref_squeeze %dma_start3A_84 : memref<1x16x1024xf32, #tpu.memory_space<vmem>> -> memref<16x1024xf32, #tpu.memory_space<vmem>>
    %dma_start3A_86 = arith.constant 0 : i32
    %dma_start3A_87 = arith.constant 0 : i32
    %dma_start3A_88 = tpu.memref_slice %dma_start3A_85[%dma_start3A_86, %dma_start3A_87] : memref<16x1024xf32, #tpu.memory_space<vmem>> -> memref<16x128xf32, #tpu.memory_space<vmem>>
    %dma_start3A_89 = arith.constant 0 : i32
    %dma_start3A_90 = tpu.memref_slice %arg5[%dma_start3A_89, %multiple_of3A_58] : memref<16x1000000xf32, #tpu.memory_space<hbm>> -> memref<16x128xf32, #tpu.memory_space<hbm>>
    %dma_start3A_91 = tpu.memref_slice %arg13[%dma_start3A_81] : memref<2x!tpu.dma_semaphore, #tpu.memory_space<semaphore_mem>> -> memref<1x!tpu.dma_semaphore, #tpu.memory_space<semaphore_mem>>
    %dma_start3A_92 = tpu.memref_squeeze %dma_start3A_91 : memref<1x!tpu.dma_semaphore, #tpu.memory_space<semaphore_mem>> -> memref<!tpu.dma_semaphore, #tpu.memory_space<semaphore_mem>>
    %dma_start3A_93 = arith.constant 0 : i32
    %dma_start3A_94 = arith.constant 0 : i32
    %dma_start3A_95 = tpu.memref_slice %arg10[%dma_start3A_80, %dma_start3A_93, %dma_start3A_94] : memref<2x16x1024xf32, #tpu.memory_space<vmem>> -> memref<1x16x1024xf32, #tpu.memory_space<vmem>>
    %dma_start3A_96 = tpu.memref_squeeze %dma_start3A_95 : memref<1x16x1024xf32, #tpu.memory_space<vmem>> -> memref<16x1024xf32, #tpu.memory_space<vmem>>
    %dma_start3A_97 = arith.constant 0 : i32
    %dma_start3A_98 = arith.constant 0 : i32
    %dma_start3A_99 = tpu.memref_slice %dma_start3A_96[%dma_start3A_97, %dma_start3A_98] : memref<16x1024xf32, #tpu.memory_space<vmem>> -> memref<16x128xf32, #tpu.memory_space<vmem>>
    %dma_start3A_100 = arith.constant 0 : i32
    %dma_start3A_101 = tpu.memref_slice %arg5[%dma_start3A_100, %multiple_of3A_58] : memref<16x1000000xf32, #tpu.memory_space<hbm>> -> memref<16x128xf32, #tpu.memory_space<hbm>>
    tpu.enqueue_dma source(%dma_start3A_101 : memref<16x128xf32, #tpu.memory_space<hbm>>) target(%dma_start3A_99 : memref<16x128xf32, #tpu.memory_space<vmem>>) target_semaphore(%dma_start3A_92 : memref<!tpu.dma_semaphore, #tpu.memory_space<semaphore_mem>>)
    %slice3A_102 = vector.extract_strided_slice %mul3A_49 {offsets = [1], sizes = [1], strides = [1]} : vector<16xi32> to vector<1xi32>
    %squeeze3A_103 = vector.extract %slice3A_102[0] : i32 from vector<1xi32>
    %multiple_of3A_104 = tpu.assume_multiple %squeeze3A_103, 128 : i32
    %slice3A_105 = vector.extract_strided_slice %mul3A_55 {offsets = [1], sizes = [1], strides = [1]} : vector<16xi32> to vector<1xi32>
    %squeeze3A_106 = vector.extract %slice3A_105[0] : i32 from vector<1xi32>
    %multiple_of3A_107 = tpu.assume_multiple %squeeze3A_106, 128 : i32
    %dma_start3A_108 = arith.constant 0 : i32
    %dma_start3A_109 = arith.constant 0 : i32
    %dma_start3A_110 = arith.constant 0 : i32
    %dma_start3A_111 = arith.constant 0 : i32
    %dma_start3A_112 = tpu.memref_slice %arg9[%dma_start3A_108, %dma_start3A_110, %dma_start3A_111] : memref<2x16x1024xf32, #tpu.memory_space<vmem>> -> memref<1x16x1024xf32, #tpu.memory_space<vmem>>
    %dma_start3A_113 = tpu.memref_squeeze %dma_start3A_112 : memref<1x16x1024xf32, #tpu.memory_space<vmem>> -> memref<16x1024xf32, #tpu.memory_space<vmem>>
    %dma_start3A_114 = arith.constant 0 : i32
    %dma_start3A_115 = arith.constant 128 : i32
    %dma_start3A_116 = tpu.memref_slice %dma_start3A_113[%dma_start3A_114, %dma_start3A_115] : memref<16x1024xf32, #tpu.memory_space<vmem>> -> memref<16x128xf32, #tpu.memory_space<vmem>>
    %dma_start3A_117 = arith.constant 0 : i32
    %dma_start3A_118 = tpu.memref_slice %arg4[%dma_start3A_117, %multiple_of3A_104] : memref<16x1000000xf32, #tpu.memory_space<hbm>> -> memref<16x128xf32, #tpu.memory_space<hbm>>
    %dma_start3A_119 = tpu.memref_slice %arg12[%dma_start3A_109] : memref<2x!tpu.dma_semaphore, #tpu.memory_space<semaphore_mem>> -> memref<1x!tpu.dma_semaphore, #tpu.memory_space<semaphore_mem>>
    %dma_start3A_120 = tpu.memref_squeeze %dma_start3A_119 : memref<1x!tpu.dma_semaphore, #tpu.memory_space<semaphore_mem>> -> memref<!tpu.dma_semaphore, #tpu.memory_space<semaphore_mem>>
    %dma_start3A_121 = arith.constant 0 : i32
    %dma_start3A_122 = arith.constant 0 : i32
    %dma_start3A_123 = tpu.memref_slice %arg9[%dma_start3A_108, %dma_start3A_121, %dma_start3A_122] : memref<2x16x1024xf32, #tpu.memory_space<vmem>> -> memref<1x16x1024xf32, #tpu.memory_space<vmem>>
    %dma_start3A_124 = tpu.memref_squeeze %dma_start3A_123 : memref<1x16x1024xf32, #tpu.memory_space<vmem>> -> memref<16x1024xf32, #tpu.memory_space<vmem>>
    %dma_start3A_125 = arith.constant 0 : i32
    %dma_start3A_126 = arith.constant 128 : i32
    %dma_start3A_127 = tpu.memref_slice %dma_start3A_124[%dma_start3A_125, %dma_start3A_126] : memref<16x1024xf32, #tpu.memory_space<vmem>> -> memref<16x128xf32, #tpu.memory_space<vmem>>
    %dma_start3A_128 = arith.constant 0 : i32
    %dma_start3A_129 = tpu.memref_slice %arg4[%dma_start3A_128, %multiple_of3A_104] : memref<16x1000000xf32, #tpu.memory_space<hbm>> -> memref<16x128xf32, #tpu.memory_space<hbm>>
    tpu.enqueue_dma source(%dma_start3A_129 : memref<16x128xf32, #tpu.memory_space<hbm>>) target(%dma_start3A_127 : memref<16x128xf32, #tpu.memory_space<vmem>>) target_semaphore(%dma_start3A_120 : memref<!tpu.dma_semaphore, #tpu.memory_space<semaphore_mem>>)
    %dma_start3A_130 = arith.constant 0 : i32
    %dma_start3A_131 = arith.constant 0 : i32
    %dma_start3A_132 = arith.constant 0 : i32
    %dma_start3A_133 = arith.constant 0 : i32
    %dma_start3A_134 = tpu.memref_slice %arg10[%dma_start3A_130, %dma_start3A_132, %dma_start3A_133] : memref<2x16x1024xf32, #tpu.memory_space<vmem>> -> memref<1x16x1024xf32, #tpu.memory_space<vmem>>
    %dma_start3A_135 = tpu.memref_squeeze %dma_start3A_134 : memref<1x16x1024xf32, #tpu.memory_space<vmem>> -> memref<16x1024xf32, #tpu.memory_space<vmem>>
    %dma_start3A_136 = arith.constant 0 : i32
    %dma_start3A_137 = arith.constant 128 : i32
    %dma_start3A_138 = tpu.memref_slice %dma_start3A_135[%dma_start3A_136, %dma_start3A_137] : memref<16x1024xf32, #tpu.memory_space<vmem>> -> memref<16x128xf32, #tpu.memory_space<vmem>>
    %dma_start3A_139 = arith.constant 0 : i32
    %dma_start3A_140 = tpu.memref_slice %arg5[%dma_start3A_139, %multiple_of3A_107] : memref<16x1000000xf32, #tpu.memory_space<hbm>> -> memref<16x128xf32, #tpu.memory_space<hbm>>
    %dma_start3A_141 = tpu.memref_slice %arg13[%dma_start3A_131] : memref<2x!tpu.dma_semaphore, #tpu.memory_space<semaphore_mem>> -> memref<1x!tpu.dma_semaphore, #tpu.memory_space<semaphore_mem>>
    %dma_start3A_142 = tpu.memref_squeeze %dma_start3A_141 : memref<1x!tpu.dma_semaphore, #tpu.memory_space<semaphore_mem>> -> memref<!tpu.dma_semaphore, #tpu.memory_space<semaphore_mem>>
    %dma_start3A_143 = arith.constant 0 : i32
    %dma_start3A_144 = arith.constant 0 : i32
    %dma_start3A_145 = tpu.memref_slice %arg10[%dma_start3A_130, %dma_start3A_143, %dma_start3A_144] : memref<2x16x1024xf32, #tpu.memory_space<vmem>> -> memref<1x16x1024xf32, #tpu.memory_space<vmem>>
    %dma_start3A_146 = tpu.memref_squeeze %dma_start3A_145 : memref<1x16x1024xf32, #tpu.memory_space<vmem>> -> memref<16x1024xf32, #tpu.memory_space<vmem>>
    %dma_start3A_147 = arith.constant 0 : i32
    %dma_start3A_148 = arith.constant 128 : i32
    %dma_start3A_149 = tpu.memref_slice %dma_start3A_146[%dma_start3A_147, %dma_start3A_148] : memref<16x1024xf32, #tpu.memory_space<vmem>> -> memref<16x128xf32, #tpu.memory_space<vmem>>
    %dma_start3A_150 = arith.constant 0 : i32
    %dma_start3A_151 = tpu.memref_slice %arg5[%dma_start3A_150, %multiple_of3A_107] : memref<16x1000000xf32, #tpu.memory_space<hbm>> -> memref<16x128xf32, #tpu.memory_space<hbm>>
    tpu.enqueue_dma source(%dma_start3A_151 : memref<16x128xf32, #tpu.memory_space<hbm>>) target(%dma_start3A_149 : memref<16x128xf32, #tpu.memory_space<vmem>>) target_semaphore(%dma_start3A_142 : memref<!tpu.dma_semaphore, #tpu.memory_space<semaphore_mem>>)
    %slice3A_152 = vector.extract_strided_slice %mul3A_49 {offsets = [2], sizes = [1], strides = [1]} : vector<16xi32> to vector<1xi32>
    %squeeze3A_153 = vector.extract %slice3A_152[0] : i32 from vector<1xi32>
    %multiple_of3A_154 = tpu.assume_multiple %squeeze3A_153, 128 : i32
    %slice3A_155 = vector.extract_strided_slice %mul3A_55 {offsets = [2], sizes = [1], strides = [1]} : vector<16xi32> to vector<1xi32>
    %squeeze3A_156 = vector.extract %slice3A_155[0] : i32 from vector<1xi32>
    %multiple_of3A_157 = tpu.assume_multiple %squeeze3A_156, 128 : i32
    %dma_start3A_158 = arith.constant 0 : i32
    %dma_start3A_159 = arith.constant 0 : i32
    %dma_start3A_160 = arith.constant 0 : i32
    %dma_start3A_161 = arith.constant 0 : i32
    %dma_start3A_162 = tpu.memref_slice %arg9[%dma_start3A_158, %dma_start3A_160, %dma_start3A_161] : memref<2x16x1024xf32, #tpu.memory_space<vmem>> -> memref<1x16x1024xf32, #tpu.memory_space<vmem>>
    %dma_start3A_163 = tpu.memref_squeeze %dma_start3A_162 : memref<1x16x1024xf32, #tpu.memory_space<vmem>> -> memref<16x1024xf32, #tpu.memory_space<vmem>>
    %dma_start3A_164 = arith.constant 0 : i32
    %dma_start3A_165 = arith.constant 256 : i32
    %dma_start3A_166 = tpu.memref_slice %dma_start3A_163[%dma_start3A_164, %dma_start3A_165] : memref<16x1024xf32, #tpu.memory_space<vmem>> -> memref<16x128xf32, #tpu.memory_space<vmem>>
    %dma_start3A_167 = arith.constant 0 : i32
    %dma_start3A_168 = tpu.memref_slice %arg4[%dma_start3A_167, %multiple_of3A_154] : memref<16x1000000xf32, #tpu.memory_space<hbm>> -> memref<16x128xf32, #tpu.memory_space<hbm>>
    %dma_start3A_169 = tpu.memref_slice %arg12[%dma_start3A_159] : memref<2x!tpu.dma_semaphore, #tpu.memory_space<semaphore_mem>> -> memref<1x!tpu.dma_semaphore, #tpu.memory_space<semaphore_mem>>
    %dma_start3A_170 = tpu.memref_squeeze %dma_start3A_169 : memref<1x!tpu.dma_semaphore, #tpu.memory_space<semaphore_mem>> -> memref<!tpu.dma_semaphore, #tpu.memory_space<semaphore_mem>>
    %dma_start3A_171 = arith.constant 0 : i32
    %dma_start3A_172 = arith.constant 0 : i32
    %dma_start3A_173 = tpu.memref_slice %arg9[%dma_start3A_158, %dma_start3A_171, %dma_start3A_172] : memref<2x16x1024xf32, #tpu.memory_space<vmem>> -> memref<1x16x1024xf32, #tpu.memory_space<vmem>>
    %dma_start3A_174 = tpu.memref_squeeze %dma_start3A_173 : memref<1x16x1024xf32, #tpu.memory_space<vmem>> -> memref<16x1024xf32, #tpu.memory_space<vmem>>
    %dma_start3A_175 = arith.constant 0 : i32
    %dma_start3A_176 = arith.constant 256 : i32
    %dma_start3A_177 = tpu.memref_slice %dma_start3A_174[%dma_start3A_175, %dma_start3A_176] : memref<16x1024xf32, #tpu.memory_space<vmem>> -> memref<16x128xf32, #tpu.memory_space<vmem>>
    %dma_start3A_178 = arith.constant 0 : i32
    %dma_start3A_179 = tpu.memref_slice %arg4[%dma_start3A_178, %multiple_of3A_154] : memref<16x1000000xf32, #tpu.memory_space<hbm>> -> memref<16x128xf32, #tpu.memory_space<hbm>>
    tpu.enqueue_dma source(%dma_start3A_179 : memref<16x128xf32, #tpu.memory_space<hbm>>) target(%dma_start3A_177 : memref<16x128xf32, #tpu.memory_space<vmem>>) target_semaphore(%dma_start3A_170 : memref<!tpu.dma_semaphore, #tpu.memory_space<semaphore_mem>>)
    %dma_start3A_180 = arith.constant 0 : i32
    %dma_start3A_181 = arith.constant 0 : i32
    %dma_start3A_182 = arith.constant 0 : i32
    %dma_start3A_183 = arith.constant 0 : i32
    %dma_start3A_184 = tpu.memref_slice %arg10[%dma_start3A_180, %dma_start3A_182, %dma_start3A_183] : memref<2x16x1024xf32, #tpu.memory_space<vmem>> -> memref<1x16x1024xf32, #tpu.memory_space<vmem>>
    %dma_start3A_185 = tpu.memref_squeeze %dma_start3A_184 : memref<1x16x1024xf32, #tpu.memory_space<vmem>> -> memref<16x1024xf32, #tpu.memory_space<vmem>>
    %dma_start3A_186 = arith.constant 0 : i32
    %dma_start3A_187 = arith.constant 256 : i32
    %dma_start3A_188 = tpu.memref_slice %dma_start3A_185[%dma_start3A_186, %dma_start3A_187] : memref<16x1024xf32, #tpu.memory_space<vmem>> -> memref<16x128xf32, #tpu.memory_space<vmem>>
    %dma_start3A_189 = arith.constant 0 : i32
    %dma_start3A_190 = tpu.memref_slice %arg5[%dma_start3A_189, %multiple_of3A_157] : memref<16x1000000xf32, #tpu.memory_space<hbm>> -> memref<16x128xf32, #tpu.memory_space<hbm>>
    %dma_start3A_191 = tpu.memref_slice %arg13[%dma_start3A_181] : memref<2x!tpu.dma_semaphore, #tpu.memory_space<semaphore_mem>> -> memref<1x!tpu.dma_semaphore, #tpu.memory_space<semaphore_mem>>
    %dma_start3A_192 = tpu.memref_squeeze %dma_start3A_191 : memref<1x!tpu.dma_semaphore, #tpu.memory_space<semaphore_mem>> -> memref<!tpu.dma_semaphore, #tpu.memory_space<semaphore_mem>>
    %dma_start3A_193 = arith.constant 0 : i32
    %dma_start3A_194 = arith.constant 0 : i32
    %dma_start3A_195 = tpu.memref_slice %arg10[%dma_start3A_180, %dma_start3A_193, %dma_start3A_194] : memref<2x16x1024xf32, #tpu.memory_space<vmem>> -> memref<1x16x1024xf32, #tpu.memory_space<vmem>>
    %dma_start3A_196 = tpu.memref_squeeze %dma_start3A_195 : memref<1x16x1024xf32, #tpu.memory_space<vmem>> -> memref<16x1024xf32, #tpu.memory_space<vmem>>
    %dma_start3A_197 = arith.constant 0 : i32
    %dma_start3A_198 = arith.constant 256 : i32
    %dma_start3A_199 = tpu.memref_slice %dma_start3A_196[%dma_start3A_197, %dma_start3A_198] : memref<16x1024xf32, #tpu.memory_space<vmem>> -> memref<16x128xf32, #tpu.memory_space<vmem>>
    %dma_start3A_200 = arith.constant 0 : i32
    %dma_start3A_201 = tpu.memref_slice %arg5[%dma_start3A_200, %multiple_of3A_157] : memref<16x1000000xf32, #tpu.memory_space<hbm>> -> memref<16x128xf32, #tpu.memory_space<hbm>>
    tpu.enqueue_dma source(%dma_start3A_201 : memref<16x128xf32, #tpu.memory_space<hbm>>) target(%dma_start3A_199 : memref<16x128xf32, #tpu.memory_space<vmem>>) target_semaphore(%dma_start3A_192 : memref<!tpu.dma_semaphore, #tpu.memory_space<semaphore_mem>>)
    %slice3A_202 = vector.extract_strided_slice %mul3A_49 {offsets = [3], sizes = [1], strides = [1]} : vector<16xi32> to vector<1xi32>
    %squeeze3A_203 = vector.extract %slice3A_202[0] : i32 from vector<1xi32>
    %multiple_of3A_204 = tpu.assume_multiple %squeeze3A_203, 128 : i32
    %slice3A_205 = vector.extract_strided_slice %mul3A_55 {offsets = [3], sizes = [1], strides = [1]} : vector<16xi32> to vector<1xi32>
    %squeeze3A_206 = vector.extract %slice3A_205[0] : i32 from vector<1xi32>
    %multiple_of3A_207 = tpu.assume_multiple %squeeze3A_206, 128 : i32
    %dma_start3A_208 = arith.constant 0 : i32
    %dma_start3A_209 = arith.constant 0 : i32
    %dma_start3A_210 = arith.constant 0 : i32
    %dma_start3A_211 = arith.constant 0 : i32
    %dma_start3A_212 = tpu.memref_slice %arg9[%dma_start3A_208, %dma_start3A_210, %dma_start3A_211] : memref<2x16x1024xf32, #tpu.memory_space<vmem>> -> memref<1x16x1024xf32, #tpu.memory_space<vmem>>
    %dma_start3A_213 = tpu.memref_squeeze %dma_start3A_212 : memref<1x16x1024xf32, #tpu.memory_space<vmem>> -> memref<16x1024xf32, #tpu.memory_space<vmem>>
    %dma_start3A_214 = arith.constant 0 : i32
    %dma_start3A_215 = arith.constant 384 : i32
    %dma_start3A_216 = tpu.memref_slice %dma_start3A_213[%dma_start3A_214, %dma_start3A_215] : memref<16x1024xf32, #tpu.memory_space<vmem>> -> memref<16x128xf32, #tpu.memory_space<vmem>>
    %dma_start3A_217 = arith.constant 0 : i32
    %dma_start3A_218 = tpu.memref_slice %arg4[%dma_start3A_217, %multiple_of3A_204] : memref<16x1000000xf32, #tpu.memory_space<hbm>> -> memref<16x128xf32, #tpu.memory_space<hbm>>
    %dma_start3A_219 = tpu.memref_slice %arg12[%dma_start3A_209] : memref<2x!tpu.dma_semaphore, #tpu.memory_space<semaphore_mem>> -> memref<1x!tpu.dma_semaphore, #tpu.memory_space<semaphore_mem>>
    %dma_start3A_220 = tpu.memref_squeeze %dma_start3A_219 : memref<1x!tpu.dma_semaphore, #tpu.memory_space<semaphore_mem>> -> memref<!tpu.dma_semaphore, #tpu.memory_space<semaphore_mem>>
    %dma_start3A_221 = arith.constant 0 : i32
    %dma_start3A_222 = arith.constant 0 : i32
    %dma_start3A_223 = tpu.memref_slice %arg9[%dma_start3A_208, %dma_start3A_221, %dma_start3A_222] : memref<2x16x1024xf32, #tpu.memory_space<vmem>> -> memref<1x16x1024xf32, #tpu.memory_space<vmem>>
    %dma_start3A_224 = tpu.memref_squeeze %dma_start3A_223 : memref<1x16x1024xf32, #tpu.memory_space<vmem>> -> memref<16x1024xf32, #tpu.memory_space<vmem>>
    %dma_start3A_225 = arith.constant 0 : i32
    %dma_start3A_226 = arith.constant 384 : i32
    %dma_start3A_227 = tpu.memref_slice %dma_start3A_224[%dma_start3A_225, %dma_start3A_226] : memref<16x1024xf32, #tpu.memory_space<vmem>> -> memref<16x128xf32, #tpu.memory_space<vmem>>
    %dma_start3A_228 = arith.constant 0 : i32
    %dma_start3A_229 = tpu.memref_slice %arg4[%dma_start3A_228, %multiple_of3A_204] : memref<16x1000000xf32, #tpu.memory_space<hbm>> -> memref<16x128xf32, #tpu.memory_space<hbm>>
    tpu.enqueue_dma source(%dma_start3A_229 : memref<16x128xf32, #tpu.memory_space<hbm>>) target(%dma_start3A_227 : memref<16x128xf32, #tpu.memory_space<vmem>>) target_semaphore(%dma_start3A_220 : memref<!tpu.dma_semaphore, #tpu.memory_space<semaphore_mem>>)
    %dma_start3A_230 = arith.constant 0 : i32
    %dma_start3A_231 = arith.constant 0 : i32
    %dma_start3A_232 = arith.constant 0 : i32
    %dma_start3A_233 = arith.constant 0 : i32
    %dma_start3A_234 = tpu.memref_slice %arg10[%dma_start3A_230, %dma_start3A_232, %dma_start3A_233] : memref<2x16x1024xf32, #tpu.memory_space<vmem>> -> memref<1x16x1024xf32, #tpu.memory_space<vmem>>
    %dma_start3A_235 = tpu.memref_squeeze %dma_start3A_234 : memref<1x16x1024xf32, #tpu.memory_space<vmem>> -> memref<16x1024xf32, #tpu.memory_space<vmem>>
    %dma_start3A_236 = arith.constant 0 : i32
    %dma_start3A_237 = arith.constant 384 : i32
    %dma_start3A_238 = tpu.memref_slice %dma_start3A_235[%dma_start3A_236, %dma_start3A_237] : memref<16x1024xf32, #tpu.memory_space<vmem>> -> memref<16x128xf32, #tpu.memory_space<vmem>>
    %dma_start3A_239 = arith.constant 0 : i32
    %dma_start3A_240 = tpu.memref_slice %arg5[%dma_start3A_239, %multiple_of3A_207] : memref<16x1000000xf32, #tpu.memory_space<hbm>> -> memref<16x128xf32, #tpu.memory_space<hbm>>
    %dma_start3A_241 = tpu.memref_slice %arg13[%dma_start3A_231] : memref<2x!tpu.dma_semaphore, #tpu.memory_space<semaphore_mem>> -> memref<1x!tpu.dma_semaphore, #tpu.memory_space<semaphore_mem>>
    %dma_start3A_242 = tpu.memref_squeeze %dma_start3A_241 : memref<1x!tpu.dma_semaphore, #tpu.memory_space<semaphore_mem>> -> memref<!tpu.dma_semaphore, #tpu.memory_space<semaphore_mem>>
    %dma_start3A_243 = arith.constant 0 : i32
    %dma_start3A_244 = arith.constant 0 : i32
    %dma_start3A_245 = tpu.memref_slice %arg10[%dma_start3A_230, %dma_start3A_243, %dma_start3A_244] : memref<2x16x1024xf32, #tpu.memory_space<vmem>> -> memref<1x16x1024xf32, #tpu.memory_space<vmem>>
    %dma_start3A_246 = tpu.memref_squeeze %dma_start3A_245 : memref<1x16x1024xf32, #tpu.memory_space<vmem>> -> memref<16x1024xf32, #tpu.memory_space<vmem>>
    %dma_start3A_247 = arith.constant 0 : i32
    %dma_start3A_248 = arith.constant 384 : i32
    %dma_start3A_249 = tpu.memref_slice %dma_start3A_246[%dma_start3A_247, %dma_start3A_248] : memref<16x1024xf32, #tpu.memory_space<vmem>> -> memref<16x128xf32, #tpu.memory_space<vmem>>
    %dma_start3A_250 = arith.constant 0 : i32
    %dma_start3A_251 = tpu.memref_slice %arg5[%dma_start3A_250, %multiple_of3A_207] : memref<16x1000000xf32, #tpu.memory_space<hbm>> -> memref<16x128xf32, #tpu.memory_space<hbm>>
    tpu.enqueue_dma source(%dma_start3A_251 : memref<16x128xf32, #tpu.memory_space<hbm>>) target(%dma_start3A_249 : memref<16x128xf32, #tpu.memory_space<vmem>>) target_semaphore(%dma_start3A_242 : memref<!tpu.dma_semaphore, #tpu.memory_space<semaphore_mem>>)
    %slice3A_252 = vector.extract_strided_slice %mul3A_49 {offsets = [4], sizes = [1], strides = [1]} : vector<16xi32> to vector<1xi32>
    %squeeze3A_253 = vector.extract %slice3A_252[0] : i32 from vector<1xi32>
    %multiple_of3A_254 = tpu.assume_multiple %squeeze3A_253, 128 : i32
    %slice3A_255 = vector.extract_strided_slice %mul3A_55 {offsets = [4], sizes = [1], strides = [1]} : vector<16xi32> to vector<1xi32>
    %squeeze3A_256 = vector.extract %slice3A_255[0] : i32 from vector<1xi32>
    %multiple_of3A_257 = tpu.assume_multiple %squeeze3A_256, 128 : i32
    %dma_start3A_258 = arith.constant 0 : i32
    %dma_start3A_259 = arith.constant 0 : i32
    %dma_start3A_260 = arith.constant 0 : i32
    %dma_start3A_261 = arith.constant 0 : i32
    %dma_start3A_262 = tpu.memref_slice %arg9[%dma_start3A_258, %dma_start3A_260, %dma_start3A_261] : memref<2x16x1024xf32, #tpu.memory_space<vmem>> -> memref<1x16x1024xf32, #tpu.memory_space<vmem>>
    %dma_start3A_263 = tpu.memref_squeeze %dma_start3A_262 : memref<1x16x1024xf32, #tpu.memory_space<vmem>> -> memref<16x1024xf32, #tpu.memory_space<vmem>>
    %dma_start3A_264 = arith.constant 0 : i32
    %dma_start3A_265 = arith.constant 512 : i32
    %dma_start3A_266 = tpu.memref_slice %dma_start3A_263[%dma_start3A_264, %dma_start3A_265] : memref<16x1024xf32, #tpu.memory_space<vmem>> -> memref<16x128xf32, #tpu.memory_space<vmem>>
    %dma_start3A_267 = arith.constant 0 : i32
    %dma_start3A_268 = tpu.memref_slice %arg4[%dma_start3A_267, %multiple_of3A_254] : memref<16x1000000xf32, #tpu.memory_space<hbm>> -> memref<16x128xf32, #tpu.memory_space<hbm>>
    %dma_start3A_269 = tpu.memref_slice %arg12[%dma_start3A_259] : memref<2x!tpu.dma_semaphore, #tpu.memory_space<semaphore_mem>> -> memref<1x!tpu.dma_semaphore, #tpu.memory_space<semaphore_mem>>
    %dma_start3A_270 = tpu.memref_squeeze %dma_start3A_269 : memref<1x!tpu.dma_semaphore, #tpu.memory_space<semaphore_mem>> -> memref<!tpu.dma_semaphore, #tpu.memory_space<semaphore_mem>>
    %dma_start3A_271 = arith.constant 0 : i32
    %dma_start3A_272 = arith.constant 0 : i32
    %dma_start3A_273 = tpu.memref_slice %arg9[%dma_start3A_258, %dma_start3A_271, %dma_start3A_272] : memref<2x16x1024xf32, #tpu.memory_space<vmem>> -> memref<1x16x1024xf32, #tpu.memory_space<vmem>>
    %dma_start3A_274 = tpu.memref_squeeze %dma_start3A_273 : memref<1x16x1024xf32, #tpu.memory_space<vmem>> -> memref<16x1024xf32, #tpu.memory_space<vmem>>
    %dma_start3A_275 = arith.constant 0 : i32
    %dma_start3A_276 = arith.constant 512 : i32
    %dma_start3A_277 = tpu.memref_slice %dma_start3A_274[%dma_start3A_275, %dma_start3A_276] : memref<16x1024xf32, #tpu.memory_space<vmem>> -> memref<16x128xf32, #tpu.memory_space<vmem>>
    %dma_start3A_278 = arith.constant 0 : i32
    %dma_start3A_279 = tpu.memref_slice %arg4[%dma_start3A_278, %multiple_of3A_254] : memref<16x1000000xf32, #tpu.memory_space<hbm>> -> memref<16x128xf32, #tpu.memory_space<hbm>>
    tpu.enqueue_dma source(%dma_start3A_279 : memref<16x128xf32, #tpu.memory_space<hbm>>) target(%dma_start3A_277 : memref<16x128xf32, #tpu.memory_space<vmem>>) target_semaphore(%dma_start3A_270 : memref<!tpu.dma_semaphore, #tpu.memory_space<semaphore_mem>>)
    %dma_start3A_280 = arith.constant 0 : i32
    %dma_start3A_281 = arith.constant 0 : i32
    %dma_start3A_282 = arith.constant 0 : i32
    %dma_start3A_283 = arith.constant 0 : i32
    %dma_start3A_284 = tpu.memref_slice %arg10[%dma_start3A_280, %dma_start3A_282, %dma_start3A_283] : memref<2x16x1024xf32, #tpu.memory_space<vmem>> -> memref<1x16x1024xf32, #tpu.memory_space<vmem>>
    %dma_start3A_285 = tpu.memref_squeeze %dma_start3A_284 : memref<1x16x1024xf32, #tpu.memory_space<vmem>> -> memref<16x1024xf32, #tpu.memory_space<vmem>>
    %dma_start3A_286 = arith.constant 0 : i32
    %dma_start3A_287 = arith.constant 512 : i32
    %dma_start3A_288 = tpu.memref_slice %dma_start3A_285[%dma_start3A_286, %dma_start3A_287] : memref<16x1024xf32, #tpu.memory_space<vmem>> -> memref<16x128xf32, #tpu.memory_space<vmem>>
    %dma_start3A_289 = arith.constant 0 : i32
    %dma_start3A_290 = tpu.memref_slice %arg5[%dma_start3A_289, %multiple_of3A_257] : memref<16x1000000xf32, #tpu.memory_space<hbm>> -> memref<16x128xf32, #tpu.memory_space<hbm>>
    %dma_start3A_291 = tpu.memref_slice %arg13[%dma_start3A_281] : memref<2x!tpu.dma_semaphore, #tpu.memory_space<semaphore_mem>> -> memref<1x!tpu.dma_semaphore, #tpu.memory_space<semaphore_mem>>
    %dma_start3A_292 = tpu.memref_squeeze %dma_start3A_291 : memref<1x!tpu.dma_semaphore, #tpu.memory_space<semaphore_mem>> -> memref<!tpu.dma_semaphore, #tpu.memory_space<semaphore_mem>>
    %dma_start3A_293 = arith.constant 0 : i32
    %dma_start3A_294 = arith.constant 0 : i32
    %dma_start3A_295 = tpu.memref_slice %arg10[%dma_start3A_280, %dma_start3A_293, %dma_start3A_294] : memref<2x16x1024xf32, #tpu.memory_space<vmem>> -> memref<1x16x1024xf32, #tpu.memory_space<vmem>>
    %dma_start3A_296 = tpu.memref_squeeze %dma_start3A_295 : memref<1x16x1024xf32, #tpu.memory_space<vmem>> -> memref<16x1024xf32, #tpu.memory_space<vmem>>
    %dma_start3A_297 = arith.constant 0 : i32
    %dma_start3A_298 = arith.constant 512 : i32
    %dma_start3A_299 = tpu.memref_slice %dma_start3A_296[%dma_start3A_297, %dma_start3A_298] : memref<16x1024xf32, #tpu.memory_space<vmem>> -> memref<16x128xf32, #tpu.memory_space<vmem>>
    %dma_start3A_300 = arith.constant 0 : i32
    %dma_start3A_301 = tpu.memref_slice %arg5[%dma_start3A_300, %multiple_of3A_257] : memref<16x1000000xf32, #tpu.memory_space<hbm>> -> memref<16x128xf32, #tpu.memory_space<hbm>>
    tpu.enqueue_dma source(%dma_start3A_301 : memref<16x128xf32, #tpu.memory_space<hbm>>) target(%dma_start3A_299 : memref<16x128xf32, #tpu.memory_space<vmem>>) target_semaphore(%dma_start3A_292 : memref<!tpu.dma_semaphore, #tpu.memory_space<semaphore_mem>>)
    %slice3A_302 = vector.extract_strided_slice %mul3A_49 {offsets = [5], sizes = [1], strides = [1]} : vector<16xi32> to vector<1xi32>
    %squeeze3A_303 = vector.extract %slice3A_302[0] : i32 from vector<1xi32>
    %multiple_of3A_304 = tpu.assume_multiple %squeeze3A_303, 128 : i32
    %slice3A_305 = vector.extract_strided_slice %mul3A_55 {offsets = [5], sizes = [1], strides = [1]} : vector<16xi32> to vector<1xi32>
    %squeeze3A_306 = vector.extract %slice3A_305[0] : i32 from vector<1xi32>
    %multiple_of3A_307 = tpu.assume_multiple %squeeze3A_306, 128 : i32
    %dma_start3A_308 = arith.constant 0 : i32
    %dma_start3A_309 = arith.constant 0 : i32
    %dma_start3A_310 = arith.constant 0 : i32
    %dma_start3A_311 = arith.constant 0 : i32
    %dma_start3A_312 = tpu.memref_slice %arg9[%dma_start3A_308, %dma_start3A_310, %dma_start3A_311] : memref<2x16x1024xf32, #tpu.memory_space<vmem>> -> memref<1x16x1024xf32, #tpu.memory_space<vmem>>
    %dma_start3A_313 = tpu.memref_squeeze %dma_start3A_312 : memref<1x16x1024xf32, #tpu.memory_space<vmem>> -> memref<16x1024xf32, #tpu.memory_space<vmem>>
    %dma_start3A_314 = arith.constant 0 : i32
    %dma_start3A_315 = arith.constant 640 : i32
    %dma_start3A_316 = tpu.memref_slice %dma_start3A_313[%dma_start3A_314, %dma_start3A_315] : memref<16x1024xf32, #tpu.memory_space<vmem>> -> memref<16x128xf32, #tpu.memory_space<vmem>>
    %dma_start3A_317 = arith.constant 0 : i32
    %dma_start3A_318 = tpu.memref_slice %arg4[%dma_start3A_317, %multiple_of3A_304] : memref<16x1000000xf32, #tpu.memory_space<hbm>> -> memref<16x128xf32, #tpu.memory_space<hbm>>
    %dma_start3A_319 = tpu.memref_slice %arg12[%dma_start3A_309] : memref<2x!tpu.dma_semaphore, #tpu.memory_space<semaphore_mem>> -> memref<1x!tpu.dma_semaphore, #tpu.memory_space<semaphore_mem>>
    %dma_start3A_320 = tpu.memref_squeeze %dma_start3A_319 : memref<1x!tpu.dma_semaphore, #tpu.memory_space<semaphore_mem>> -> memref<!tpu.dma_semaphore, #tpu.memory_space<semaphore_mem>>
    %dma_start3A_321 = arith.constant 0 : i32
    %dma_start3A_322 = arith.constant 0 : i32
    %dma_start3A_323 = tpu.memref_slice %arg9[%dma_start3A_308, %dma_start3A_321, %dma_start3A_322] : memref<2x16x1024xf32, #tpu.memory_space<vmem>> -> memref<1x16x1024xf32, #tpu.memory_space<vmem>>
    %dma_start3A_324 = tpu.memref_squeeze %dma_start3A_323 : memref<1x16x1024xf32, #tpu.memory_space<vmem>> -> memref<16x1024xf32, #tpu.memory_space<vmem>>
    %dma_start3A_325 = arith.constant 0 : i32
    %dma_start3A_326 = arith.constant 640 : i32
    %dma_start3A_327 = tpu.memref_slice %dma_start3A_324[%dma_start3A_325, %dma_start3A_326] : memref<16x1024xf32, #tpu.memory_space<vmem>> -> memref<16x128xf32, #tpu.memory_space<vmem>>
    %dma_start3A_328 = arith.constant 0 : i32
    %dma_start3A_329 = tpu.memref_slice %arg4[%dma_start3A_328, %multiple_of3A_304] : memref<16x1000000xf32, #tpu.memory_space<hbm>> -> memref<16x128xf32, #tpu.memory_space<hbm>>
    tpu.enqueue_dma source(%dma_start3A_329 : memref<16x128xf32, #tpu.memory_space<hbm>>) target(%dma_start3A_327 : memref<16x128xf32, #tpu.memory_space<vmem>>) target_semaphore(%dma_start3A_320 : memref<!tpu.dma_semaphore, #tpu.memory_space<semaphore_mem>>)
    %dma_start3A_330 = arith.constant 0 : i32
    %dma_start3A_331 = arith.constant 0 : i32
    %dma_start3A_332 = arith.constant 0 : i32
    %dma_start3A_333 = arith.constant 0 : i32
    %dma_start3A_334 = tpu.memref_slice %arg10[%dma_start3A_330, %dma_start3A_332, %dma_start3A_333] : memref<2x16x1024xf32, #tpu.memory_space<vmem>> -> memref<1x16x1024xf32, #tpu.memory_space<vmem>>
    %dma_start3A_335 = tpu.memref_squeeze %dma_start3A_334 : memref<1x16x1024xf32, #tpu.memory_space<vmem>> -> memref<16x1024xf32, #tpu.memory_space<vmem>>
    %dma_start3A_336 = arith.constant 0 : i32
    %dma_start3A_337 = arith.constant 640 : i32
    %dma_start3A_338 = tpu.memref_slice %dma_start3A_335[%dma_start3A_336, %dma_start3A_337] : memref<16x1024xf32, #tpu.memory_space<vmem>> -> memref<16x128xf32, #tpu.memory_space<vmem>>
    %dma_start3A_339 = arith.constant 0 : i32
    %dma_start3A_340 = tpu.memref_slice %arg5[%dma_start3A_339, %multiple_of3A_307] : memref<16x1000000xf32, #tpu.memory_space<hbm>> -> memref<16x128xf32, #tpu.memory_space<hbm>>
    %dma_start3A_341 = tpu.memref_slice %arg13[%dma_start3A_331] : memref<2x!tpu.dma_semaphore, #tpu.memory_space<semaphore_mem>> -> memref<1x!tpu.dma_semaphore, #tpu.memory_space<semaphore_mem>>
    %dma_start3A_342 = tpu.memref_squeeze %dma_start3A_341 : memref<1x!tpu.dma_semaphore, #tpu.memory_space<semaphore_mem>> -> memref<!tpu.dma_semaphore, #tpu.memory_space<semaphore_mem>>
    %dma_start3A_343 = arith.constant 0 : i32
    %dma_start3A_344 = arith.constant 0 : i32
    %dma_start3A_345 = tpu.memref_slice %arg10[%dma_start3A_330, %dma_start3A_343, %dma_start3A_344] : memref<2x16x1024xf32, #tpu.memory_space<vmem>> -> memref<1x16x1024xf32, #tpu.memory_space<vmem>>
    %dma_start3A_346 = tpu.memref_squeeze %dma_start3A_345 : memref<1x16x1024xf32, #tpu.memory_space<vmem>> -> memref<16x1024xf32, #tpu.memory_space<vmem>>
    %dma_start3A_347 = arith.constant 0 : i32
    %dma_start3A_348 = arith.constant 640 : i32
    %dma_start3A_349 = tpu.memref_slice %dma_start3A_346[%dma_start3A_347, %dma_start3A_348] : memref<16x1024xf32, #tpu.memory_space<vmem>> -> memref<16x128xf32, #tpu.memory_space<vmem>>
    %dma_start3A_350 = arith.constant 0 : i32
    %dma_start3A_351 = tpu.memref_slice %arg5[%dma_start3A_350, %multiple_of3A_307] : memref<16x1000000xf32, #tpu.memory_space<hbm>> -> memref<16x128xf32, #tpu.memory_space<hbm>>
    tpu.enqueue_dma source(%dma_start3A_351 : memref<16x128xf32, #tpu.memory_space<hbm>>) target(%dma_start3A_349 : memref<16x128xf32, #tpu.memory_space<vmem>>) target_semaphore(%dma_start3A_342 : memref<!tpu.dma_semaphore, #tpu.memory_space<semaphore_mem>>)
    %slice3A_352 = vector.extract_strided_slice %mul3A_49 {offsets = [6], sizes = [1], strides = [1]} : vector<16xi32> to vector<1xi32>
    %squeeze3A_353 = vector.extract %slice3A_352[0] : i32 from vector<1xi32>
    %multiple_of3A_354 = tpu.assume_multiple %squeeze3A_353, 128 : i32
    %slice3A_355 = vector.extract_strided_slice %mul3A_55 {offsets = [6], sizes = [1], strides = [1]} : vector<16xi32> to vector<1xi32>
    %squeeze3A_356 = vector.extract %slice3A_355[0] : i32 from vector<1xi32>
    %multiple_of3A_357 = tpu.assume_multiple %squeeze3A_356, 128 : i32
    %dma_start3A_358 = arith.constant 0 : i32
    %dma_start3A_359 = arith.constant 0 : i32
    %dma_start3A_360 = arith.constant 0 : i32
    %dma_start3A_361 = arith.constant 0 : i32
    %dma_start3A_362 = tpu.memref_slice %arg9[%dma_start3A_358, %dma_start3A_360, %dma_start3A_361] : memref<2x16x1024xf32, #tpu.memory_space<vmem>> -> memref<1x16x1024xf32, #tpu.memory_space<vmem>>
    %dma_start3A_363 = tpu.memref_squeeze %dma_start3A_362 : memref<1x16x1024xf32, #tpu.memory_space<vmem>> -> memref<16x1024xf32, #tpu.memory_space<vmem>>
    %dma_start3A_364 = arith.constant 0 : i32
    %dma_start3A_365 = arith.constant 768 : i32
    %dma_start3A_366 = tpu.memref_slice %dma_start3A_363[%dma_start3A_364, %dma_start3A_365] : memref<16x1024xf32, #tpu.memory_space<vmem>> -> memref<16x128xf32, #tpu.memory_space<vmem>>
    %dma_start3A_367 = arith.constant 0 : i32
    %dma_start3A_368 = tpu.memref_slice %arg4[%dma_start3A_367, %multiple_of3A_354] : memref<16x1000000xf32, #tpu.memory_space<hbm>> -> memref<16x128xf32, #tpu.memory_space<hbm>>
    %dma_start3A_369 = tpu.memref_slice %arg12[%dma_start3A_359] : memref<2x!tpu.dma_semaphore, #tpu.memory_space<semaphore_mem>> -> memref<1x!tpu.dma_semaphore, #tpu.memory_space<semaphore_mem>>
    %dma_start3A_370 = tpu.memref_squeeze %dma_start3A_369 : memref<1x!tpu.dma_semaphore, #tpu.memory_space<semaphore_mem>> -> memref<!tpu.dma_semaphore, #tpu.memory_space<semaphore_mem>>
    %dma_start3A_371 = arith.constant 0 : i32
    %dma_start3A_372 = arith.constant 0 : i32
    %dma_start3A_373 = tpu.memref_slice %arg9[%dma_start3A_358, %dma_start3A_371, %dma_start3A_372] : memref<2x16x1024xf32, #tpu.memory_space<vmem>> -> memref<1x16x1024xf32, #tpu.memory_space<vmem>>
    %dma_start3A_374 = tpu.memref_squeeze %dma_start3A_373 : memref<1x16x1024xf32, #tpu.memory_space<vmem>> -> memref<16x1024xf32, #tpu.memory_space<vmem>>
    %dma_start3A_375 = arith.constant 0 : i32
    %dma_start3A_376 = arith.constant 768 : i32
    %dma_start3A_377 = tpu.memref_slice %dma_start3A_374[%dma_start3A_375, %dma_start3A_376] : memref<16x1024xf32, #tpu.memory_space<vmem>> -> memref<16x128xf32, #tpu.memory_space<vmem>>
    %dma_start3A_378 = arith.constant 0 : i32
    %dma_start3A_379 = tpu.memref_slice %arg4[%dma_start3A_378, %multiple_of3A_354] : memref<16x1000000xf32, #tpu.memory_space<hbm>> -> memref<16x128xf32, #tpu.memory_space<hbm>>
    tpu.enqueue_dma source(%dma_start3A_379 : memref<16x128xf32, #tpu.memory_space<hbm>>) target(%dma_start3A_377 : memref<16x128xf32, #tpu.memory_space<vmem>>) target_semaphore(%dma_start3A_370 : memref<!tpu.dma_semaphore, #tpu.memory_space<semaphore_mem>>)
    %dma_start3A_380 = arith.constant 0 : i32
    %dma_start3A_381 = arith.constant 0 : i32
    %dma_start3A_382 = arith.constant 0 : i32
    %dma_start3A_383 = arith.constant 0 : i32
    %dma_start3A_384 = tpu.memref_slice %arg10[%dma_start3A_380, %dma_start3A_382, %dma_start3A_383] : memref<2x16x1024xf32, #tpu.memory_space<vmem>> -> memref<1x16x1024xf32, #tpu.memory_space<vmem>>
    %dma_start3A_385 = tpu.memref_squeeze %dma_start3A_384 : memref<1x16x1024xf32, #tpu.memory_space<vmem>> -> memref<16x1024xf32, #tpu.memory_space<vmem>>
    %dma_start3A_386 = arith.constant 0 : i32
    %dma_start3A_387 = arith.constant 768 : i32
    %dma_start3A_388 = tpu.memref_slice %dma_start3A_385[%dma_start3A_386, %dma_start3A_387] : memref<16x1024xf32, #tpu.memory_space<vmem>> -> memref<16x128xf32, #tpu.memory_space<vmem>>
    %dma_start3A_389 = arith.constant 0 : i32
    %dma_start3A_390 = tpu.memref_slice %arg5[%dma_start3A_389, %multiple_of3A_357] : memref<16x1000000xf32, #tpu.memory_space<hbm>> -> memref<16x128xf32, #tpu.memory_space<hbm>>
    %dma_start3A_391 = tpu.memref_slice %arg13[%dma_start3A_381] : memref<2x!tpu.dma_semaphore, #tpu.memory_space<semaphore_mem>> -> memref<1x!tpu.dma_semaphore, #tpu.memory_space<semaphore_mem>>
    %dma_start3A_392 = tpu.memref_squeeze %dma_start3A_391 : memref<1x!tpu.dma_semaphore, #tpu.memory_space<semaphore_mem>> -> memref<!tpu.dma_semaphore, #tpu.memory_space<semaphore_mem>>
    %dma_start3A_393 = arith.constant 0 : i32
    %dma_start3A_394 = arith.constant 0 : i32
    %dma_start3A_395 = tpu.memref_slice %arg10[%dma_start3A_380, %dma_start3A_393, %dma_start3A_394] : memref<2x16x1024xf32, #tpu.memory_space<vmem>> -> memref<1x16x1024xf32, #tpu.memory_space<vmem>>
    %dma_start3A_396 = tpu.memref_squeeze %dma_start3A_395 : memref<1x16x1024xf32, #tpu.memory_space<vmem>> -> memref<16x1024xf32, #tpu.memory_space<vmem>>
    %dma_start3A_397 = arith.constant 0 : i32
    %dma_start3A_398 = arith.constant 768 : i32
    %dma_start3A_399 = tpu.memref_slice %dma_start3A_396[%dma_start3A_397, %dma_start3A_398] : memref<16x1024xf32, #tpu.memory_space<vmem>> -> memref<16x128xf32, #tpu.memory_space<vmem>>
    %dma_start3A_400 = arith.constant 0 : i32
    %dma_start3A_401 = tpu.memref_slice %arg5[%dma_start3A_400, %multiple_of3A_357] : memref<16x1000000xf32, #tpu.memory_space<hbm>> -> memref<16x128xf32, #tpu.memory_space<hbm>>
    tpu.enqueue_dma source(%dma_start3A_401 : memref<16x128xf32, #tpu.memory_space<hbm>>) target(%dma_start3A_399 : memref<16x128xf32, #tpu.memory_space<vmem>>) target_semaphore(%dma_start3A_392 : memref<!tpu.dma_semaphore, #tpu.memory_space<semaphore_mem>>)
    %slice3A_402 = vector.extract_strided_slice %mul3A_49 {offsets = [7], sizes = [1], strides = [1]} : vector<16xi32> to vector<1xi32>
    %squeeze3A_403 = vector.extract %slice3A_402[0] : i32 from vector<1xi32>
    %multiple_of3A_404 = tpu.assume_multiple %squeeze3A_403, 128 : i32
    %slice3A_405 = vector.extract_strided_slice %mul3A_55 {offsets = [7], sizes = [1], strides = [1]} : vector<16xi32> to vector<1xi32>
    %squeeze3A_406 = vector.extract %slice3A_405[0] : i32 from vector<1xi32>
    %multiple_of3A_407 = tpu.assume_multiple %squeeze3A_406, 128 : i32
    %dma_start3A_408 = arith.constant 0 : i32
    %dma_start3A_409 = arith.constant 0 : i32
    %dma_start3A_410 = arith.constant 0 : i32
    %dma_start3A_411 = arith.constant 0 : i32
    %dma_start3A_412 = tpu.memref_slice %arg9[%dma_start3A_408, %dma_start3A_410, %dma_start3A_411] : memref<2x16x1024xf32, #tpu.memory_space<vmem>> -> memref<1x16x1024xf32, #tpu.memory_space<vmem>>
    %dma_start3A_413 = tpu.memref_squeeze %dma_start3A_412 : memref<1x16x1024xf32, #tpu.memory_space<vmem>> -> memref<16x1024xf32, #tpu.memory_space<vmem>>
    %dma_start3A_414 = arith.constant 0 : i32
    %dma_start3A_415 = arith.constant 896 : i32
    %dma_start3A_416 = tpu.memref_slice %dma_start3A_413[%dma_start3A_414, %dma_start3A_415] : memref<16x1024xf32, #tpu.memory_space<vmem>> -> memref<16x128xf32, #tpu.memory_space<vmem>>
    %dma_start3A_417 = arith.constant 0 : i32
    %dma_start3A_418 = tpu.memref_slice %arg4[%dma_start3A_417, %multiple_of3A_404] : memref<16x1000000xf32, #tpu.memory_space<hbm>> -> memref<16x128xf32, #tpu.memory_space<hbm>>
    %dma_start3A_419 = tpu.memref_slice %arg12[%dma_start3A_409] : memref<2x!tpu.dma_semaphore, #tpu.memory_space<semaphore_mem>> -> memref<1x!tpu.dma_semaphore, #tpu.memory_space<semaphore_mem>>
    %dma_start3A_420 = tpu.memref_squeeze %dma_start3A_419 : memref<1x!tpu.dma_semaphore, #tpu.memory_space<semaphore_mem>> -> memref<!tpu.dma_semaphore, #tpu.memory_space<semaphore_mem>>
    %dma_start3A_421 = arith.constant 0 : i32
    %dma_start3A_422 = arith.constant 0 : i32
    %dma_start3A_423 = tpu.memref_slice %arg9[%dma_start3A_408, %dma_start3A_421, %dma_start3A_422] : memref<2x16x1024xf32, #tpu.memory_space<vmem>> -> memref<1x16x1024xf32, #tpu.memory_space<vmem>>
    %dma_start3A_424 = tpu.memref_squeeze %dma_start3A_423 : memref<1x16x1024xf32, #tpu.memory_space<vmem>> -> memref<16x1024xf32, #tpu.memory_space<vmem>>
    %dma_start3A_425 = arith.constant 0 : i32
    %dma_start3A_426 = arith.constant 896 : i32
    %dma_start3A_427 = tpu.memref_slice %dma_start3A_424[%dma_start3A_425, %dma_start3A_426] : memref<16x1024xf32, #tpu.memory_space<vmem>> -> memref<16x128xf32, #tpu.memory_space<vmem>>
    %dma_start3A_428 = arith.constant 0 : i32
    %dma_start3A_429 = tpu.memref_slice %arg4[%dma_start3A_428, %multiple_of3A_404] : memref<16x1000000xf32, #tpu.memory_space<hbm>> -> memref<16x128xf32, #tpu.memory_space<hbm>>
    tpu.enqueue_dma source(%dma_start3A_429 : memref<16x128xf32, #tpu.memory_space<hbm>>) target(%dma_start3A_427 : memref<16x128xf32, #tpu.memory_space<vmem>>) target_semaphore(%dma_start3A_420 : memref<!tpu.dma_semaphore, #tpu.memory_space<semaphore_mem>>)
    %dma_start3A_430 = arith.constant 0 : i32
    %dma_start3A_431 = arith.constant 0 : i32
    %dma_start3A_432 = arith.constant 0 : i32
    %dma_start3A_433 = arith.constant 0 : i32
    %dma_start3A_434 = tpu.memref_slice %arg10[%dma_start3A_430, %dma_start3A_432, %dma_start3A_433] : memref<2x16x1024xf32, #tpu.memory_space<vmem>> -> memref<1x16x1024xf32, #tpu.memory_space<vmem>>
    %dma_start3A_435 = tpu.memref_squeeze %dma_start3A_434 : memref<1x16x1024xf32, #tpu.memory_space<vmem>> -> memref<16x1024xf32, #tpu.memory_space<vmem>>
    %dma_start3A_436 = arith.constant 0 : i32
    %dma_start3A_437 = arith.constant 896 : i32
    %dma_start3A_438 = tpu.memref_slice %dma_start3A_435[%dma_start3A_436, %dma_start3A_437] : memref<16x1024xf32, #tpu.memory_space<vmem>> -> memref<16x128xf32, #tpu.memory_space<vmem>>
    %dma_start3A_439 = arith.constant 0 : i32
    %dma_start3A_440 = tpu.memref_slice %arg5[%dma_start3A_439, %multiple_of3A_407] : memref<16x1000000xf32, #tpu.memory_space<hbm>> -> memref<16x128xf32, #tpu.memory_space<hbm>>
    %dma_start3A_441 = tpu.memref_slice %arg13[%dma_start3A_431] : memref<2x!tpu.dma_semaphore, #tpu.memory_space<semaphore_mem>> -> memref<1x!tpu.dma_semaphore, #tpu.memory_space<semaphore_mem>>
    %dma_start3A_442 = tpu.memref_squeeze %dma_start3A_441 : memref<1x!tpu.dma_semaphore, #tpu.memory_space<semaphore_mem>> -> memref<!tpu.dma_semaphore, #tpu.memory_space<semaphore_mem>>
    %dma_start3A_443 = arith.constant 0 : i32
    %dma_start3A_444 = arith.constant 0 : i32
    %dma_start3A_445 = tpu.memref_slice %arg10[%dma_start3A_430, %dma_start3A_443, %dma_start3A_444] : memref<2x16x1024xf32, #tpu.memory_space<vmem>> -> memref<1x16x1024xf32, #tpu.memory_space<vmem>>
    %dma_start3A_446 = tpu.memref_squeeze %dma_start3A_445 : memref<1x16x1024xf32, #tpu.memory_space<vmem>> -> memref<16x1024xf32, #tpu.memory_space<vmem>>
    %dma_start3A_447 = arith.constant 0 : i32
    %dma_start3A_448 = arith.constant 896 : i32
    %dma_start3A_449 = tpu.memref_slice %dma_start3A_446[%dma_start3A_447, %dma_start3A_448] : memref<16x1024xf32, #tpu.memory_space<vmem>> -> memref<16x128xf32, #tpu.memory_space<vmem>>
    %dma_start3A_450 = arith.constant 0 : i32
    %dma_start3A_451 = tpu.memref_slice %arg5[%dma_start3A_450, %multiple_of3A_407] : memref<16x1000000xf32, #tpu.memory_space<hbm>> -> memref<16x128xf32, #tpu.memory_space<hbm>>
    tpu.enqueue_dma source(%dma_start3A_451 : memref<16x128xf32, #tpu.memory_space<hbm>>) target(%dma_start3A_449 : memref<16x128xf32, #tpu.memory_space<vmem>>) target_semaphore(%dma_start3A_442 : memref<!tpu.dma_semaphore, #tpu.memory_space<semaphore_mem>>)
    %scan3A = arith.constant 0 : i32
    %scan3A_452 = arith.constant 32 : i32
    %scan3A_453 = arith.addi %scan3A, %scan3A_452 : i32
    %scan3A_454 = arith.constant 1 : i32
    scf.for %scan3A_456 = %scan3A to %scan3A_453 step %scan3A_454  : i32 {
      %mul3A_457 = arith.constant 1 : i32
      %mul3A_458 = arith.muli %scan3A_456, %mul3A_457 : i32
      %add3A_459 = arith.constant 0 : i32
      %add3A_460 = arith.addi %add3A_459, %mul3A_458 : i32
      %mul3A_461 = arith.constant 16 : i32
      %mul3A_462 = arith.muli %add3A_460, %mul3A_461 : i32
      %get3A_463 = arith.index_cast %mul3A_462 : i32 to index
      %get3A_464 = tpu.vector_load %arg7[%get3A_463] {strides = array<i32>} : memref<512xi32, #tpu.memory_space<vmem>>, vector<16xi32>,
      %get3A_465 = arith.index_cast %mul3A_462 : i32 to index
      %get3A_466 = tpu.vector_load %arg8[%get3A_465] {strides = array<i32>} : memref<512xi32, #tpu.memory_space<vmem>>, vector<16xi32>,
      %shift_right_logical3A_467 = arith.constant 7 : i32
      %shift_right_logical3A_468 = vector.broadcast %shift_right_logical3A_467 : i32 to vector<16xi32>
      %shift_right_logical3A_469 = arith.shrui %get3A_464, %shift_right_logical3A_468 : vector<16xi32>
      %mul3A_470 = arith.constant 128 : i32
      %mul3A_471 = vector.broadcast %mul3A_470 : i32 to vector<16xi32>
      %mul3A_472 = arith.muli %shift_right_logical3A_469, %mul3A_471 : vector<16xi32>
      %shift_right_logical3A_473 = arith.constant 7 : i32
      %shift_right_logical3A_474 = vector.broadcast %shift_right_logical3A_473 : i32 to vector<16xi32>
      %shift_right_logical3A_475 = arith.shrui %get3A_466, %shift_right_logical3A_474 : vector<16xi32>
      %mul3A_476 = arith.constant 128 : i32
      %mul3A_477 = vector.broadcast %mul3A_476 : i32 to vector<16xi32>
      %mul3A_478 = arith.muli %shift_right_logical3A_475, %mul3A_477 : vector<16xi32>
      %slice3A_479 = vector.extract_strided_slice %mul3A_472 {offsets = [8], sizes = [1], strides = [1]} : vector<16xi32> to vector<1xi32>
      %squeeze3A_480 = vector.extract %slice3A_479[0] : i32 from vector<1xi32>
      %multiple_of3A_481 = tpu.assume_multiple %squeeze3A_480, 128 : i32
      %slice3A_482 = vector.extract_strided_slice %mul3A_478 {offsets = [8], sizes = [1], strides = [1]} : vector<16xi32> to vector<1xi32>
      %squeeze3A_483 = vector.extract %slice3A_482[0] : i32 from vector<1xi32>
      %multiple_of3A_484 = tpu.assume_multiple %squeeze3A_483, 128 : i32
      %dma_start3A_485 = arith.constant 1 : i32
      %dma_start3A_486 = arith.constant 1 : i32
      %dma_start3A_487 = arith.constant 0 : i32
      %dma_start3A_488 = arith.constant 0 : i32
      %dma_start3A_489 = tpu.memref_slice %arg9[%dma_start3A_485, %dma_start3A_487, %dma_start3A_488] : memref<2x16x1024xf32, #tpu.memory_space<vmem>> -> memref<1x16x1024xf32, #tpu.memory_space<vmem>>
      %dma_start3A_490 = tpu.memref_squeeze %dma_start3A_489 : memref<1x16x1024xf32, #tpu.memory_space<vmem>> -> memref<16x1024xf32, #tpu.memory_space<vmem>>
      %dma_start3A_491 = arith.constant 0 : i32
      %dma_start3A_492 = arith.constant 0 : i32
      %dma_start3A_493 = tpu.memref_slice %dma_start3A_490[%dma_start3A_491, %dma_start3A_492] : memref<16x1024xf32, #tpu.memory_space<vmem>> -> memref<16x128xf32, #tpu.memory_space<vmem>>
      %dma_start3A_494 = arith.constant 0 : i32
      %dma_start3A_495 = tpu.memref_slice %arg4[%dma_start3A_494, %multiple_of3A_481] : memref<16x1000000xf32, #tpu.memory_space<hbm>> -> memref<16x128xf32, #tpu.memory_space<hbm>>
      %dma_start3A_496 = tpu.memref_slice %arg12[%dma_start3A_486] : memref<2x!tpu.dma_semaphore, #tpu.memory_space<semaphore_mem>> -> memref<1x!tpu.dma_semaphore, #tpu.memory_space<semaphore_mem>>
      %dma_start3A_497 = tpu.memref_squeeze %dma_start3A_496 : memref<1x!tpu.dma_semaphore, #tpu.memory_space<semaphore_mem>> -> memref<!tpu.dma_semaphore, #tpu.memory_space<semaphore_mem>>
      %dma_start3A_498 = arith.constant 0 : i32
      %dma_start3A_499 = arith.constant 0 : i32
      %dma_start3A_500 = tpu.memref_slice %arg9[%dma_start3A_485, %dma_start3A_498, %dma_start3A_499] : memref<2x16x1024xf32, #tpu.memory_space<vmem>> -> memref<1x16x1024xf32, #tpu.memory_space<vmem>>
      %dma_start3A_501 = tpu.memref_squeeze %dma_start3A_500 : memref<1x16x1024xf32, #tpu.memory_space<vmem>> -> memref<16x1024xf32, #tpu.memory_space<vmem>>
      %dma_start3A_502 = arith.constant 0 : i32
      %dma_start3A_503 = arith.constant 0 : i32
      %dma_start3A_504 = tpu.memref_slice %dma_start3A_501[%dma_start3A_502, %dma_start3A_503] : memref<16x1024xf32, #tpu.memory_space<vmem>> -> memref<16x128xf32, #tpu.memory_space<vmem>>
      %dma_start3A_505 = arith.constant 0 : i32
      %dma_start3A_506 = tpu.memref_slice %arg4[%dma_start3A_505, %multiple_of3A_481] : memref<16x1000000xf32, #tpu.memory_space<hbm>> -> memref<16x128xf32, #tpu.memory_space<hbm>>
      tpu.enqueue_dma source(%dma_start3A_506 : memref<16x128xf32, #tpu.memory_space<hbm>>) target(%dma_start3A_504 : memref<16x128xf32, #tpu.memory_space<vmem>>) target_semaphore(%dma_start3A_497 : memref<!tpu.dma_semaphore, #tpu.memory_space<semaphore_mem>>)
      %dma_start3A_507 = arith.constant 1 : i32
      %dma_start3A_508 = arith.constant 1 : i32
      %dma_start3A_509 = arith.constant 0 : i32
      %dma_start3A_510 = arith.constant 0 : i32
      %dma_start3A_511 = tpu.memref_slice %arg10[%dma_start3A_507, %dma_start3A_509, %dma_start3A_510] : memref<2x16x1024xf32, #tpu.memory_space<vmem>> -> memref<1x16x1024xf32, #tpu.memory_space<vmem>>
      %dma_start3A_512 = tpu.memref_squeeze %dma_start3A_511 : memref<1x16x1024xf32, #tpu.memory_space<vmem>> -> memref<16x1024xf32, #tpu.memory_space<vmem>>
      %dma_start3A_513 = arith.constant 0 : i32
      %dma_start3A_514 = arith.constant 0 : i32
      %dma_start3A_515 = tpu.memref_slice %dma_start3A_512[%dma_start3A_513, %dma_start3A_514] : memref<16x1024xf32, #tpu.memory_space<vmem>> -> memref<16x128xf32, #tpu.memory_space<vmem>>
      %dma_start3A_516 = arith.constant 0 : i32
      %dma_start3A_517 = tpu.memref_slice %arg5[%dma_start3A_516, %multiple_of3A_484] : memref<16x1000000xf32, #tpu.memory_space<hbm>> -> memref<16x128xf32, #tpu.memory_space<hbm>>
      %dma_start3A_518 = tpu.memref_slice %arg13[%dma_start3A_508] : memref<2x!tpu.dma_semaphore, #tpu.memory_space<semaphore_mem>> -> memref<1x!tpu.dma_semaphore, #tpu.memory_space<semaphore_mem>>
      %dma_start3A_519 = tpu.memref_squeeze %dma_start3A_518 : memref<1x!tpu.dma_semaphore, #tpu.memory_space<semaphore_mem>> -> memref<!tpu.dma_semaphore, #tpu.memory_space<semaphore_mem>>
      %dma_start3A_520 = arith.constant 0 : i32
      %dma_start3A_521 = arith.constant 0 : i32
      %dma_start3A_522 = tpu.memref_slice %arg10[%dma_start3A_507, %dma_start3A_520, %dma_start3A_521] : memref<2x16x1024xf32, #tpu.memory_space<vmem>> -> memref<1x16x1024xf32, #tpu.memory_space<vmem>>
      %dma_start3A_523 = tpu.memref_squeeze %dma_start3A_522 : memref<1x16x1024xf32, #tpu.memory_space<vmem>> -> memref<16x1024xf32, #tpu.memory_space<vmem>>
      %dma_start3A_524 = arith.constant 0 : i32
      %dma_start3A_525 = arith.constant 0 : i32
      %dma_start3A_526 = tpu.memref_slice %dma_start3A_523[%dma_start3A_524, %dma_start3A_525] : memref<16x1024xf32, #tpu.memory_space<vmem>> -> memref<16x128xf32, #tpu.memory_space<vmem>>
      %dma_start3A_527 = arith.constant 0 : i32
      %dma_start3A_528 = tpu.memref_slice %arg5[%dma_start3A_527, %multiple_of3A_484] : memref<16x1000000xf32, #tpu.memory_space<hbm>> -> memref<16x128xf32, #tpu.memory_space<hbm>>
      tpu.enqueue_dma source(%dma_start3A_528 : memref<16x128xf32, #tpu.memory_space<hbm>>) target(%dma_start3A_526 : memref<16x128xf32, #tpu.memory_space<vmem>>) target_semaphore(%dma_start3A_519 : memref<!tpu.dma_semaphore, #tpu.memory_space<semaphore_mem>>)
      %slice3A_529 = vector.extract_strided_slice %mul3A_472 {offsets = [9], sizes = [1], strides = [1]} : vector<16xi32> to vector<1xi32>
      %squeeze3A_530 = vector.extract %slice3A_529[0] : i32 from vector<1xi32>
      %multiple_of3A_531 = tpu.assume_multiple %squeeze3A_530, 128 : i32
      %slice3A_532 = vector.extract_strided_slice %mul3A_478 {offsets = [9], sizes = [1], strides = [1]} : vector<16xi32> to vector<1xi32>
      %squeeze3A_533 = vector.extract %slice3A_532[0] : i32 from vector<1xi32>
      %multiple_of3A_534 = tpu.assume_multiple %squeeze3A_533, 128 : i32
      %dma_start3A_535 = arith.constant 1 : i32
      %dma_start3A_536 = arith.constant 1 : i32
      %dma_start3A_537 = arith.constant 0 : i32
      %dma_start3A_538 = arith.constant 0 : i32
      %dma_start3A_539 = tpu.memref_slice %arg9[%dma_start3A_535, %dma_start3A_537, %dma_start3A_538] : memref<2x16x1024xf32, #tpu.memory_space<vmem>> -> memref<1x16x1024xf32, #tpu.memory_space<vmem>>
      %dma_start3A_540 = tpu.memref_squeeze %dma_start3A_539 : memref<1x16x1024xf32, #tpu.memory_space<vmem>> -> memref<16x1024xf32, #tpu.memory_space<vmem>>
      %dma_start3A_541 = arith.constant 0 : i32
      %dma_start3A_542 = arith.constant 128 : i32
      %dma_start3A_543 = tpu.memref_slice %dma_start3A_540[%dma_start3A_541, %dma_start3A_542] : memref<16x1024xf32, #tpu.memory_space<vmem>> -> memref<16x128xf32, #tpu.memory_space<vmem>>
      %dma_start3A_544 = arith.constant 0 : i32
      %dma_start3A_545 = tpu.memref_slice %arg4[%dma_start3A_544, %multiple_of3A_531] : memref<16x1000000xf32, #tpu.memory_space<hbm>> -> memref<16x128xf32, #tpu.memory_space<hbm>>
      %dma_start3A_546 = tpu.memref_slice %arg12[%dma_start3A_536] : memref<2x!tpu.dma_semaphore, #tpu.memory_space<semaphore_mem>> -> memref<1x!tpu.dma_semaphore, #tpu.memory_space<semaphore_mem>>
      %dma_start3A_547 = tpu.memref_squeeze %dma_start3A_546 : memref<1x!tpu.dma_semaphore, #tpu.memory_space<semaphore_mem>> -> memref<!tpu.dma_semaphore, #tpu.memory_space<semaphore_mem>>
      %dma_start3A_548 = arith.constant 0 : i32
      %dma_start3A_549 = arith.constant 0 : i32
      %dma_start3A_550 = tpu.memref_slice %arg9[%dma_start3A_535, %dma_start3A_548, %dma_start3A_549] : memref<2x16x1024xf32, #tpu.memory_space<vmem>> -> memref<1x16x1024xf32, #tpu.memory_space<vmem>>
      %dma_start3A_551 = tpu.memref_squeeze %dma_start3A_550 : memref<1x16x1024xf32, #tpu.memory_space<vmem>> -> memref<16x1024xf32, #tpu.memory_space<vmem>>
      %dma_start3A_552 = arith.constant 0 : i32
      %dma_start3A_553 = arith.constant 128 : i32
      %dma_start3A_554 = tpu.memref_slice %dma_start3A_551[%dma_start3A_552, %dma_start3A_553] : memref<16x1024xf32, #tpu.memory_space<vmem>> -> memref<16x128xf32, #tpu.memory_space<vmem>>
      %dma_start3A_555 = arith.constant 0 : i32
      %dma_start3A_556 = tpu.memref_slice %arg4[%dma_start3A_555, %multiple_of3A_531] : memref<16x1000000xf32, #tpu.memory_space<hbm>> -> memref<16x128xf32, #tpu.memory_space<hbm>>
      tpu.enqueue_dma source(%dma_start3A_556 : memref<16x128xf32, #tpu.memory_space<hbm>>) target(%dma_start3A_554 : memref<16x128xf32, #tpu.memory_space<vmem>>) target_semaphore(%dma_start3A_547 : memref<!tpu.dma_semaphore, #tpu.memory_space<semaphore_mem>>)
      %dma_start3A_557 = arith.constant 1 : i32
      %dma_start3A_558 = arith.constant 1 : i32
      %dma_start3A_559 = arith.constant 0 : i32
      %dma_start3A_560 = arith.constant 0 : i32
      %dma_start3A_561 = tpu.memref_slice %arg10[%dma_start3A_557, %dma_start3A_559, %dma_start3A_560] : memref<2x16x1024xf32, #tpu.memory_space<vmem>> -> memref<1x16x1024xf32, #tpu.memory_space<vmem>>
      %dma_start3A_562 = tpu.memref_squeeze %dma_start3A_561 : memref<1x16x1024xf32, #tpu.memory_space<vmem>> -> memref<16x1024xf32, #tpu.memory_space<vmem>>
      %dma_start3A_563 = arith.constant 0 : i32
      %dma_start3A_564 = arith.constant 128 : i32
      %dma_start3A_565 = tpu.memref_slice %dma_start3A_562[%dma_start3A_563, %dma_start3A_564] : memref<16x1024xf32, #tpu.memory_space<vmem>> -> memref<16x128xf32, #tpu.memory_space<vmem>>
      %dma_start3A_566 = arith.constant 0 : i32
      %dma_start3A_567 = tpu.memref_slice %arg5[%dma_start3A_566, %multiple_of3A_534] : memref<16x1000000xf32, #tpu.memory_space<hbm>> -> memref<16x128xf32, #tpu.memory_space<hbm>>
      %dma_start3A_568 = tpu.memref_slice %arg13[%dma_start3A_558] : memref<2x!tpu.dma_semaphore, #tpu.memory_space<semaphore_mem>> -> memref<1x!tpu.dma_semaphore, #tpu.memory_space<semaphore_mem>>
      %dma_start3A_569 = tpu.memref_squeeze %dma_start3A_568 : memref<1x!tpu.dma_semaphore, #tpu.memory_space<semaphore_mem>> -> memref<!tpu.dma_semaphore, #tpu.memory_space<semaphore_mem>>
      %dma_start3A_570 = arith.constant 0 : i32
      %dma_start3A_571 = arith.constant 0 : i32
      %dma_start3A_572 = tpu.memref_slice %arg10[%dma_start3A_557, %dma_start3A_570, %dma_start3A_571] : memref<2x16x1024xf32, #tpu.memory_space<vmem>> -> memref<1x16x1024xf32, #tpu.memory_space<vmem>>
      %dma_start3A_573 = tpu.memref_squeeze %dma_start3A_572 : memref<1x16x1024xf32, #tpu.memory_space<vmem>> -> memref<16x1024xf32, #tpu.memory_space<vmem>>
      %dma_start3A_574 = arith.constant 0 : i32
      %dma_start3A_575 = arith.constant 128 : i32
      %dma_start3A_576 = tpu.memref_slice %dma_start3A_573[%dma_start3A_574, %dma_start3A_575] : memref<16x1024xf32, #tpu.memory_space<vmem>> -> memref<16x128xf32, #tpu.memory_space<vmem>>
      %dma_start3A_577 = arith.constant 0 : i32
      %dma_start3A_578 = tpu.memref_slice %arg5[%dma_start3A_577, %multiple_of3A_534] : memref<16x1000000xf32, #tpu.memory_space<hbm>> -> memref<16x128xf32, #tpu.memory_space<hbm>>
      tpu.enqueue_dma source(%dma_start3A_578 : memref<16x128xf32, #tpu.memory_space<hbm>>) target(%dma_start3A_576 : memref<16x128xf32, #tpu.memory_space<vmem>>) target_semaphore(%dma_start3A_569 : memref<!tpu.dma_semaphore, #tpu.memory_space<semaphore_mem>>)
      %slice3A_579 = vector.extract_strided_slice %mul3A_472 {offsets = [10], sizes = [1], strides = [1]} : vector<16xi32> to vector<1xi32>
      %squeeze3A_580 = vector.extract %slice3A_579[0] : i32 from vector<1xi32>
      %multiple_of3A_581 = tpu.assume_multiple %squeeze3A_580, 128 : i32
      %slice3A_582 = vector.extract_strided_slice %mul3A_478 {offsets = [10], sizes = [1], strides = [1]} : vector<16xi32> to vector<1xi32>
      %squeeze3A_583 = vector.extract %slice3A_582[0] : i32 from vector<1xi32>
      %multiple_of3A_584 = tpu.assume_multiple %squeeze3A_583, 128 : i32
      %dma_start3A_585 = arith.constant 1 : i32
      %dma_start3A_586 = arith.constant 1 : i32
      %dma_start3A_587 = arith.constant 0 : i32
      %dma_start3A_588 = arith.constant 0 : i32
      %dma_start3A_589 = tpu.memref_slice %arg9[%dma_start3A_585, %dma_start3A_587, %dma_start3A_588] : memref<2x16x1024xf32, #tpu.memory_space<vmem>> -> memref<1x16x1024xf32, #tpu.memory_space<vmem>>
      %dma_start3A_590 = tpu.memref_squeeze %dma_start3A_589 : memref<1x16x1024xf32, #tpu.memory_space<vmem>> -> memref<16x1024xf32, #tpu.memory_space<vmem>>
      %dma_start3A_591 = arith.constant 0 : i32
      %dma_start3A_592 = arith.constant 256 : i32
      %dma_start3A_593 = tpu.memref_slice %dma_start3A_590[%dma_start3A_591, %dma_start3A_592] : memref<16x1024xf32, #tpu.memory_space<vmem>> -> memref<16x128xf32, #tpu.memory_space<vmem>>
      %dma_start3A_594 = arith.constant 0 : i32
      %dma_start3A_595 = tpu.memref_slice %arg4[%dma_start3A_594, %multiple_of3A_581] : memref<16x1000000xf32, #tpu.memory_space<hbm>> -> memref<16x128xf32, #tpu.memory_space<hbm>>
      %dma_start3A_596 = tpu.memref_slice %arg12[%dma_start3A_586] : memref<2x!tpu.dma_semaphore, #tpu.memory_space<semaphore_mem>> -> memref<1x!tpu.dma_semaphore, #tpu.memory_space<semaphore_mem>>
      %dma_start3A_597 = tpu.memref_squeeze %dma_start3A_596 : memref<1x!tpu.dma_semaphore, #tpu.memory_space<semaphore_mem>> -> memref<!tpu.dma_semaphore, #tpu.memory_space<semaphore_mem>>
      %dma_start3A_598 = arith.constant 0 : i32
      %dma_start3A_599 = arith.constant 0 : i32
      %dma_start3A_600 = tpu.memref_slice %arg9[%dma_start3A_585, %dma_start3A_598, %dma_start3A_599] : memref<2x16x1024xf32, #tpu.memory_space<vmem>> -> memref<1x16x1024xf32, #tpu.memory_space<vmem>>
      %dma_start3A_601 = tpu.memref_squeeze %dma_start3A_600 : memref<1x16x1024xf32, #tpu.memory_space<vmem>> -> memref<16x1024xf32, #tpu.memory_space<vmem>>
      %dma_start3A_602 = arith.constant 0 : i32
      %dma_start3A_603 = arith.constant 256 : i32
      %dma_start3A_604 = tpu.memref_slice %dma_start3A_601[%dma_start3A_602, %dma_start3A_603] : memref<16x1024xf32, #tpu.memory_space<vmem>> -> memref<16x128xf32, #tpu.memory_space<vmem>>
      %dma_start3A_605 = arith.constant 0 : i32
      %dma_start3A_606 = tpu.memref_slice %arg4[%dma_start3A_605, %multiple_of3A_581] : memref<16x1000000xf32, #tpu.memory_space<hbm>> -> memref<16x128xf32, #tpu.memory_space<hbm>>
      tpu.enqueue_dma source(%dma_start3A_606 : memref<16x128xf32, #tpu.memory_space<hbm>>) target(%dma_start3A_604 : memref<16x128xf32, #tpu.memory_space<vmem>>) target_semaphore(%dma_start3A_597 : memref<!tpu.dma_semaphore, #tpu.memory_space<semaphore_mem>>)
      %dma_start3A_607 = arith.constant 1 : i32
      %dma_start3A_608 = arith.constant 1 : i32
      %dma_start3A_609 = arith.constant 0 : i32
      %dma_start3A_610 = arith.constant 0 : i32
      %dma_start3A_611 = tpu.memref_slice %arg10[%dma_start3A_607, %dma_start3A_609, %dma_start3A_610] : memref<2x16x1024xf32, #tpu.memory_space<vmem>> -> memref<1x16x1024xf32, #tpu.memory_space<vmem>>
      %dma_start3A_612 = tpu.memref_squeeze %dma_start3A_611 : memref<1x16x1024xf32, #tpu.memory_space<vmem>> -> memref<16x1024xf32, #tpu.memory_space<vmem>>
      %dma_start3A_613 = arith.constant 0 : i32
      %dma_start3A_614 = arith.constant 256 : i32
      %dma_start3A_615 = tpu.memref_slice %dma_start3A_612[%dma_start3A_613, %dma_start3A_614] : memref<16x1024xf32, #tpu.memory_space<vmem>> -> memref<16x128xf32, #tpu.memory_space<vmem>>
      %dma_start3A_616 = arith.constant 0 : i32
      %dma_start3A_617 = tpu.memref_slice %arg5[%dma_start3A_616, %multiple_of3A_584] : memref<16x1000000xf32, #tpu.memory_space<hbm>> -> memref<16x128xf32, #tpu.memory_space<hbm>>
      %dma_start3A_618 = tpu.memref_slice %arg13[%dma_start3A_608] : memref<2x!tpu.dma_semaphore, #tpu.memory_space<semaphore_mem>> -> memref<1x!tpu.dma_semaphore, #tpu.memory_space<semaphore_mem>>
      %dma_start3A_619 = tpu.memref_squeeze %dma_start3A_618 : memref<1x!tpu.dma_semaphore, #tpu.memory_space<semaphore_mem>> -> memref<!tpu.dma_semaphore, #tpu.memory_space<semaphore_mem>>
      %dma_start3A_620 = arith.constant 0 : i32
      %dma_start3A_621 = arith.constant 0 : i32
      %dma_start3A_622 = tpu.memref_slice %arg10[%dma_start3A_607, %dma_start3A_620, %dma_start3A_621] : memref<2x16x1024xf32, #tpu.memory_space<vmem>> -> memref<1x16x1024xf32, #tpu.memory_space<vmem>>
      %dma_start3A_623 = tpu.memref_squeeze %dma_start3A_622 : memref<1x16x1024xf32, #tpu.memory_space<vmem>> -> memref<16x1024xf32, #tpu.memory_space<vmem>>
      %dma_start3A_624 = arith.constant 0 : i32
      %dma_start3A_625 = arith.constant 256 : i32
      %dma_start3A_626 = tpu.memref_slice %dma_start3A_623[%dma_start3A_624, %dma_start3A_625] : memref<16x1024xf32, #tpu.memory_space<vmem>> -> memref<16x128xf32, #tpu.memory_space<vmem>>
      %dma_start3A_627 = arith.constant 0 : i32
      %dma_start3A_628 = tpu.memref_slice %arg5[%dma_start3A_627, %multiple_of3A_584] : memref<16x1000000xf32, #tpu.memory_space<hbm>> -> memref<16x128xf32, #tpu.memory_space<hbm>>
      tpu.enqueue_dma source(%dma_start3A_628 : memref<16x128xf32, #tpu.memory_space<hbm>>) target(%dma_start3A_626 : memref<16x128xf32, #tpu.memory_space<vmem>>) target_semaphore(%dma_start3A_619 : memref<!tpu.dma_semaphore, #tpu.memory_space<semaphore_mem>>)
      %slice3A_629 = vector.extract_strided_slice %mul3A_472 {offsets = [11], sizes = [1], strides = [1]} : vector<16xi32> to vector<1xi32>
      %squeeze3A_630 = vector.extract %slice3A_629[0] : i32 from vector<1xi32>
      %multiple_of3A_631 = tpu.assume_multiple %squeeze3A_630, 128 : i32
      %slice3A_632 = vector.extract_strided_slice %mul3A_478 {offsets = [11], sizes = [1], strides = [1]} : vector<16xi32> to vector<1xi32>
      %squeeze3A_633 = vector.extract %slice3A_632[0] : i32 from vector<1xi32>
      %multiple_of3A_634 = tpu.assume_multiple %squeeze3A_633, 128 : i32
      %dma_start3A_635 = arith.constant 1 : i32
      %dma_start3A_636 = arith.constant 1 : i32
      %dma_start3A_637 = arith.constant 0 : i32
      %dma_start3A_638 = arith.constant 0 : i32
      %dma_start3A_639 = tpu.memref_slice %arg9[%dma_start3A_635, %dma_start3A_637, %dma_start3A_638] : memref<2x16x1024xf32, #tpu.memory_space<vmem>> -> memref<1x16x1024xf32, #tpu.memory_space<vmem>>
      %dma_start3A_640 = tpu.memref_squeeze %dma_start3A_639 : memref<1x16x1024xf32, #tpu.memory_space<vmem>> -> memref<16x1024xf32, #tpu.memory_space<vmem>>
      %dma_start3A_641 = arith.constant 0 : i32
      %dma_start3A_642 = arith.constant 384 : i32
      %dma_start3A_643 = tpu.memref_slice %dma_start3A_640[%dma_start3A_641, %dma_start3A_642] : memref<16x1024xf32, #tpu.memory_space<vmem>> -> memref<16x128xf32, #tpu.memory_space<vmem>>
      %dma_start3A_644 = arith.constant 0 : i32
      %dma_start3A_645 = tpu.memref_slice %arg4[%dma_start3A_644, %multiple_of3A_631] : memref<16x1000000xf32, #tpu.memory_space<hbm>> -> memref<16x128xf32, #tpu.memory_space<hbm>>
      %dma_start3A_646 = tpu.memref_slice %arg12[%dma_start3A_636] : memref<2x!tpu.dma_semaphore, #tpu.memory_space<semaphore_mem>> -> memref<1x!tpu.dma_semaphore, #tpu.memory_space<semaphore_mem>>
      %dma_start3A_647 = tpu.memref_squeeze %dma_start3A_646 : memref<1x!tpu.dma_semaphore, #tpu.memory_space<semaphore_mem>> -> memref<!tpu.dma_semaphore, #tpu.memory_space<semaphore_mem>>
      %dma_start3A_648 = arith.constant 0 : i32
      %dma_start3A_649 = arith.constant 0 : i32
      %dma_start3A_650 = tpu.memref_slice %arg9[%dma_start3A_635, %dma_start3A_648, %dma_start3A_649] : memref<2x16x1024xf32, #tpu.memory_space<vmem>> -> memref<1x16x1024xf32, #tpu.memory_space<vmem>>
      %dma_start3A_651 = tpu.memref_squeeze %dma_start3A_650 : memref<1x16x1024xf32, #tpu.memory_space<vmem>> -> memref<16x1024xf32, #tpu.memory_space<vmem>>
      %dma_start3A_652 = arith.constant 0 : i32
      %dma_start3A_653 = arith.constant 384 : i32
      %dma_start3A_654 = tpu.memref_slice %dma_start3A_651[%dma_start3A_652, %dma_start3A_653] : memref<16x1024xf32, #tpu.memory_space<vmem>> -> memref<16x128xf32, #tpu.memory_space<vmem>>
      %dma_start3A_655 = arith.constant 0 : i32
      %dma_start3A_656 = tpu.memref_slice %arg4[%dma_start3A_655, %multiple_of3A_631] : memref<16x1000000xf32, #tpu.memory_space<hbm>> -> memref<16x128xf32, #tpu.memory_space<hbm>>
      tpu.enqueue_dma source(%dma_start3A_656 : memref<16x128xf32, #tpu.memory_space<hbm>>) target(%dma_start3A_654 : memref<16x128xf32, #tpu.memory_space<vmem>>) target_semaphore(%dma_start3A_647 : memref<!tpu.dma_semaphore, #tpu.memory_space<semaphore_mem>>)
      %dma_start3A_657 = arith.constant 1 : i32
      %dma_start3A_658 = arith.constant 1 : i32
      %dma_start3A_659 = arith.constant 0 : i32
      %dma_start3A_660 = arith.constant 0 : i32
      %dma_start3A_661 = tpu.memref_slice %arg10[%dma_start3A_657, %dma_start3A_659, %dma_start3A_660] : memref<2x16x1024xf32, #tpu.memory_space<vmem>> -> memref<1x16x1024xf32, #tpu.memory_space<vmem>>
      %dma_start3A_662 = tpu.memref_squeeze %dma_start3A_661 : memref<1x16x1024xf32, #tpu.memory_space<vmem>> -> memref<16x1024xf32, #tpu.memory_space<vmem>>
      %dma_start3A_663 = arith.constant 0 : i32
      %dma_start3A_664 = arith.constant 384 : i32
      %dma_start3A_665 = tpu.memref_slice %dma_start3A_662[%dma_start3A_663, %dma_start3A_664] : memref<16x1024xf32, #tpu.memory_space<vmem>> -> memref<16x128xf32, #tpu.memory_space<vmem>>
      %dma_start3A_666 = arith.constant 0 : i32
      %dma_start3A_667 = tpu.memref_slice %arg5[%dma_start3A_666, %multiple_of3A_634] : memref<16x1000000xf32, #tpu.memory_space<hbm>> -> memref<16x128xf32, #tpu.memory_space<hbm>>
      %dma_start3A_668 = tpu.memref_slice %arg13[%dma_start3A_658] : memref<2x!tpu.dma_semaphore, #tpu.memory_space<semaphore_mem>> -> memref<1x!tpu.dma_semaphore, #tpu.memory_space<semaphore_mem>>
      %dma_start3A_669 = tpu.memref_squeeze %dma_start3A_668 : memref<1x!tpu.dma_semaphore, #tpu.memory_space<semaphore_mem>> -> memref<!tpu.dma_semaphore, #tpu.memory_space<semaphore_mem>>
      %dma_start3A_670 = arith.constant 0 : i32
      %dma_start3A_671 = arith.constant 0 : i32
      %dma_start3A_672 = tpu.memref_slice %arg10[%dma_start3A_657, %dma_start3A_670, %dma_start3A_671] : memref<2x16x1024xf32, #tpu.memory_space<vmem>> -> memref<1x16x1024xf32, #tpu.memory_space<vmem>>
      %dma_start3A_673 = tpu.memref_squeeze %dma_start3A_672 : memref<1x16x1024xf32, #tpu.memory_space<vmem>> -> memref<16x1024xf32, #tpu.memory_space<vmem>>
      %dma_start3A_674 = arith.constant 0 : i32
      %dma_start3A_675 = arith.constant 384 : i32
      %dma_start3A_676 = tpu.memref_slice %dma_start3A_673[%dma_start3A_674, %dma_start3A_675] : memref<16x1024xf32, #tpu.memory_space<vmem>> -> memref<16x128xf32, #tpu.memory_space<vmem>>
      %dma_start3A_677 = arith.constant 0 : i32
      %dma_start3A_678 = tpu.memref_slice %arg5[%dma_start3A_677, %multiple_of3A_634] : memref<16x1000000xf32, #tpu.memory_space<hbm>> -> memref<16x128xf32, #tpu.memory_space<hbm>>
      tpu.enqueue_dma source(%dma_start3A_678 : memref<16x128xf32, #tpu.memory_space<hbm>>) target(%dma_start3A_676 : memref<16x128xf32, #tpu.memory_space<vmem>>) target_semaphore(%dma_start3A_669 : memref<!tpu.dma_semaphore, #tpu.memory_space<semaphore_mem>>)
      %slice3A_679 = vector.extract_strided_slice %mul3A_472 {offsets = [12], sizes = [1], strides = [1]} : vector<16xi32> to vector<1xi32>
      %squeeze3A_680 = vector.extract %slice3A_679[0] : i32 from vector<1xi32>
      %multiple_of3A_681 = tpu.assume_multiple %squeeze3A_680, 128 : i32
      %slice3A_682 = vector.extract_strided_slice %mul3A_478 {offsets = [12], sizes = [1], strides = [1]} : vector<16xi32> to vector<1xi32>
      %squeeze3A_683 = vector.extract %slice3A_682[0] : i32 from vector<1xi32>
      %multiple_of3A_684 = tpu.assume_multiple %squeeze3A_683, 128 : i32
      %dma_start3A_685 = arith.constant 1 : i32
      %dma_start3A_686 = arith.constant 1 : i32
      %dma_start3A_687 = arith.constant 0 : i32
      %dma_start3A_688 = arith.constant 0 : i32
      %dma_start3A_689 = tpu.memref_slice %arg9[%dma_start3A_685, %dma_start3A_687, %dma_start3A_688] : memref<2x16x1024xf32, #tpu.memory_space<vmem>> -> memref<1x16x1024xf32, #tpu.memory_space<vmem>>
      %dma_start3A_690 = tpu.memref_squeeze %dma_start3A_689 : memref<1x16x1024xf32, #tpu.memory_space<vmem>> -> memref<16x1024xf32, #tpu.memory_space<vmem>>
      %dma_start3A_691 = arith.constant 0 : i32
      %dma_start3A_692 = arith.constant 512 : i32
      %dma_start3A_693 = tpu.memref_slice %dma_start3A_690[%dma_start3A_691, %dma_start3A_692] : memref<16x1024xf32, #tpu.memory_space<vmem>> -> memref<16x128xf32, #tpu.memory_space<vmem>>
      %dma_start3A_694 = arith.constant 0 : i32
      %dma_start3A_695 = tpu.memref_slice %arg4[%dma_start3A_694, %multiple_of3A_681] : memref<16x1000000xf32, #tpu.memory_space<hbm>> -> memref<16x128xf32, #tpu.memory_space<hbm>>
      %dma_start3A_696 = tpu.memref_slice %arg12[%dma_start3A_686] : memref<2x!tpu.dma_semaphore, #tpu.memory_space<semaphore_mem>> -> memref<1x!tpu.dma_semaphore, #tpu.memory_space<semaphore_mem>>
      %dma_start3A_697 = tpu.memref_squeeze %dma_start3A_696 : memref<1x!tpu.dma_semaphore, #tpu.memory_space<semaphore_mem>> -> memref<!tpu.dma_semaphore, #tpu.memory_space<semaphore_mem>>
      %dma_start3A_698 = arith.constant 0 : i32
      %dma_start3A_699 = arith.constant 0 : i32
      %dma_start3A_700 = tpu.memref_slice %arg9[%dma_start3A_685, %dma_start3A_698, %dma_start3A_699] : memref<2x16x1024xf32, #tpu.memory_space<vmem>> -> memref<1x16x1024xf32, #tpu.memory_space<vmem>>
      %dma_start3A_701 = tpu.memref_squeeze %dma_start3A_700 : memref<1x16x1024xf32, #tpu.memory_space<vmem>> -> memref<16x1024xf32, #tpu.memory_space<vmem>>
      %dma_start3A_702 = arith.constant 0 : i32
      %dma_start3A_703 = arith.constant 512 : i32
      %dma_start3A_704 = tpu.memref_slice %dma_start3A_701[%dma_start3A_702, %dma_start3A_703] : memref<16x1024xf32, #tpu.memory_space<vmem>> -> memref<16x128xf32, #tpu.memory_space<vmem>>
      %dma_start3A_705 = arith.constant 0 : i32
      %dma_start3A_706 = tpu.memref_slice %arg4[%dma_start3A_705, %multiple_of3A_681] : memref<16x1000000xf32, #tpu.memory_space<hbm>> -> memref<16x128xf32, #tpu.memory_space<hbm>>
      tpu.enqueue_dma source(%dma_start3A_706 : memref<16x128xf32, #tpu.memory_space<hbm>>) target(%dma_start3A_704 : memref<16x128xf32, #tpu.memory_space<vmem>>) target_semaphore(%dma_start3A_697 : memref<!tpu.dma_semaphore, #tpu.memory_space<semaphore_mem>>)
      %dma_start3A_707 = arith.constant 1 : i32
      %dma_start3A_708 = arith.constant 1 : i32
      %dma_start3A_709 = arith.constant 0 : i32
      %dma_start3A_710 = arith.constant 0 : i32
      %dma_start3A_711 = tpu.memref_slice %arg10[%dma_start3A_707, %dma_start3A_709, %dma_start3A_710] : memref<2x16x1024xf32, #tpu.memory_space<vmem>> -> memref<1x16x1024xf32, #tpu.memory_space<vmem>>
      %dma_start3A_712 = tpu.memref_squeeze %dma_start3A_711 : memref<1x16x1024xf32, #tpu.memory_space<vmem>> -> memref<16x1024xf32, #tpu.memory_space<vmem>>
      %dma_start3A_713 = arith.constant 0 : i32
      %dma_start3A_714 = arith.constant 512 : i32
      %dma_start3A_715 = tpu.memref_slice %dma_start3A_712[%dma_start3A_713, %dma_start3A_714] : memref<16x1024xf32, #tpu.memory_space<vmem>> -> memref<16x128xf32, #tpu.memory_space<vmem>>
      %dma_start3A_716 = arith.constant 0 : i32
      %dma_start3A_717 = tpu.memref_slice %arg5[%dma_start3A_716, %multiple_of3A_684] : memref<16x1000000xf32, #tpu.memory_space<hbm>> -> memref<16x128xf32, #tpu.memory_space<hbm>>
      %dma_start3A_718 = tpu.memref_slice %arg13[%dma_start3A_708] : memref<2x!tpu.dma_semaphore, #tpu.memory_space<semaphore_mem>> -> memref<1x!tpu.dma_semaphore, #tpu.memory_space<semaphore_mem>>
      %dma_start3A_719 = tpu.memref_squeeze %dma_start3A_718 : memref<1x!tpu.dma_semaphore, #tpu.memory_space<semaphore_mem>> -> memref<!tpu.dma_semaphore, #tpu.memory_space<semaphore_mem>>
      %dma_start3A_720 = arith.constant 0 : i32
      %dma_start3A_721 = arith.constant 0 : i32
      %dma_start3A_722 = tpu.memref_slice %arg10[%dma_start3A_707, %dma_start3A_720, %dma_start3A_721] : memref<2x16x1024xf32, #tpu.memory_space<vmem>> -> memref<1x16x1024xf32, #tpu.memory_space<vmem>>
      %dma_start3A_723 = tpu.memref_squeeze %dma_start3A_722 : memref<1x16x1024xf32, #tpu.memory_space<vmem>> -> memref<16x1024xf32, #tpu.memory_space<vmem>>
      %dma_start3A_724 = arith.constant 0 : i32
      %dma_start3A_725 = arith.constant 512 : i32
      %dma_start3A_726 = tpu.memref_slice %dma_start3A_723[%dma_start3A_724, %dma_start3A_725] : memref<16x1024xf32, #tpu.memory_space<vmem>> -> memref<16x128xf32, #tpu.memory_space<vmem>>
      %dma_start3A_727 = arith.constant 0 : i32
      %dma_start3A_728 = tpu.memref_slice %arg5[%dma_start3A_727, %multiple_of3A_684] : memref<16x1000000xf32, #tpu.memory_space<hbm>> -> memref<16x128xf32, #tpu.memory_space<hbm>>
      tpu.enqueue_dma source(%dma_start3A_728 : memref<16x128xf32, #tpu.memory_space<hbm>>) target(%dma_start3A_726 : memref<16x128xf32, #tpu.memory_space<vmem>>) target_semaphore(%dma_start3A_719 : memref<!tpu.dma_semaphore, #tpu.memory_space<semaphore_mem>>)
      %slice3A_729 = vector.extract_strided_slice %mul3A_472 {offsets = [13], sizes = [1], strides = [1]} : vector<16xi32> to vector<1xi32>
      %squeeze3A_730 = vector.extract %slice3A_729[0] : i32 from vector<1xi32>
      %multiple_of3A_731 = tpu.assume_multiple %squeeze3A_730, 128 : i32
      %slice3A_732 = vector.extract_strided_slice %mul3A_478 {offsets = [13], sizes = [1], strides = [1]} : vector<16xi32> to vector<1xi32>
      %squeeze3A_733 = vector.extract %slice3A_732[0] : i32 from vector<1xi32>
      %multiple_of3A_734 = tpu.assume_multiple %squeeze3A_733, 128 : i32
      %dma_start3A_735 = arith.constant 1 : i32
      %dma_start3A_736 = arith.constant 1 : i32
      %dma_start3A_737 = arith.constant 0 : i32
      %dma_start3A_738 = arith.constant 0 : i32
      %dma_start3A_739 = tpu.memref_slice %arg9[%dma_start3A_735, %dma_start3A_737, %dma_start3A_738] : memref<2x16x1024xf32, #tpu.memory_space<vmem>> -> memref<1x16x1024xf32, #tpu.memory_space<vmem>>
      %dma_start3A_740 = tpu.memref_squeeze %dma_start3A_739 : memref<1x16x1024xf32, #tpu.memory_space<vmem>> -> memref<16x1024xf32, #tpu.memory_space<vmem>>
      %dma_start3A_741 = arith.constant 0 : i32
      %dma_start3A_742 = arith.constant 640 : i32
      %dma_start3A_743 = tpu.memref_slice %dma_start3A_740[%dma_start3A_741, %dma_start3A_742] : memref<16x1024xf32, #tpu.memory_space<vmem>> -> memref<16x128xf32, #tpu.memory_space<vmem>>
      %dma_start3A_744 = arith.constant 0 : i32
      %dma_start3A_745 = tpu.memref_slice %arg4[%dma_start3A_744, %multiple_of3A_731] : memref<16x1000000xf32, #tpu.memory_space<hbm>> -> memref<16x128xf32, #tpu.memory_space<hbm>>
      %dma_start3A_746 = tpu.memref_slice %arg12[%dma_start3A_736] : memref<2x!tpu.dma_semaphore, #tpu.memory_space<semaphore_mem>> -> memref<1x!tpu.dma_semaphore, #tpu.memory_space<semaphore_mem>>
      %dma_start3A_747 = tpu.memref_squeeze %dma_start3A_746 : memref<1x!tpu.dma_semaphore, #tpu.memory_space<semaphore_mem>> -> memref<!tpu.dma_semaphore, #tpu.memory_space<semaphore_mem>>
      %dma_start3A_748 = arith.constant 0 : i32
      %dma_start3A_749 = arith.constant 0 : i32
      %dma_start3A_750 = tpu.memref_slice %arg9[%dma_start3A_735, %dma_start3A_748, %dma_start3A_749] : memref<2x16x1024xf32, #tpu.memory_space<vmem>> -> memref<1x16x1024xf32, #tpu.memory_space<vmem>>
      %dma_start3A_751 = tpu.memref_squeeze %dma_start3A_750 : memref<1x16x1024xf32, #tpu.memory_space<vmem>> -> memref<16x1024xf32, #tpu.memory_space<vmem>>
      %dma_start3A_752 = arith.constant 0 : i32
      %dma_start3A_753 = arith.constant 640 : i32
      %dma_start3A_754 = tpu.memref_slice %dma_start3A_751[%dma_start3A_752, %dma_start3A_753] : memref<16x1024xf32, #tpu.memory_space<vmem>> -> memref<16x128xf32, #tpu.memory_space<vmem>>
      %dma_start3A_755 = arith.constant 0 : i32
      %dma_start3A_756 = tpu.memref_slice %arg4[%dma_start3A_755, %multiple_of3A_731] : memref<16x1000000xf32, #tpu.memory_space<hbm>> -> memref<16x128xf32, #tpu.memory_space<hbm>>
      tpu.enqueue_dma source(%dma_start3A_756 : memref<16x128xf32, #tpu.memory_space<hbm>>) target(%dma_start3A_754 : memref<16x128xf32, #tpu.memory_space<vmem>>) target_semaphore(%dma_start3A_747 : memref<!tpu.dma_semaphore, #tpu.memory_space<semaphore_mem>>)
      %dma_start3A_757 = arith.constant 1 : i32
      %dma_start3A_758 = arith.constant 1 : i32
      %dma_start3A_759 = arith.constant 0 : i32
      %dma_start3A_760 = arith.constant 0 : i32
      %dma_start3A_761 = tpu.memref_slice %arg10[%dma_start3A_757, %dma_start3A_759, %dma_start3A_760] : memref<2x16x1024xf32, #tpu.memory_space<vmem>> -> memref<1x16x1024xf32, #tpu.memory_space<vmem>>
      %dma_start3A_762 = tpu.memref_squeeze %dma_start3A_761 : memref<1x16x1024xf32, #tpu.memory_space<vmem>> -> memref<16x1024xf32, #tpu.memory_space<vmem>>
      %dma_start3A_763 = arith.constant 0 : i32
      %dma_start3A_764 = arith.constant 640 : i32
      %dma_start3A_765 = tpu.memref_slice %dma_start3A_762[%dma_start3A_763, %dma_start3A_764] : memref<16x1024xf32, #tpu.memory_space<vmem>> -> memref<16x128xf32, #tpu.memory_space<vmem>>
      %dma_start3A_766 = arith.constant 0 : i32
      %dma_start3A_767 = tpu.memref_slice %arg5[%dma_start3A_766, %multiple_of3A_734] : memref<16x1000000xf32, #tpu.memory_space<hbm>> -> memref<16x128xf32, #tpu.memory_space<hbm>>
      %dma_start3A_768 = tpu.memref_slice %arg13[%dma_start3A_758] : memref<2x!tpu.dma_semaphore, #tpu.memory_space<semaphore_mem>> -> memref<1x!tpu.dma_semaphore, #tpu.memory_space<semaphore_mem>>
      %dma_start3A_769 = tpu.memref_squeeze %dma_start3A_768 : memref<1x!tpu.dma_semaphore, #tpu.memory_space<semaphore_mem>> -> memref<!tpu.dma_semaphore, #tpu.memory_space<semaphore_mem>>
      %dma_start3A_770 = arith.constant 0 : i32
      %dma_start3A_771 = arith.constant 0 : i32
      %dma_start3A_772 = tpu.memref_slice %arg10[%dma_start3A_757, %dma_start3A_770, %dma_start3A_771] : memref<2x16x1024xf32, #tpu.memory_space<vmem>> -> memref<1x16x1024xf32, #tpu.memory_space<vmem>>
      %dma_start3A_773 = tpu.memref_squeeze %dma_start3A_772 : memref<1x16x1024xf32, #tpu.memory_space<vmem>> -> memref<16x1024xf32, #tpu.memory_space<vmem>>
      %dma_start3A_774 = arith.constant 0 : i32
      %dma_start3A_775 = arith.constant 640 : i32
      %dma_start3A_776 = tpu.memref_slice %dma_start3A_773[%dma_start3A_774, %dma_start3A_775] : memref<16x1024xf32, #tpu.memory_space<vmem>> -> memref<16x128xf32, #tpu.memory_space<vmem>>
      %dma_start3A_777 = arith.constant 0 : i32
      %dma_start3A_778 = tpu.memref_slice %arg5[%dma_start3A_777, %multiple_of3A_734] : memref<16x1000000xf32, #tpu.memory_space<hbm>> -> memref<16x128xf32, #tpu.memory_space<hbm>>
      tpu.enqueue_dma source(%dma_start3A_778 : memref<16x128xf32, #tpu.memory_space<hbm>>) target(%dma_start3A_776 : memref<16x128xf32, #tpu.memory_space<vmem>>) target_semaphore(%dma_start3A_769 : memref<!tpu.dma_semaphore, #tpu.memory_space<semaphore_mem>>)
      %slice3A_779 = vector.extract_strided_slice %mul3A_472 {offsets = [14], sizes = [1], strides = [1]} : vector<16xi32> to vector<1xi32>
      %squeeze3A_780 = vector.extract %slice3A_779[0] : i32 from vector<1xi32>
      %multiple_of3A_781 = tpu.assume_multiple %squeeze3A_780, 128 : i32
      %slice3A_782 = vector.extract_strided_slice %mul3A_478 {offsets = [14], sizes = [1], strides = [1]} : vector<16xi32> to vector<1xi32>
      %squeeze3A_783 = vector.extract %slice3A_782[0] : i32 from vector<1xi32>
      %multiple_of3A_784 = tpu.assume_multiple %squeeze3A_783, 128 : i32
      %dma_start3A_785 = arith.constant 1 : i32
      %dma_start3A_786 = arith.constant 1 : i32
      %dma_start3A_787 = arith.constant 0 : i32
      %dma_start3A_788 = arith.constant 0 : i32
      %dma_start3A_789 = tpu.memref_slice %arg9[%dma_start3A_785, %dma_start3A_787, %dma_start3A_788] : memref<2x16x1024xf32, #tpu.memory_space<vmem>> -> memref<1x16x1024xf32, #tpu.memory_space<vmem>>
      %dma_start3A_790 = tpu.memref_squeeze %dma_start3A_789 : memref<1x16x1024xf32, #tpu.memory_space<vmem>> -> memref<16x1024xf32, #tpu.memory_space<vmem>>
      %dma_start3A_791 = arith.constant 0 : i32
      %dma_start3A_792 = arith.constant 768 : i32
      %dma_start3A_793 = tpu.memref_slice %dma_start3A_790[%dma_start3A_791, %dma_start3A_792] : memref<16x1024xf32, #tpu.memory_space<vmem>> -> memref<16x128xf32, #tpu.memory_space<vmem>>
      %dma_start3A_794 = arith.constant 0 : i32
      %dma_start3A_795 = tpu.memref_slice %arg4[%dma_start3A_794, %multiple_of3A_781] : memref<16x1000000xf32, #tpu.memory_space<hbm>> -> memref<16x128xf32, #tpu.memory_space<hbm>>
      %dma_start3A_796 = tpu.memref_slice %arg12[%dma_start3A_786] : memref<2x!tpu.dma_semaphore, #tpu.memory_space<semaphore_mem>> -> memref<1x!tpu.dma_semaphore, #tpu.memory_space<semaphore_mem>>
      %dma_start3A_797 = tpu.memref_squeeze %dma_start3A_796 : memref<1x!tpu.dma_semaphore, #tpu.memory_space<semaphore_mem>> -> memref<!tpu.dma_semaphore, #tpu.memory_space<semaphore_mem>>
      %dma_start3A_798 = arith.constant 0 : i32
      %dma_start3A_799 = arith.constant 0 : i32
      %dma_start3A_800 = tpu.memref_slice %arg9[%dma_start3A_785, %dma_start3A_798, %dma_start3A_799] : memref<2x16x1024xf32, #tpu.memory_space<vmem>> -> memref<1x16x1024xf32, #tpu.memory_space<vmem>>
      %dma_start3A_801 = tpu.memref_squeeze %dma_start3A_800 : memref<1x16x1024xf32, #tpu.memory_space<vmem>> -> memref<16x1024xf32, #tpu.memory_space<vmem>>
      %dma_start3A_802 = arith.constant 0 : i32
      %dma_start3A_803 = arith.constant 768 : i32
      %dma_start3A_804 = tpu.memref_slice %dma_start3A_801[%dma_start3A_802, %dma_start3A_803] : memref<16x1024xf32, #tpu.memory_space<vmem>> -> memref<16x128xf32, #tpu.memory_space<vmem>>
      %dma_start3A_805 = arith.constant 0 : i32
      %dma_start3A_806 = tpu.memref_slice %arg4[%dma_start3A_805, %multiple_of3A_781] : memref<16x1000000xf32, #tpu.memory_space<hbm>> -> memref<16x128xf32, #tpu.memory_space<hbm>>
      tpu.enqueue_dma source(%dma_start3A_806 : memref<16x128xf32, #tpu.memory_space<hbm>>) target(%dma_start3A_804 : memref<16x128xf32, #tpu.memory_space<vmem>>) target_semaphore(%dma_start3A_797 : memref<!tpu.dma_semaphore, #tpu.memory_space<semaphore_mem>>)
      %dma_start3A_807 = arith.constant 1 : i32
      %dma_start3A_808 = arith.constant 1 : i32
      %dma_start3A_809 = arith.constant 0 : i32
      %dma_start3A_810 = arith.constant 0 : i32
      %dma_start3A_811 = tpu.memref_slice %arg10[%dma_start3A_807, %dma_start3A_809, %dma_start3A_810] : memref<2x16x1024xf32, #tpu.memory_space<vmem>> -> memref<1x16x1024xf32, #tpu.memory_space<vmem>>
      %dma_start3A_812 = tpu.memref_squeeze %dma_start3A_811 : memref<1x16x1024xf32, #tpu.memory_space<vmem>> -> memref<16x1024xf32, #tpu.memory_space<vmem>>
      %dma_start3A_813 = arith.constant 0 : i32
      %dma_start3A_814 = arith.constant 768 : i32
      %dma_start3A_815 = tpu.memref_slice %dma_start3A_812[%dma_start3A_813, %dma_start3A_814] : memref<16x1024xf32, #tpu.memory_space<vmem>> -> memref<16x128xf32, #tpu.memory_space<vmem>>
      %dma_start3A_816 = arith.constant 0 : i32
      %dma_start3A_817 = tpu.memref_slice %arg5[%dma_start3A_816, %multiple_of3A_784] : memref<16x1000000xf32, #tpu.memory_space<hbm>> -> memref<16x128xf32, #tpu.memory_space<hbm>>
      %dma_start3A_818 = tpu.memref_slice %arg13[%dma_start3A_808] : memref<2x!tpu.dma_semaphore, #tpu.memory_space<semaphore_mem>> -> memref<1x!tpu.dma_semaphore, #tpu.memory_space<semaphore_mem>>
      %dma_start3A_819 = tpu.memref_squeeze %dma_start3A_818 : memref<1x!tpu.dma_semaphore, #tpu.memory_space<semaphore_mem>> -> memref<!tpu.dma_semaphore, #tpu.memory_space<semaphore_mem>>
      %dma_start3A_820 = arith.constant 0 : i32
      %dma_start3A_821 = arith.constant 0 : i32
      %dma_start3A_822 = tpu.memref_slice %arg10[%dma_start3A_807, %dma_start3A_820, %dma_start3A_821] : memref<2x16x1024xf32, #tpu.memory_space<vmem>> -> memref<1x16x1024xf32, #tpu.memory_space<vmem>>
      %dma_start3A_823 = tpu.memref_squeeze %dma_start3A_822 : memref<1x16x1024xf32, #tpu.memory_space<vmem>> -> memref<16x1024xf32, #tpu.memory_space<vmem>>
      %dma_start3A_824 = arith.constant 0 : i32
      %dma_start3A_825 = arith.constant 768 : i32
      %dma_start3A_826 = tpu.memref_slice %dma_start3A_823[%dma_start3A_824, %dma_start3A_825] : memref<16x1024xf32, #tpu.memory_space<vmem>> -> memref<16x128xf32, #tpu.memory_space<vmem>>
      %dma_start3A_827 = arith.constant 0 : i32
      %dma_start3A_828 = tpu.memref_slice %arg5[%dma_start3A_827, %multiple_of3A_784] : memref<16x1000000xf32, #tpu.memory_space<hbm>> -> memref<16x128xf32, #tpu.memory_space<hbm>>
      tpu.enqueue_dma source(%dma_start3A_828 : memref<16x128xf32, #tpu.memory_space<hbm>>) target(%dma_start3A_826 : memref<16x128xf32, #tpu.memory_space<vmem>>) target_semaphore(%dma_start3A_819 : memref<!tpu.dma_semaphore, #tpu.memory_space<semaphore_mem>>)
      %slice3A_829 = vector.extract_strided_slice %mul3A_472 {offsets = [15], sizes = [1], strides = [1]} : vector<16xi32> to vector<1xi32>
      %squeeze3A_830 = vector.extract %slice3A_829[0] : i32 from vector<1xi32>
      %multiple_of3A_831 = tpu.assume_multiple %squeeze3A_830, 128 : i32
      %slice3A_832 = vector.extract_strided_slice %mul3A_478 {offsets = [15], sizes = [1], strides = [1]} : vector<16xi32> to vector<1xi32>
      %squeeze3A_833 = vector.extract %slice3A_832[0] : i32 from vector<1xi32>
      %multiple_of3A_834 = tpu.assume_multiple %squeeze3A_833, 128 : i32
      %dma_start3A_835 = arith.constant 1 : i32
      %dma_start3A_836 = arith.constant 1 : i32
      %dma_start3A_837 = arith.constant 0 : i32
      %dma_start3A_838 = arith.constant 0 : i32
      %dma_start3A_839 = tpu.memref_slice %arg9[%dma_start3A_835, %dma_start3A_837, %dma_start3A_838] : memref<2x16x1024xf32, #tpu.memory_space<vmem>> -> memref<1x16x1024xf32, #tpu.memory_space<vmem>>
      %dma_start3A_840 = tpu.memref_squeeze %dma_start3A_839 : memref<1x16x1024xf32, #tpu.memory_space<vmem>> -> memref<16x1024xf32, #tpu.memory_space<vmem>>
      %dma_start3A_841 = arith.constant 0 : i32
      %dma_start3A_842 = arith.constant 896 : i32
      %dma_start3A_843 = tpu.memref_slice %dma_start3A_840[%dma_start3A_841, %dma_start3A_842] : memref<16x1024xf32, #tpu.memory_space<vmem>> -> memref<16x128xf32, #tpu.memory_space<vmem>>
      %dma_start3A_844 = arith.constant 0 : i32
      %dma_start3A_845 = tpu.memref_slice %arg4[%dma_start3A_844, %multiple_of3A_831] : memref<16x1000000xf32, #tpu.memory_space<hbm>> -> memref<16x128xf32, #tpu.memory_space<hbm>>
      %dma_start3A_846 = tpu.memref_slice %arg12[%dma_start3A_836] : memref<2x!tpu.dma_semaphore, #tpu.memory_space<semaphore_mem>> -> memref<1x!tpu.dma_semaphore, #tpu.memory_space<semaphore_mem>>
      %dma_start3A_847 = tpu.memref_squeeze %dma_start3A_846 : memref<1x!tpu.dma_semaphore, #tpu.memory_space<semaphore_mem>> -> memref<!tpu.dma_semaphore, #tpu.memory_space<semaphore_mem>>
      %dma_start3A_848 = arith.constant 0 : i32
      %dma_start3A_849 = arith.constant 0 : i32
      %dma_start3A_850 = tpu.memref_slice %arg9[%dma_start3A_835, %dma_start3A_848, %dma_start3A_849] : memref<2x16x1024xf32, #tpu.memory_space<vmem>> -> memref<1x16x1024xf32, #tpu.memory_space<vmem>>
      %dma_start3A_851 = tpu.memref_squeeze %dma_start3A_850 : memref<1x16x1024xf32, #tpu.memory_space<vmem>> -> memref<16x1024xf32, #tpu.memory_space<vmem>>
      %dma_start3A_852 = arith.constant 0 : i32
      %dma_start3A_853 = arith.constant 896 : i32
      %dma_start3A_854 = tpu.memref_slice %dma_start3A_851[%dma_start3A_852, %dma_start3A_853] : memref<16x1024xf32, #tpu.memory_space<vmem>> -> memref<16x128xf32, #tpu.memory_space<vmem>>
      %dma_start3A_855 = arith.constant 0 : i32
      %dma_start3A_856 = tpu.memref_slice %arg4[%dma_start3A_855, %multiple_of3A_831] : memref<16x1000000xf32, #tpu.memory_space<hbm>> -> memref<16x128xf32, #tpu.memory_space<hbm>>
      tpu.enqueue_dma source(%dma_start3A_856 : memref<16x128xf32, #tpu.memory_space<hbm>>) target(%dma_start3A_854 : memref<16x128xf32, #tpu.memory_space<vmem>>) target_semaphore(%dma_start3A_847 : memref<!tpu.dma_semaphore, #tpu.memory_space<semaphore_mem>>)
      %dma_start3A_857 = arith.constant 1 : i32
      %dma_start3A_858 = arith.constant 1 : i32
      %dma_start3A_859 = arith.constant 0 : i32
      %dma_start3A_860 = arith.constant 0 : i32
      %dma_start3A_861 = tpu.memref_slice %arg10[%dma_start3A_857, %dma_start3A_859, %dma_start3A_860] : memref<2x16x1024xf32, #tpu.memory_space<vmem>> -> memref<1x16x1024xf32, #tpu.memory_space<vmem>>
      %dma_start3A_862 = tpu.memref_squeeze %dma_start3A_861 : memref<1x16x1024xf32, #tpu.memory_space<vmem>> -> memref<16x1024xf32, #tpu.memory_space<vmem>>
      %dma_start3A_863 = arith.constant 0 : i32
      %dma_start3A_864 = arith.constant 896 : i32
      %dma_start3A_865 = tpu.memref_slice %dma_start3A_862[%dma_start3A_863, %dma_start3A_864] : memref<16x1024xf32, #tpu.memory_space<vmem>> -> memref<16x128xf32, #tpu.memory_space<vmem>>
      %dma_start3A_866 = arith.constant 0 : i32
      %dma_start3A_867 = tpu.memref_slice %arg5[%dma_start3A_866, %multiple_of3A_834] : memref<16x1000000xf32, #tpu.memory_space<hbm>> -> memref<16x128xf32, #tpu.memory_space<hbm>>
      %dma_start3A_868 = tpu.memref_slice %arg13[%dma_start3A_858] : memref<2x!tpu.dma_semaphore, #tpu.memory_space<semaphore_mem>> -> memref<1x!tpu.dma_semaphore, #tpu.memory_space<semaphore_mem>>
      %dma_start3A_869 = tpu.memref_squeeze %dma_start3A_868 : memref<1x!tpu.dma_semaphore, #tpu.memory_space<semaphore_mem>> -> memref<!tpu.dma_semaphore, #tpu.memory_space<semaphore_mem>>
      %dma_start3A_870 = arith.constant 0 : i32
      %dma_start3A_871 = arith.constant 0 : i32
      %dma_start3A_872 = tpu.memref_slice %arg10[%dma_start3A_857, %dma_start3A_870, %dma_start3A_871] : memref<2x16x1024xf32, #tpu.memory_space<vmem>> -> memref<1x16x1024xf32, #tpu.memory_space<vmem>>
      %dma_start3A_873 = tpu.memref_squeeze %dma_start3A_872 : memref<1x16x1024xf32, #tpu.memory_space<vmem>> -> memref<16x1024xf32, #tpu.memory_space<vmem>>
      %dma_start3A_874 = arith.constant 0 : i32
      %dma_start3A_875 = arith.constant 896 : i32
      %dma_start3A_876 = tpu.memref_slice %dma_start3A_873[%dma_start3A_874, %dma_start3A_875] : memref<16x1024xf32, #tpu.memory_space<vmem>> -> memref<16x128xf32, #tpu.memory_space<vmem>>
      %dma_start3A_877 = arith.constant 0 : i32
      %dma_start3A_878 = tpu.memref_slice %arg5[%dma_start3A_877, %multiple_of3A_834] : memref<16x1000000xf32, #tpu.memory_space<hbm>> -> memref<16x128xf32, #tpu.memory_space<hbm>>
      tpu.enqueue_dma source(%dma_start3A_878 : memref<16x128xf32, #tpu.memory_space<hbm>>) target(%dma_start3A_876 : memref<16x128xf32, #tpu.memory_space<vmem>>) target_semaphore(%dma_start3A_869 : memref<!tpu.dma_semaphore, #tpu.memory_space<semaphore_mem>>)
      %dma_wait3A = arith.constant 0 : i32
      %dma_wait3A_879 = arith.constant 0 : i32
      %dma_wait3A_880 = arith.constant 0 : i32
      %dma_wait3A_881 = arith.constant 0 : i32
      %dma_wait3A_882 = tpu.memref_slice %arg9[%dma_wait3A, %dma_wait3A_880, %dma_wait3A_881] : memref<2x16x1024xf32, #tpu.memory_space<vmem>> -> memref<1x16x1024xf32, #tpu.memory_space<vmem>>
      %dma_wait3A_883 = tpu.memref_squeeze %dma_wait3A_882 : memref<1x16x1024xf32, #tpu.memory_space<vmem>> -> memref<16x1024xf32, #tpu.memory_space<vmem>>
      %dma_wait3A_884 = arith.constant 0 : i32
      %dma_wait3A_885 = arith.constant 0 : i32
      %dma_wait3A_886 = tpu.memref_slice %arg4[%dma_wait3A_884, %dma_wait3A_885] : memref<16x1000000xf32, #tpu.memory_space<hbm>> -> memref<16x1024xf32, #tpu.memory_space<hbm>>
      %dma_wait3A_887 = tpu.memref_slice %arg12[%dma_wait3A_879] : memref<2x!tpu.dma_semaphore, #tpu.memory_space<semaphore_mem>> -> memref<1x!tpu.dma_semaphore, #tpu.memory_space<semaphore_mem>>
      %dma_wait3A_888 = tpu.memref_squeeze %dma_wait3A_887 : memref<1x!tpu.dma_semaphore, #tpu.memory_space<semaphore_mem>> -> memref<!tpu.dma_semaphore, #tpu.memory_space<semaphore_mem>>
      %dma_wait3A_889 = arith.constant 0 : i32
      %dma_wait3A_890 = arith.constant 0 : i32
      %dma_wait3A_891 = tpu.memref_slice %arg9[%dma_wait3A, %dma_wait3A_889, %dma_wait3A_890] : memref<2x16x1024xf32, #tpu.memory_space<vmem>> -> memref<1x16x1024xf32, #tpu.memory_space<vmem>>
      %dma_wait3A_892 = tpu.memref_squeeze %dma_wait3A_891 : memref<1x16x1024xf32, #tpu.memory_space<vmem>> -> memref<16x1024xf32, #tpu.memory_space<vmem>>
      %dma_wait3A_893 = arith.constant 0 : i32
      %dma_wait3A_894 = arith.constant 0 : i32
      %dma_wait3A_895 = tpu.memref_slice %arg4[%dma_wait3A_893, %dma_wait3A_894] : memref<16x1000000xf32, #tpu.memory_space<hbm>> -> memref<16x1024xf32, #tpu.memory_space<hbm>>
      tpu.wait_dma2 semaphore(%dma_wait3A_888 : memref<!tpu.dma_semaphore, #tpu.memory_space<semaphore_mem>>) src(%dma_wait3A_895 : memref<16x1024xf32, #tpu.memory_space<hbm>>) dst(%dma_wait3A_892 : memref<16x1024xf32, #tpu.memory_space<vmem>>)
      %dma_wait3A_896 = arith.constant 0 : i32
      %dma_wait3A_897 = arith.constant 0 : i32
      %dma_wait3A_898 = arith.constant 0 : i32
      %dma_wait3A_899 = arith.constant 0 : i32
      %dma_wait3A_900 = tpu.memref_slice %arg10[%dma_wait3A_896, %dma_wait3A_898, %dma_wait3A_899] : memref<2x16x1024xf32, #tpu.memory_space<vmem>> -> memref<1x16x1024xf32, #tpu.memory_space<vmem>>
      %dma_wait3A_901 = tpu.memref_squeeze %dma_wait3A_900 : memref<1x16x1024xf32, #tpu.memory_space<vmem>> -> memref<16x1024xf32, #tpu.memory_space<vmem>>
      %dma_wait3A_902 = arith.constant 0 : i32
      %dma_wait3A_903 = arith.constant 0 : i32
      %dma_wait3A_904 = tpu.memref_slice %arg5[%dma_wait3A_902, %dma_wait3A_903] : memref<16x1000000xf32, #tpu.memory_space<hbm>> -> memref<16x1024xf32, #tpu.memory_space<hbm>>
      %dma_wait3A_905 = tpu.memref_slice %arg13[%dma_wait3A_897] : memref<2x!tpu.dma_semaphore, #tpu.memory_space<semaphore_mem>> -> memref<1x!tpu.dma_semaphore, #tpu.memory_space<semaphore_mem>>
      %dma_wait3A_906 = tpu.memref_squeeze %dma_wait3A_905 : memref<1x!tpu.dma_semaphore, #tpu.memory_space<semaphore_mem>> -> memref<!tpu.dma_semaphore, #tpu.memory_space<semaphore_mem>>
      %dma_wait3A_907 = arith.constant 0 : i32
      %dma_wait3A_908 = arith.constant 0 : i32
      %dma_wait3A_909 = tpu.memref_slice %arg10[%dma_wait3A_896, %dma_wait3A_907, %dma_wait3A_908] : memref<2x16x1024xf32, #tpu.memory_space<vmem>> -> memref<1x16x1024xf32, #tpu.memory_space<vmem>>
      %dma_wait3A_910 = tpu.memref_squeeze %dma_wait3A_909 : memref<1x16x1024xf32, #tpu.memory_space<vmem>> -> memref<16x1024xf32, #tpu.memory_space<vmem>>
      %dma_wait3A_911 = arith.constant 0 : i32
      %dma_wait3A_912 = arith.constant 0 : i32
      %dma_wait3A_913 = tpu.memref_slice %arg5[%dma_wait3A_911, %dma_wait3A_912] : memref<16x1000000xf32, #tpu.memory_space<hbm>> -> memref<16x1024xf32, #tpu.memory_space<hbm>>
      tpu.wait_dma2 semaphore(%dma_wait3A_906 : memref<!tpu.dma_semaphore, #tpu.memory_space<semaphore_mem>>) src(%dma_wait3A_913 : memref<16x1024xf32, #tpu.memory_space<hbm>>) dst(%dma_wait3A_910 : memref<16x1024xf32, #tpu.memory_space<vmem>>)
      %and3A_914 = arith.constant 127 : i32
      %and3A_915 = vector.broadcast %and3A_914 : i32 to vector<16xi32>
      %and3A_916 = arith.andi %get3A_464, %and3A_915 : vector<16xi32>
      %add3A_917 = arith.addi %mul3A_7, %and3A_916 : vector<16xi32>
      %and3A_918 = arith.constant 127 : i32
      %and3A_919 = vector.broadcast %and3A_918 : i32 to vector<16xi32>
      %and3A_920 = arith.andi %get3A_466, %and3A_919 : vector<16xi32>
      %add3A_921 = arith.addi %mul3A_7, %and3A_920 : vector<16xi32>
      %broadcast_in_dim3A_922 = arith.constant 0.000000e+00 : f32
      %broadcast_in_dim3A_923 = vector.broadcast %broadcast_in_dim3A_922 : f32 to vector<16xf32>
      %gather3A = arith.constant 0 : i32
      %gather3A_924 = arith.constant 0 : i32
      %gather3A_925 = arith.constant 0 : i32
      %gather3A_926 = tpu.memref_slice %arg9[%gather3A, %gather3A_924, %gather3A_925] : memref<2x16x1024xf32, #tpu.memory_space<vmem>> -> memref<1x16x1024xf32, #tpu.memory_space<vmem>>
      %gather3A_927 = tpu.memref_squeeze %gather3A_926 : memref<1x16x1024xf32, #tpu.memory_space<vmem>> -> memref<16x1024xf32, #tpu.memory_space<vmem>>
      %gather3A_928 = tpu.vector_load_idx %gather3A_927[%broadcast_in_dim3A_11, %add3A_917] : memref<16x1024xf32, #tpu.memory_space<vmem>>[vector<16xi32>, vector<16xi32>], vector<16xf32>,
      %gather3A_929 = arith.constant 0 : i32
      %gather3A_930 = arith.constant 0 : i32
      %gather3A_931 = arith.constant 0 : i32
      %gather3A_932 = tpu.memref_slice %arg10[%gather3A_929, %gather3A_930, %gather3A_931] : memref<2x16x1024xf32, #tpu.memory_space<vmem>> -> memref<1x16x1024xf32, #tpu.memory_space<vmem>>
      %gather3A_933 = tpu.memref_squeeze %gather3A_932 : memref<1x16x1024xf32, #tpu.memory_space<vmem>> -> memref<16x1024xf32, #tpu.memory_space<vmem>>
      %gather3A_934 = tpu.vector_load_idx %gather3A_933[%broadcast_in_dim3A_11, %add3A_921] : memref<16x1024xf32, #tpu.memory_space<vmem>>[vector<16xi32>, vector<16xi32>], vector<16xf32>,
      %mul3A_935 = arith.mulf %gather3A_928, %gather3A_934 : vector<16xf32>
      %add3A_936 = arith.addf %broadcast_in_dim3A_923, %mul3A_935 : vector<16xf32>
      %gather3A_937 = arith.constant 0 : i32
      %gather3A_938 = arith.constant 0 : i32
      %gather3A_939 = arith.constant 0 : i32
      %gather3A_940 = tpu.memref_slice %arg9[%gather3A_937, %gather3A_938, %gather3A_939] : memref<2x16x1024xf32, #tpu.memory_space<vmem>> -> memref<1x16x1024xf32, #tpu.memory_space<vmem>>
      %gather3A_941 = tpu.memref_squeeze %gather3A_940 : memref<1x16x1024xf32, #tpu.memory_space<vmem>> -> memref<16x1024xf32, #tpu.memory_space<vmem>>
      %gather3A_942 = tpu.vector_load_idx %gather3A_941[%broadcast_in_dim3A_13, %add3A_917] : memref<16x1024xf32, #tpu.memory_space<vmem>>[vector<16xi32>, vector<16xi32>], vector<16xf32>,
      %gather3A_943 = arith.constant 0 : i32
      %gather3A_944 = arith.constant 0 : i32
      %gather3A_945 = arith.constant 0 : i32
      %gather3A_946 = tpu.memref_slice %arg10[%gather3A_943, %gather3A_944, %gather3A_945] : memref<2x16x1024xf32, #tpu.memory_space<vmem>> -> memref<1x16x1024xf32, #tpu.memory_space<vmem>>
      %gather3A_947 = tpu.memref_squeeze %gather3A_946 : memref<1x16x1024xf32, #tpu.memory_space<vmem>> -> memref<16x1024xf32, #tpu.memory_space<vmem>>
      %gather3A_948 = tpu.vector_load_idx %gather3A_947[%broadcast_in_dim3A_13, %add3A_921] : memref<16x1024xf32, #tpu.memory_space<vmem>>[vector<16xi32>, vector<16xi32>], vector<16xf32>,
      %mul3A_949 = arith.mulf %gather3A_942, %gather3A_948 : vector<16xf32>
      %add3A_950 = arith.addf %add3A_936, %mul3A_949 : vector<16xf32>
      %gather3A_951 = arith.constant 0 : i32
      %gather3A_952 = arith.constant 0 : i32
      %gather3A_953 = arith.constant 0 : i32
      %gather3A_954 = tpu.memref_slice %arg9[%gather3A_951, %gather3A_952, %gather3A_953] : memref<2x16x1024xf32, #tpu.memory_space<vmem>> -> memref<1x16x1024xf32, #tpu.memory_space<vmem>>
      %gather3A_955 = tpu.memref_squeeze %gather3A_954 : memref<1x16x1024xf32, #tpu.memory_space<vmem>> -> memref<16x1024xf32, #tpu.memory_space<vmem>>
      %gather3A_956 = tpu.vector_load_idx %gather3A_955[%broadcast_in_dim3A_15, %add3A_917] : memref<16x1024xf32, #tpu.memory_space<vmem>>[vector<16xi32>, vector<16xi32>], vector<16xf32>,
      %gather3A_957 = arith.constant 0 : i32
      %gather3A_958 = arith.constant 0 : i32
      %gather3A_959 = arith.constant 0 : i32
      %gather3A_960 = tpu.memref_slice %arg10[%gather3A_957, %gather3A_958, %gather3A_959] : memref<2x16x1024xf32, #tpu.memory_space<vmem>> -> memref<1x16x1024xf32, #tpu.memory_space<vmem>>
      %gather3A_961 = tpu.memref_squeeze %gather3A_960 : memref<1x16x1024xf32, #tpu.memory_space<vmem>> -> memref<16x1024xf32, #tpu.memory_space<vmem>>
      %gather3A_962 = tpu.vector_load_idx %gather3A_961[%broadcast_in_dim3A_15, %add3A_921] : memref<16x1024xf32, #tpu.memory_space<vmem>>[vector<16xi32>, vector<16xi32>], vector<16xf32>,
      %mul3A_963 = arith.mulf %gather3A_956, %gather3A_962 : vector<16xf32>
      %add3A_964 = arith.addf %add3A_950, %mul3A_963 : vector<16xf32>
      %gather3A_965 = arith.constant 0 : i32
      %gather3A_966 = arith.constant 0 : i32
      %gather3A_967 = arith.constant 0 : i32
      %gather3A_968 = tpu.memref_slice %arg9[%gather3A_965, %gather3A_966, %gather3A_967] : memref<2x16x1024xf32, #tpu.memory_space<vmem>> -> memref<1x16x1024xf32, #tpu.memory_space<vmem>>
      %gather3A_969 = tpu.memref_squeeze %gather3A_968 : memref<1x16x1024xf32, #tpu.memory_space<vmem>> -> memref<16x1024xf32, #tpu.memory_space<vmem>>
      %gather3A_970 = tpu.vector_load_idx %gather3A_969[%broadcast_in_dim3A_17, %add3A_917] : memref<16x1024xf32, #tpu.memory_space<vmem>>[vector<16xi32>, vector<16xi32>], vector<16xf32>,
      %gather3A_971 = arith.constant 0 : i32
      %gather3A_972 = arith.constant 0 : i32
      %gather3A_973 = arith.constant 0 : i32
      %gather3A_974 = tpu.memref_slice %arg10[%gather3A_971, %gather3A_972, %gather3A_973] : memref<2x16x1024xf32, #tpu.memory_space<vmem>> -> memref<1x16x1024xf32, #tpu.memory_space<vmem>>
      %gather3A_975 = tpu.memref_squeeze %gather3A_974 : memref<1x16x1024xf32, #tpu.memory_space<vmem>> -> memref<16x1024xf32, #tpu.memory_space<vmem>>
      %gather3A_976 = tpu.vector_load_idx %gather3A_975[%broadcast_in_dim3A_17, %add3A_921] : memref<16x1024xf32, #tpu.memory_space<vmem>>[vector<16xi32>, vector<16xi32>], vector<16xf32>,
      %mul3A_977 = arith.mulf %gather3A_970, %gather3A_976 : vector<16xf32>
      %add3A_978 = arith.addf %add3A_964, %mul3A_977 : vector<16xf32>
      %gather3A_979 = arith.constant 0 : i32
      %gather3A_980 = arith.constant 0 : i32
      %gather3A_981 = arith.constant 0 : i32
      %gather3A_982 = tpu.memref_slice %arg9[%gather3A_979, %gather3A_980, %gather3A_981] : memref<2x16x1024xf32, #tpu.memory_space<vmem>> -> memref<1x16x1024xf32, #tpu.memory_space<vmem>>
      %gather3A_983 = tpu.memref_squeeze %gather3A_982 : memref<1x16x1024xf32, #tpu.memory_space<vmem>> -> memref<16x1024xf32, #tpu.memory_space<vmem>>
      %gather3A_984 = tpu.vector_load_idx %gather3A_983[%broadcast_in_dim3A_19, %add3A_917] : memref<16x1024xf32, #tpu.memory_space<vmem>>[vector<16xi32>, vector<16xi32>], vector<16xf32>,
      %gather3A_985 = arith.constant 0 : i32
      %gather3A_986 = arith.constant 0 : i32
      %gather3A_987 = arith.constant 0 : i32
      %gather3A_988 = tpu.memref_slice %arg10[%gather3A_985, %gather3A_986, %gather3A_987] : memref<2x16x1024xf32, #tpu.memory_space<vmem>> -> memref<1x16x1024xf32, #tpu.memory_space<vmem>>
      %gather3A_989 = tpu.memref_squeeze %gather3A_988 : memref<1x16x1024xf32, #tpu.memory_space<vmem>> -> memref<16x1024xf32, #tpu.memory_space<vmem>>
      %gather3A_990 = tpu.vector_load_idx %gather3A_989[%broadcast_in_dim3A_19, %add3A_921] : memref<16x1024xf32, #tpu.memory_space<vmem>>[vector<16xi32>, vector<16xi32>], vector<16xf32>,
      %mul3A_991 = arith.mulf %gather3A_984, %gather3A_990 : vector<16xf32>
      %add3A_992 = arith.addf %add3A_978, %mul3A_991 : vector<16xf32>
      %gather3A_993 = arith.constant 0 : i32
      %gather3A_994 = arith.constant 0 : i32
      %gather3A_995 = arith.constant 0 : i32
      %gather3A_996 = tpu.memref_slice %arg9[%gather3A_993, %gather3A_994, %gather3A_995] : memref<2x16x1024xf32, #tpu.memory_space<vmem>> -> memref<1x16x1024xf32, #tpu.memory_space<vmem>>
      %gather3A_997 = tpu.memref_squeeze %gather3A_996 : memref<1x16x1024xf32, #tpu.memory_space<vmem>> -> memref<16x1024xf32, #tpu.memory_space<vmem>>
      %gather3A_998 = tpu.vector_load_idx %gather3A_997[%broadcast_in_dim3A_21, %add3A_917] : memref<16x1024xf32, #tpu.memory_space<vmem>>[vector<16xi32>, vector<16xi32>], vector<16xf32>,
      %gather3A_999 = arith.constant 0 : i32
      %gather3A_1000 = arith.constant 0 : i32
      %gather3A_1001 = arith.constant 0 : i32
      %gather3A_1002 = tpu.memref_slice %arg10[%gather3A_999, %gather3A_1000, %gather3A_1001] : memref<2x16x1024xf32, #tpu.memory_space<vmem>> -> memref<1x16x1024xf32, #tpu.memory_space<vmem>>
      %gather3A_1003 = tpu.memref_squeeze %gather3A_1002 : memref<1x16x1024xf32, #tpu.memory_space<vmem>> -> memref<16x1024xf32, #tpu.memory_space<vmem>>
      %gather3A_1004 = tpu.vector_load_idx %gather3A_1003[%broadcast_in_dim3A_21, %add3A_921] : memref<16x1024xf32, #tpu.memory_space<vmem>>[vector<16xi32>, vector<16xi32>], vector<16xf32>,
      %mul3A_1005 = arith.mulf %gather3A_998, %gather3A_1004 : vector<16xf32>
      %add3A_1006 = arith.addf %add3A_992, %mul3A_1005 : vector<16xf32>
      %gather3A_1007 = arith.constant 0 : i32
      %gather3A_1008 = arith.constant 0 : i32
      %gather3A_1009 = arith.constant 0 : i32
      %gather3A_1010 = tpu.memref_slice %arg9[%gather3A_1007, %gather3A_1008, %gather3A_1009] : memref<2x16x1024xf32, #tpu.memory_space<vmem>> -> memref<1x16x1024xf32, #tpu.memory_space<vmem>>
      %gather3A_1011 = tpu.memref_squeeze %gather3A_1010 : memref<1x16x1024xf32, #tpu.memory_space<vmem>> -> memref<16x1024xf32, #tpu.memory_space<vmem>>
      %gather3A_1012 = tpu.vector_load_idx %gather3A_1011[%broadcast_in_dim3A_23, %add3A_917] : memref<16x1024xf32, #tpu.memory_space<vmem>>[vector<16xi32>, vector<16xi32>], vector<16xf32>,
      %gather3A_1013 = arith.constant 0 : i32
      %gather3A_1014 = arith.constant 0 : i32
      %gather3A_1015 = arith.constant 0 : i32
      %gather3A_1016 = tpu.memref_slice %arg10[%gather3A_1013, %gather3A_1014, %gather3A_1015] : memref<2x16x1024xf32, #tpu.memory_space<vmem>> -> memref<1x16x1024xf32, #tpu.memory_space<vmem>>
      %gather3A_1017 = tpu.memref_squeeze %gather3A_1016 : memref<1x16x1024xf32, #tpu.memory_space<vmem>> -> memref<16x1024xf32, #tpu.memory_space<vmem>>
      %gather3A_1018 = tpu.vector_load_idx %gather3A_1017[%broadcast_in_dim3A_23, %add3A_921] : memref<16x1024xf32, #tpu.memory_space<vmem>>[vector<16xi32>, vector<16xi32>], vector<16xf32>,
      %mul3A_1019 = arith.mulf %gather3A_1012, %gather3A_1018 : vector<16xf32>
      %add3A_1020 = arith.addf %add3A_1006, %mul3A_1019 : vector<16xf32>
      %gather3A_1021 = arith.constant 0 : i32
      %gather3A_1022 = arith.constant 0 : i32
      %gather3A_1023 = arith.constant 0 : i32
      %gather3A_1024 = tpu.memref_slice %arg9[%gather3A_1021, %gather3A_1022, %gather3A_1023] : memref<2x16x1024xf32, #tpu.memory_space<vmem>> -> memref<1x16x1024xf32, #tpu.memory_space<vmem>>
      %gather3A_1025 = tpu.memref_squeeze %gather3A_1024 : memref<1x16x1024xf32, #tpu.memory_space<vmem>> -> memref<16x1024xf32, #tpu.memory_space<vmem>>
      %gather3A_1026 = tpu.vector_load_idx %gather3A_1025[%broadcast_in_dim3A_25, %add3A_917] : memref<16x1024xf32, #tpu.memory_space<vmem>>[vector<16xi32>, vector<16xi32>], vector<16xf32>,
      %gather3A_1027 = arith.constant 0 : i32
      %gather3A_1028 = arith.constant 0 : i32
      %gather3A_1029 = arith.constant 0 : i32
      %gather3A_1030 = tpu.memref_slice %arg10[%gather3A_1027, %gather3A_1028, %gather3A_1029] : memref<2x16x1024xf32, #tpu.memory_space<vmem>> -> memref<1x16x1024xf32, #tpu.memory_space<vmem>>
      %gather3A_1031 = tpu.memref_squeeze %gather3A_1030 : memref<1x16x1024xf32, #tpu.memory_space<vmem>> -> memref<16x1024xf32, #tpu.memory_space<vmem>>
      %gather3A_1032 = tpu.vector_load_idx %gather3A_1031[%broadcast_in_dim3A_25, %add3A_921] : memref<16x1024xf32, #tpu.memory_space<vmem>>[vector<16xi32>, vector<16xi32>], vector<16xf32>,
      %mul3A_1033 = arith.mulf %gather3A_1026, %gather3A_1032 : vector<16xf32>
      %add3A_1034 = arith.addf %add3A_1020, %mul3A_1033 : vector<16xf32>
      %gather3A_1035 = arith.constant 0 : i32
      %gather3A_1036 = arith.constant 0 : i32
      %gather3A_1037 = arith.constant 0 : i32
      %gather3A_1038 = tpu.memref_slice %arg9[%gather3A_1035, %gather3A_1036, %gather3A_1037] : memref<2x16x1024xf32, #tpu.memory_space<vmem>> -> memref<1x16x1024xf32, #tpu.memory_space<vmem>>
      %gather3A_1039 = tpu.memref_squeeze %gather3A_1038 : memref<1x16x1024xf32, #tpu.memory_space<vmem>> -> memref<16x1024xf32, #tpu.memory_space<vmem>>
      %gather3A_1040 = tpu.vector_load_idx %gather3A_1039[%broadcast_in_dim3A_27, %add3A_917] : memref<16x1024xf32, #tpu.memory_space<vmem>>[vector<16xi32>, vector<16xi32>], vector<16xf32>,
      %gather3A_1041 = arith.constant 0 : i32
      %gather3A_1042 = arith.constant 0 : i32
      %gather3A_1043 = arith.constant 0 : i32
      %gather3A_1044 = tpu.memref_slice %arg10[%gather3A_1041, %gather3A_1042, %gather3A_1043] : memref<2x16x1024xf32, #tpu.memory_space<vmem>> -> memref<1x16x1024xf32, #tpu.memory_space<vmem>>
      %gather3A_1045 = tpu.memref_squeeze %gather3A_1044 : memref<1x16x1024xf32, #tpu.memory_space<vmem>> -> memref<16x1024xf32, #tpu.memory_space<vmem>>
      %gather3A_1046 = tpu.vector_load_idx %gather3A_1045[%broadcast_in_dim3A_27, %add3A_921] : memref<16x1024xf32, #tpu.memory_space<vmem>>[vector<16xi32>, vector<16xi32>], vector<16xf32>,
      %mul3A_1047 = arith.mulf %gather3A_1040, %gather3A_1046 : vector<16xf32>
      %add3A_1048 = arith.addf %add3A_1034, %mul3A_1047 : vector<16xf32>
      %gather3A_1049 = arith.constant 0 : i32
      %gather3A_1050 = arith.constant 0 : i32
      %gather3A_1051 = arith.constant 0 : i32
      %gather3A_1052 = tpu.memref_slice %arg9[%gather3A_1049, %gather3A_1050, %gather3A_1051] : memref<2x16x1024xf32, #tpu.memory_space<vmem>> -> memref<1x16x1024xf32, #tpu.memory_space<vmem>>
      %gather3A_1053 = tpu.memref_squeeze %gather3A_1052 : memref<1x16x1024xf32, #tpu.memory_space<vmem>> -> memref<16x1024xf32, #tpu.memory_space<vmem>>
      %gather3A_1054 = tpu.vector_load_idx %gather3A_1053[%broadcast_in_dim3A_29, %add3A_917] : memref<16x1024xf32, #tpu.memory_space<vmem>>[vector<16xi32>, vector<16xi32>], vector<16xf32>,
      %gather3A_1055 = arith.constant 0 : i32
      %gather3A_1056 = arith.constant 0 : i32
      %gather3A_1057 = arith.constant 0 : i32
      %gather3A_1058 = tpu.memref_slice %arg10[%gather3A_1055, %gather3A_1056, %gather3A_1057] : memref<2x16x1024xf32, #tpu.memory_space<vmem>> -> memref<1x16x1024xf32, #tpu.memory_space<vmem>>
      %gather3A_1059 = tpu.memref_squeeze %gather3A_1058 : memref<1x16x1024xf32, #tpu.memory_space<vmem>> -> memref<16x1024xf32, #tpu.memory_space<vmem>>
      %gather3A_1060 = tpu.vector_load_idx %gather3A_1059[%broadcast_in_dim3A_29, %add3A_921] : memref<16x1024xf32, #tpu.memory_space<vmem>>[vector<16xi32>, vector<16xi32>], vector<16xf32>,
      %mul3A_1061 = arith.mulf %gather3A_1054, %gather3A_1060 : vector<16xf32>
      %add3A_1062 = arith.addf %add3A_1048, %mul3A_1061 : vector<16xf32>
      %gather3A_1063 = arith.constant 0 : i32
      %gather3A_1064 = arith.constant 0 : i32
      %gather3A_1065 = arith.constant 0 : i32
      %gather3A_1066 = tpu.memref_slice %arg9[%gather3A_1063, %gather3A_1064, %gather3A_1065] : memref<2x16x1024xf32, #tpu.memory_space<vmem>> -> memref<1x16x1024xf32, #tpu.memory_space<vmem>>
      %gather3A_1067 = tpu.memref_squeeze %gather3A_1066 : memref<1x16x1024xf32, #tpu.memory_space<vmem>> -> memref<16x1024xf32, #tpu.memory_space<vmem>>
      %gather3A_1068 = tpu.vector_load_idx %gather3A_1067[%broadcast_in_dim3A_31, %add3A_917] : memref<16x1024xf32, #tpu.memory_space<vmem>>[vector<16xi32>, vector<16xi32>], vector<16xf32>,
      %gather3A_1069 = arith.constant 0 : i32
      %gather3A_1070 = arith.constant 0 : i32
      %gather3A_1071 = arith.constant 0 : i32
      %gather3A_1072 = tpu.memref_slice %arg10[%gather3A_1069, %gather3A_1070, %gather3A_1071] : memref<2x16x1024xf32, #tpu.memory_space<vmem>> -> memref<1x16x1024xf32, #tpu.memory_space<vmem>>
      %gather3A_1073 = tpu.memref_squeeze %gather3A_1072 : memref<1x16x1024xf32, #tpu.memory_space<vmem>> -> memref<16x1024xf32, #tpu.memory_space<vmem>>
      %gather3A_1074 = tpu.vector_load_idx %gather3A_1073[%broadcast_in_dim3A_31, %add3A_921] : memref<16x1024xf32, #tpu.memory_space<vmem>>[vector<16xi32>, vector<16xi32>], vector<16xf32>,
      %mul3A_1075 = arith.mulf %gather3A_1068, %gather3A_1074 : vector<16xf32>
      %add3A_1076 = arith.addf %add3A_1062, %mul3A_1075 : vector<16xf32>
      %gather3A_1077 = arith.constant 0 : i32
      %gather3A_1078 = arith.constant 0 : i32
      %gather3A_1079 = arith.constant 0 : i32
      %gather3A_1080 = tpu.memref_slice %arg9[%gather3A_1077, %gather3A_1078, %gather3A_1079] : memref<2x16x1024xf32, #tpu.memory_space<vmem>> -> memref<1x16x1024xf32, #tpu.memory_space<vmem>>
      %gather3A_1081 = tpu.memref_squeeze %gather3A_1080 : memref<1x16x1024xf32, #tpu.memory_space<vmem>> -> memref<16x1024xf32, #tpu.memory_space<vmem>>
      %gather3A_1082 = tpu.vector_load_idx %gather3A_1081[%broadcast_in_dim3A_33, %add3A_917] : memref<16x1024xf32, #tpu.memory_space<vmem>>[vector<16xi32>, vector<16xi32>], vector<16xf32>,
      %gather3A_1083 = arith.constant 0 : i32
      %gather3A_1084 = arith.constant 0 : i32
      %gather3A_1085 = arith.constant 0 : i32
      %gather3A_1086 = tpu.memref_slice %arg10[%gather3A_1083, %gather3A_1084, %gather3A_1085] : memref<2x16x1024xf32, #tpu.memory_space<vmem>> -> memref<1x16x1024xf32, #tpu.memory_space<vmem>>
      %gather3A_1087 = tpu.memref_squeeze %gather3A_1086 : memref<1x16x1024xf32, #tpu.memory_space<vmem>> -> memref<16x1024xf32, #tpu.memory_space<vmem>>
      %gather3A_1088 = tpu.vector_load_idx %gather3A_1087[%broadcast_in_dim3A_33, %add3A_921] : memref<16x1024xf32, #tpu.memory_space<vmem>>[vector<16xi32>, vector<16xi32>], vector<16xf32>,
      %mul3A_1089 = arith.mulf %gather3A_1082, %gather3A_1088 : vector<16xf32>
      %add3A_1090 = arith.addf %add3A_1076, %mul3A_1089 : vector<16xf32>
      %gather3A_1091 = arith.constant 0 : i32
      %gather3A_1092 = arith.constant 0 : i32
      %gather3A_1093 = arith.constant 0 : i32
      %gather3A_1094 = tpu.memref_slice %arg9[%gather3A_1091, %gather3A_1092, %gather3A_1093] : memref<2x16x1024xf32, #tpu.memory_space<vmem>> -> memref<1x16x1024xf32, #tpu.memory_space<vmem>>
      %gather3A_1095 = tpu.memref_squeeze %gather3A_1094 : memref<1x16x1024xf32, #tpu.memory_space<vmem>> -> memref<16x1024xf32, #tpu.memory_space<vmem>>
      %gather3A_1096 = tpu.vector_load_idx %gather3A_1095[%broadcast_in_dim3A_35, %add3A_917] : memref<16x1024xf32, #tpu.memory_space<vmem>>[vector<16xi32>, vector<16xi32>], vector<16xf32>,
      %gather3A_1097 = arith.constant 0 : i32
      %gather3A_1098 = arith.constant 0 : i32
      %gather3A_1099 = arith.constant 0 : i32
      %gather3A_1100 = tpu.memref_slice %arg10[%gather3A_1097, %gather3A_1098, %gather3A_1099] : memref<2x16x1024xf32, #tpu.memory_space<vmem>> -> memref<1x16x1024xf32, #tpu.memory_space<vmem>>
      %gather3A_1101 = tpu.memref_squeeze %gather3A_1100 : memref<1x16x1024xf32, #tpu.memory_space<vmem>> -> memref<16x1024xf32, #tpu.memory_space<vmem>>
      %gather3A_1102 = tpu.vector_load_idx %gather3A_1101[%broadcast_in_dim3A_35, %add3A_921] : memref<16x1024xf32, #tpu.memory_space<vmem>>[vector<16xi32>, vector<16xi32>], vector<16xf32>,
      %mul3A_1103 = arith.mulf %gather3A_1096, %gather3A_1102 : vector<16xf32>
      %add3A_1104 = arith.addf %add3A_1090, %mul3A_1103 : vector<16xf32>
      %gather3A_1105 = arith.constant 0 : i32
      %gather3A_1106 = arith.constant 0 : i32
      %gather3A_1107 = arith.constant 0 : i32
      %gather3A_1108 = tpu.memref_slice %arg9[%gather3A_1105, %gather3A_1106, %gather3A_1107] : memref<2x16x1024xf32, #tpu.memory_space<vmem>> -> memref<1x16x1024xf32, #tpu.memory_space<vmem>>
      %gather3A_1109 = tpu.memref_squeeze %gather3A_1108 : memref<1x16x1024xf32, #tpu.memory_space<vmem>> -> memref<16x1024xf32, #tpu.memory_space<vmem>>
      %gather3A_1110 = tpu.vector_load_idx %gather3A_1109[%broadcast_in_dim3A_37, %add3A_917] : memref<16x1024xf32, #tpu.memory_space<vmem>>[vector<16xi32>, vector<16xi32>], vector<16xf32>,
      %gather3A_1111 = arith.constant 0 : i32
      %gather3A_1112 = arith.constant 0 : i32
      %gather3A_1113 = arith.constant 0 : i32
      %gather3A_1114 = tpu.memref_slice %arg10[%gather3A_1111, %gather3A_1112, %gather3A_1113] : memref<2x16x1024xf32, #tpu.memory_space<vmem>> -> memref<1x16x1024xf32, #tpu.memory_space<vmem>>
      %gather3A_1115 = tpu.memref_squeeze %gather3A_1114 : memref<1x16x1024xf32, #tpu.memory_space<vmem>> -> memref<16x1024xf32, #tpu.memory_space<vmem>>
      %gather3A_1116 = tpu.vector_load_idx %gather3A_1115[%broadcast_in_dim3A_37, %add3A_921] : memref<16x1024xf32, #tpu.memory_space<vmem>>[vector<16xi32>, vector<16xi32>], vector<16xf32>,
      %mul3A_1117 = arith.mulf %gather3A_1110, %gather3A_1116 : vector<16xf32>
      %add3A_1118 = arith.addf %add3A_1104, %mul3A_1117 : vector<16xf32>
      %gather3A_1119 = arith.constant 0 : i32
      %gather3A_1120 = arith.constant 0 : i32
      %gather3A_1121 = arith.constant 0 : i32
      %gather3A_1122 = tpu.memref_slice %arg9[%gather3A_1119, %gather3A_1120, %gather3A_1121] : memref<2x16x1024xf32, #tpu.memory_space<vmem>> -> memref<1x16x1024xf32, #tpu.memory_space<vmem>>
      %gather3A_1123 = tpu.memref_squeeze %gather3A_1122 : memref<1x16x1024xf32, #tpu.memory_space<vmem>> -> memref<16x1024xf32, #tpu.memory_space<vmem>>
      %gather3A_1124 = tpu.vector_load_idx %gather3A_1123[%broadcast_in_dim3A_39, %add3A_917] : memref<16x1024xf32, #tpu.memory_space<vmem>>[vector<16xi32>, vector<16xi32>], vector<16xf32>,
      %gather3A_1125 = arith.constant 0 : i32
      %gather3A_1126 = arith.constant 0 : i32
      %gather3A_1127 = arith.constant 0 : i32
      %gather3A_1128 = tpu.memref_slice %arg10[%gather3A_1125, %gather3A_1126, %gather3A_1127] : memref<2x16x1024xf32, #tpu.memory_space<vmem>> -> memref<1x16x1024xf32, #tpu.memory_space<vmem>>
      %gather3A_1129 = tpu.memref_squeeze %gather3A_1128 : memref<1x16x1024xf32, #tpu.memory_space<vmem>> -> memref<16x1024xf32, #tpu.memory_space<vmem>>
      %gather3A_1130 = tpu.vector_load_idx %gather3A_1129[%broadcast_in_dim3A_39, %add3A_921] : memref<16x1024xf32, #tpu.memory_space<vmem>>[vector<16xi32>, vector<16xi32>], vector<16xf32>,
      %mul3A_1131 = arith.mulf %gather3A_1124, %gather3A_1130 : vector<16xf32>
      %add3A_1132 = arith.addf %add3A_1118, %mul3A_1131 : vector<16xf32>
      %gather3A_1133 = arith.constant 0 : i32
      %gather3A_1134 = arith.constant 0 : i32
      %gather3A_1135 = arith.constant 0 : i32
      %gather3A_1136 = tpu.memref_slice %arg9[%gather3A_1133, %gather3A_1134, %gather3A_1135] : memref<2x16x1024xf32, #tpu.memory_space<vmem>> -> memref<1x16x1024xf32, #tpu.memory_space<vmem>>
      %gather3A_1137 = tpu.memref_squeeze %gather3A_1136 : memref<1x16x1024xf32, #tpu.memory_space<vmem>> -> memref<16x1024xf32, #tpu.memory_space<vmem>>
      %gather3A_1138 = tpu.vector_load_idx %gather3A_1137[%broadcast_in_dim3A_41, %add3A_917] : memref<16x1024xf32, #tpu.memory_space<vmem>>[vector<16xi32>, vector<16xi32>], vector<16xf32>,
      %gather3A_1139 = arith.constant 0 : i32
      %gather3A_1140 = arith.constant 0 : i32
      %gather3A_1141 = arith.constant 0 : i32
      %gather3A_1142 = tpu.memref_slice %arg10[%gather3A_1139, %gather3A_1140, %gather3A_1141] : memref<2x16x1024xf32, #tpu.memory_space<vmem>> -> memref<1x16x1024xf32, #tpu.memory_space<vmem>>
      %gather3A_1143 = tpu.memref_squeeze %gather3A_1142 : memref<1x16x1024xf32, #tpu.memory_space<vmem>> -> memref<16x1024xf32, #tpu.memory_space<vmem>>
      %gather3A_1144 = tpu.vector_load_idx %gather3A_1143[%broadcast_in_dim3A_41, %add3A_921] : memref<16x1024xf32, #tpu.memory_space<vmem>>[vector<16xi32>, vector<16xi32>], vector<16xf32>,
      %mul3A_1145 = arith.mulf %gather3A_1138, %gather3A_1144 : vector<16xf32>
      %add3A_1146 = arith.addf %add3A_1132, %mul3A_1145 : vector<16xf32>
      %lt3A_1147 = arith.constant 31 : i32
      %lt3A_1148 = arith.cmpi slt, %add3A_460, %lt3A_1147 : i32
      %convert_element_type3A = arith.extui %lt3A_1148 : i1 to i32
      %cond3A = arith.constant 0 : i32
      %cond3A_1149 = arith.cmpi ne, %convert_element_type3A, %cond3A : i32
      scf.if %cond3A_1149 {
        %add3A_1428 = arith.constant 1 : i32
        %add3A_1429 = arith.addi %add3A_460, %add3A_1428 : i32
        %mul3A_1430 = arith.constant 16 : i32
        %mul3A_1431 = arith.muli %add3A_1429, %mul3A_1430 : i32
        %get3A_1432 = arith.index_cast %mul3A_1431 : i32 to index
        %get3A_1433 = tpu.vector_load %arg7[%get3A_1432] {strides = array<i32>} : memref<512xi32, #tpu.memory_space<vmem>>, vector<16xi32>,
        %get3A_1434 = arith.index_cast %mul3A_1431 : i32 to index
        %get3A_1435 = tpu.vector_load %arg8[%get3A_1434] {strides = array<i32>} : memref<512xi32, #tpu.memory_space<vmem>>, vector<16xi32>,
        %shift_right_logical3A_1436 = arith.constant 7 : i32
        %shift_right_logical3A_1437 = vector.broadcast %shift_right_logical3A_1436 : i32 to vector<16xi32>
        %shift_right_logical3A_1438 = arith.shrui %get3A_1433, %shift_right_logical3A_1437 : vector<16xi32>
        %mul3A_1439 = arith.constant 128 : i32
        %mul3A_1440 = vector.broadcast %mul3A_1439 : i32 to vector<16xi32>
        %mul3A_1441 = arith.muli %shift_right_logical3A_1438, %mul3A_1440 : vector<16xi32>
        %shift_right_logical3A_1442 = arith.constant 7 : i32
        %shift_right_logical3A_1443 = vector.broadcast %shift_right_logical3A_1442 : i32 to vector<16xi32>
        %shift_right_logical3A_1444 = arith.shrui %get3A_1435, %shift_right_logical3A_1443 : vector<16xi32>
        %mul3A_1445 = arith.constant 128 : i32
        %mul3A_1446 = vector.broadcast %mul3A_1445 : i32 to vector<16xi32>
        %mul3A_1447 = arith.muli %shift_right_logical3A_1444, %mul3A_1446 : vector<16xi32>
        %slice3A_1448 = vector.extract_strided_slice %mul3A_1441 {offsets = [0], sizes = [1], strides = [1]} : vector<16xi32> to vector<1xi32>
        %squeeze3A_1449 = vector.extract %slice3A_1448[0] : i32 from vector<1xi32>
        %multiple_of3A_1450 = tpu.assume_multiple %squeeze3A_1449, 128 : i32
        %slice3A_1451 = vector.extract_strided_slice %mul3A_1447 {offsets = [0], sizes = [1], strides = [1]} : vector<16xi32> to vector<1xi32>
        %squeeze3A_1452 = vector.extract %slice3A_1451[0] : i32 from vector<1xi32>
        %multiple_of3A_1453 = tpu.assume_multiple %squeeze3A_1452, 128 : i32
        %dma_start3A_1454 = arith.constant 0 : i32
        %dma_start3A_1455 = arith.constant 0 : i32
        %dma_start3A_1456 = arith.constant 0 : i32
        %dma_start3A_1457 = arith.constant 0 : i32
        %dma_start3A_1458 = tpu.memref_slice %arg9[%dma_start3A_1454, %dma_start3A_1456, %dma_start3A_1457] : memref<2x16x1024xf32, #tpu.memory_space<vmem>> -> memref<1x16x1024xf32, #tpu.memory_space<vmem>>
        %dma_start3A_1459 = tpu.memref_squeeze %dma_start3A_1458 : memref<1x16x1024xf32, #tpu.memory_space<vmem>> -> memref<16x1024xf32, #tpu.memory_space<vmem>>
        %dma_start3A_1460 = arith.constant 0 : i32
        %dma_start3A_1461 = arith.constant 0 : i32
        %dma_start3A_1462 = tpu.memref_slice %dma_start3A_1459[%dma_start3A_1460, %dma_start3A_1461] : memref<16x1024xf32, #tpu.memory_space<vmem>> -> memref<16x128xf32, #tpu.memory_space<vmem>>
        %dma_start3A_1463 = arith.constant 0 : i32
        %dma_start3A_1464 = tpu.memref_slice %arg4[%dma_start3A_1463, %multiple_of3A_1450] : memref<16x1000000xf32, #tpu.memory_space<hbm>> -> memref<16x128xf32, #tpu.memory_space<hbm>>
        %dma_start3A_1465 = tpu.memref_slice %arg12[%dma_start3A_1455] : memref<2x!tpu.dma_semaphore, #tpu.memory_space<semaphore_mem>> -> memref<1x!tpu.dma_semaphore, #tpu.memory_space<semaphore_mem>>
        %dma_start3A_1466 = tpu.memref_squeeze %dma_start3A_1465 : memref<1x!tpu.dma_semaphore, #tpu.memory_space<semaphore_mem>> -> memref<!tpu.dma_semaphore, #tpu.memory_space<semaphore_mem>>
        %dma_start3A_1467 = arith.constant 0 : i32
        %dma_start3A_1468 = arith.constant 0 : i32
        %dma_start3A_1469 = tpu.memref_slice %arg9[%dma_start3A_1454, %dma_start3A_1467, %dma_start3A_1468] : memref<2x16x1024xf32, #tpu.memory_space<vmem>> -> memref<1x16x1024xf32, #tpu.memory_space<vmem>>
        %dma_start3A_1470 = tpu.memref_squeeze %dma_start3A_1469 : memref<1x16x1024xf32, #tpu.memory_space<vmem>> -> memref<16x1024xf32, #tpu.memory_space<vmem>>
        %dma_start3A_1471 = arith.constant 0 : i32
        %dma_start3A_1472 = arith.constant 0 : i32
        %dma_start3A_1473 = tpu.memref_slice %dma_start3A_1470[%dma_start3A_1471, %dma_start3A_1472] : memref<16x1024xf32, #tpu.memory_space<vmem>> -> memref<16x128xf32, #tpu.memory_space<vmem>>
        %dma_start3A_1474 = arith.constant 0 : i32
        %dma_start3A_1475 = tpu.memref_slice %arg4[%dma_start3A_1474, %multiple_of3A_1450] : memref<16x1000000xf32, #tpu.memory_space<hbm>> -> memref<16x128xf32, #tpu.memory_space<hbm>>
        tpu.enqueue_dma source(%dma_start3A_1475 : memref<16x128xf32, #tpu.memory_space<hbm>>) target(%dma_start3A_1473 : memref<16x128xf32, #tpu.memory_space<vmem>>) target_semaphore(%dma_start3A_1466 : memref<!tpu.dma_semaphore, #tpu.memory_space<semaphore_mem>>)
        %dma_start3A_1476 = arith.constant 0 : i32
        %dma_start3A_1477 = arith.constant 0 : i32
        %dma_start3A_1478 = arith.constant 0 : i32
        %dma_start3A_1479 = arith.constant 0 : i32
        %dma_start3A_1480 = tpu.memref_slice %arg10[%dma_start3A_1476, %dma_start3A_1478, %dma_start3A_1479] : memref<2x16x1024xf32, #tpu.memory_space<vmem>> -> memref<1x16x1024xf32, #tpu.memory_space<vmem>>
        %dma_start3A_1481 = tpu.memref_squeeze %dma_start3A_1480 : memref<1x16x1024xf32, #tpu.memory_space<vmem>> -> memref<16x1024xf32, #tpu.memory_space<vmem>>
        %dma_start3A_1482 = arith.constant 0 : i32
        %dma_start3A_1483 = arith.constant 0 : i32
        %dma_start3A_1484 = tpu.memref_slice %dma_start3A_1481[%dma_start3A_1482, %dma_start3A_1483] : memref<16x1024xf32, #tpu.memory_space<vmem>> -> memref<16x128xf32, #tpu.memory_space<vmem>>
        %dma_start3A_1485 = arith.constant 0 : i32
        %dma_start3A_1486 = tpu.memref_slice %arg5[%dma_start3A_1485, %multiple_of3A_1453] : memref<16x1000000xf32, #tpu.memory_space<hbm>> -> memref<16x128xf32, #tpu.memory_space<hbm>>
        %dma_start3A_1487 = tpu.memref_slice %arg13[%dma_start3A_1477] : memref<2x!tpu.dma_semaphore, #tpu.memory_space<semaphore_mem>> -> memref<1x!tpu.dma_semaphore, #tpu.memory_space<semaphore_mem>>
        %dma_start3A_1488 = tpu.memref_squeeze %dma_start3A_1487 : memref<1x!tpu.dma_semaphore, #tpu.memory_space<semaphore_mem>> -> memref<!tpu.dma_semaphore, #tpu.memory_space<semaphore_mem>>
        %dma_start3A_1489 = arith.constant 0 : i32
        %dma_start3A_1490 = arith.constant 0 : i32
        %dma_start3A_1491 = tpu.memref_slice %arg10[%dma_start3A_1476, %dma_start3A_1489, %dma_start3A_1490] : memref<2x16x1024xf32, #tpu.memory_space<vmem>> -> memref<1x16x1024xf32, #tpu.memory_space<vmem>>
        %dma_start3A_1492 = tpu.memref_squeeze %dma_start3A_1491 : memref<1x16x1024xf32, #tpu.memory_space<vmem>> -> memref<16x1024xf32, #tpu.memory_space<vmem>>
        %dma_start3A_1493 = arith.constant 0 : i32
        %dma_start3A_1494 = arith.constant 0 : i32
        %dma_start3A_1495 = tpu.memref_slice %dma_start3A_1492[%dma_start3A_1493, %dma_start3A_1494] : memref<16x1024xf32, #tpu.memory_space<vmem>> -> memref<16x128xf32, #tpu.memory_space<vmem>>
        %dma_start3A_1496 = arith.constant 0 : i32
        %dma_start3A_1497 = tpu.memref_slice %arg5[%dma_start3A_1496, %multiple_of3A_1453] : memref<16x1000000xf32, #tpu.memory_space<hbm>> -> memref<16x128xf32, #tpu.memory_space<hbm>>
        tpu.enqueue_dma source(%dma_start3A_1497 : memref<16x128xf32, #tpu.memory_space<hbm>>) target(%dma_start3A_1495 : memref<16x128xf32, #tpu.memory_space<vmem>>) target_semaphore(%dma_start3A_1488 : memref<!tpu.dma_semaphore, #tpu.memory_space<semaphore_mem>>)
        %slice3A_1498 = vector.extract_strided_slice %mul3A_1441 {offsets = [1], sizes = [1], strides = [1]} : vector<16xi32> to vector<1xi32>
        %squeeze3A_1499 = vector.extract %slice3A_1498[0] : i32 from vector<1xi32>
        %multiple_of3A_1500 = tpu.assume_multiple %squeeze3A_1499, 128 : i32
        %slice3A_1501 = vector.extract_strided_slice %mul3A_1447 {offsets = [1], sizes = [1], strides = [1]} : vector<16xi32> to vector<1xi32>
        %squeeze3A_1502 = vector.extract %slice3A_1501[0] : i32 from vector<1xi32>
        %multiple_of3A_1503 = tpu.assume_multiple %squeeze3A_1502, 128 : i32
        %dma_start3A_1504 = arith.constant 0 : i32
        %dma_start3A_1505 = arith.constant 0 : i32
        %dma_start3A_1506 = arith.constant 0 : i32
        %dma_start3A_1507 = arith.constant 0 : i32
        %dma_start3A_1508 = tpu.memref_slice %arg9[%dma_start3A_1504, %dma_start3A_1506, %dma_start3A_1507] : memref<2x16x1024xf32, #tpu.memory_space<vmem>> -> memref<1x16x1024xf32, #tpu.memory_space<vmem>>
        %dma_start3A_1509 = tpu.memref_squeeze %dma_start3A_1508 : memref<1x16x1024xf32, #tpu.memory_space<vmem>> -> memref<16x1024xf32, #tpu.memory_space<vmem>>
        %dma_start3A_1510 = arith.constant 0 : i32
        %dma_start3A_1511 = arith.constant 128 : i32
        %dma_start3A_1512 = tpu.memref_slice %dma_start3A_1509[%dma_start3A_1510, %dma_start3A_1511] : memref<16x1024xf32, #tpu.memory_space<vmem>> -> memref<16x128xf32, #tpu.memory_space<vmem>>
        %dma_start3A_1513 = arith.constant 0 : i32
        %dma_start3A_1514 = tpu.memref_slice %arg4[%dma_start3A_1513, %multiple_of3A_1500] : memref<16x1000000xf32, #tpu.memory_space<hbm>> -> memref<16x128xf32, #tpu.memory_space<hbm>>
        %dma_start3A_1515 = tpu.memref_slice %arg12[%dma_start3A_1505] : memref<2x!tpu.dma_semaphore, #tpu.memory_space<semaphore_mem>> -> memref<1x!tpu.dma_semaphore, #tpu.memory_space<semaphore_mem>>
        %dma_start3A_1516 = tpu.memref_squeeze %dma_start3A_1515 : memref<1x!tpu.dma_semaphore, #tpu.memory_space<semaphore_mem>> -> memref<!tpu.dma_semaphore, #tpu.memory_space<semaphore_mem>>
        %dma_start3A_1517 = arith.constant 0 : i32
        %dma_start3A_1518 = arith.constant 0 : i32
        %dma_start3A_1519 = tpu.memref_slice %arg9[%dma_start3A_1504, %dma_start3A_1517, %dma_start3A_1518] : memref<2x16x1024xf32, #tpu.memory_space<vmem>> -> memref<1x16x1024xf32, #tpu.memory_space<vmem>>
        %dma_start3A_1520 = tpu.memref_squeeze %dma_start3A_1519 : memref<1x16x1024xf32, #tpu.memory_space<vmem>> -> memref<16x1024xf32, #tpu.memory_space<vmem>>
        %dma_start3A_1521 = arith.constant 0 : i32
        %dma_start3A_1522 = arith.constant 128 : i32
        %dma_start3A_1523 = tpu.memref_slice %dma_start3A_1520[%dma_start3A_1521, %dma_start3A_1522] : memref<16x1024xf32, #tpu.memory_space<vmem>> -> memref<16x128xf32, #tpu.memory_space<vmem>>
        %dma_start3A_1524 = arith.constant 0 : i32
        %dma_start3A_1525 = tpu.memref_slice %arg4[%dma_start3A_1524, %multiple_of3A_1500] : memref<16x1000000xf32, #tpu.memory_space<hbm>> -> memref<16x128xf32, #tpu.memory_space<hbm>>
        tpu.enqueue_dma source(%dma_start3A_1525 : memref<16x128xf32, #tpu.memory_space<hbm>>) target(%dma_start3A_1523 : memref<16x128xf32, #tpu.memory_space<vmem>>) target_semaphore(%dma_start3A_1516 : memref<!tpu.dma_semaphore, #tpu.memory_space<semaphore_mem>>)
        %dma_start3A_1526 = arith.constant 0 : i32
        %dma_start3A_1527 = arith.constant 0 : i32
        %dma_start3A_1528 = arith.constant 0 : i32
        %dma_start3A_1529 = arith.constant 0 : i32
        %dma_start3A_1530 = tpu.memref_slice %arg10[%dma_start3A_1526, %dma_start3A_1528, %dma_start3A_1529] : memref<2x16x1024xf32, #tpu.memory_space<vmem>> -> memref<1x16x1024xf32, #tpu.memory_space<vmem>>
        %dma_start3A_1531 = tpu.memref_squeeze %dma_start3A_1530 : memref<1x16x1024xf32, #tpu.memory_space<vmem>> -> memref<16x1024xf32, #tpu.memory_space<vmem>>
        %dma_start3A_1532 = arith.constant 0 : i32
        %dma_start3A_1533 = arith.constant 128 : i32
        %dma_start3A_1534 = tpu.memref_slice %dma_start3A_1531[%dma_start3A_1532, %dma_start3A_1533] : memref<16x1024xf32, #tpu.memory_space<vmem>> -> memref<16x128xf32, #tpu.memory_space<vmem>>
        %dma_start3A_1535 = arith.constant 0 : i32
        %dma_start3A_1536 = tpu.memref_slice %arg5[%dma_start3A_1535, %multiple_of3A_1503] : memref<16x1000000xf32, #tpu.memory_space<hbm>> -> memref<16x128xf32, #tpu.memory_space<hbm>>
        %dma_start3A_1537 = tpu.memref_slice %arg13[%dma_start3A_1527] : memref<2x!tpu.dma_semaphore, #tpu.memory_space<semaphore_mem>> -> memref<1x!tpu.dma_semaphore, #tpu.memory_space<semaphore_mem>>
        %dma_start3A_1538 = tpu.memref_squeeze %dma_start3A_1537 : memref<1x!tpu.dma_semaphore, #tpu.memory_space<semaphore_mem>> -> memref<!tpu.dma_semaphore, #tpu.memory_space<semaphore_mem>>
        %dma_start3A_1539 = arith.constant 0 : i32
        %dma_start3A_1540 = arith.constant 0 : i32
        %dma_start3A_1541 = tpu.memref_slice %arg10[%dma_start3A_1526, %dma_start3A_1539, %dma_start3A_1540] : memref<2x16x1024xf32, #tpu.memory_space<vmem>> -> memref<1x16x1024xf32, #tpu.memory_space<vmem>>
        %dma_start3A_1542 = tpu.memref_squeeze %dma_start3A_1541 : memref<1x16x1024xf32, #tpu.memory_space<vmem>> -> memref<16x1024xf32, #tpu.memory_space<vmem>>
        %dma_start3A_1543 = arith.constant 0 : i32
        %dma_start3A_1544 = arith.constant 128 : i32
        %dma_start3A_1545 = tpu.memref_slice %dma_start3A_1542[%dma_start3A_1543, %dma_start3A_1544] : memref<16x1024xf32, #tpu.memory_space<vmem>> -> memref<16x128xf32, #tpu.memory_space<vmem>>
        %dma_start3A_1546 = arith.constant 0 : i32
        %dma_start3A_1547 = tpu.memref_slice %arg5[%dma_start3A_1546, %multiple_of3A_1503] : memref<16x1000000xf32, #tpu.memory_space<hbm>> -> memref<16x128xf32, #tpu.memory_space<hbm>>
        tpu.enqueue_dma source(%dma_start3A_1547 : memref<16x128xf32, #tpu.memory_space<hbm>>) target(%dma_start3A_1545 : memref<16x128xf32, #tpu.memory_space<vmem>>) target_semaphore(%dma_start3A_1538 : memref<!tpu.dma_semaphore, #tpu.memory_space<semaphore_mem>>)
        %slice3A_1548 = vector.extract_strided_slice %mul3A_1441 {offsets = [2], sizes = [1], strides = [1]} : vector<16xi32> to vector<1xi32>
        %squeeze3A_1549 = vector.extract %slice3A_1548[0] : i32 from vector<1xi32>
        %multiple_of3A_1550 = tpu.assume_multiple %squeeze3A_1549, 128 : i32
        %slice3A_1551 = vector.extract_strided_slice %mul3A_1447 {offsets = [2], sizes = [1], strides = [1]} : vector<16xi32> to vector<1xi32>
        %squeeze3A_1552 = vector.extract %slice3A_1551[0] : i32 from vector<1xi32>
        %multiple_of3A_1553 = tpu.assume_multiple %squeeze3A_1552, 128 : i32
        %dma_start3A_1554 = arith.constant 0 : i32
        %dma_start3A_1555 = arith.constant 0 : i32
        %dma_start3A_1556 = arith.constant 0 : i32
        %dma_start3A_1557 = arith.constant 0 : i32
        %dma_start3A_1558 = tpu.memref_slice %arg9[%dma_start3A_1554, %dma_start3A_1556, %dma_start3A_1557] : memref<2x16x1024xf32, #tpu.memory_space<vmem>> -> memref<1x16x1024xf32, #tpu.memory_space<vmem>>
        %dma_start3A_1559 = tpu.memref_squeeze %dma_start3A_1558 : memref<1x16x1024xf32, #tpu.memory_space<vmem>> -> memref<16x1024xf32, #tpu.memory_space<vmem>>
        %dma_start3A_1560 = arith.constant 0 : i32
        %dma_start3A_1561 = arith.constant 256 : i32
        %dma_start3A_1562 = tpu.memref_slice %dma_start3A_1559[%dma_start3A_1560, %dma_start3A_1561] : memref<16x1024xf32, #tpu.memory_space<vmem>> -> memref<16x128xf32, #tpu.memory_space<vmem>>
        %dma_start3A_1563 = arith.constant 0 : i32
        %dma_start3A_1564 = tpu.memref_slice %arg4[%dma_start3A_1563, %multiple_of3A_1550] : memref<16x1000000xf32, #tpu.memory_space<hbm>> -> memref<16x128xf32, #tpu.memory_space<hbm>>
        %dma_start3A_1565 = tpu.memref_slice %arg12[%dma_start3A_1555] : memref<2x!tpu.dma_semaphore, #tpu.memory_space<semaphore_mem>> -> memref<1x!tpu.dma_semaphore, #tpu.memory_space<semaphore_mem>>
        %dma_start3A_1566 = tpu.memref_squeeze %dma_start3A_1565 : memref<1x!tpu.dma_semaphore, #tpu.memory_space<semaphore_mem>> -> memref<!tpu.dma_semaphore, #tpu.memory_space<semaphore_mem>>
        %dma_start3A_1567 = arith.constant 0 : i32
        %dma_start3A_1568 = arith.constant 0 : i32
        %dma_start3A_1569 = tpu.memref_slice %arg9[%dma_start3A_1554, %dma_start3A_1567, %dma_start3A_1568] : memref<2x16x1024xf32, #tpu.memory_space<vmem>> -> memref<1x16x1024xf32, #tpu.memory_space<vmem>>
        %dma_start3A_1570 = tpu.memref_squeeze %dma_start3A_1569 : memref<1x16x1024xf32, #tpu.memory_space<vmem>> -> memref<16x1024xf32, #tpu.memory_space<vmem>>
        %dma_start3A_1571 = arith.constant 0 : i32
        %dma_start3A_1572 = arith.constant 256 : i32
        %dma_start3A_1573 = tpu.memref_slice %dma_start3A_1570[%dma_start3A_1571, %dma_start3A_1572] : memref<16x1024xf32, #tpu.memory_space<vmem>> -> memref<16x128xf32, #tpu.memory_space<vmem>>
        %dma_start3A_1574 = arith.constant 0 : i32
        %dma_start3A_1575 = tpu.memref_slice %arg4[%dma_start3A_1574, %multiple_of3A_1550] : memref<16x1000000xf32, #tpu.memory_space<hbm>> -> memref<16x128xf32, #tpu.memory_space<hbm>>
        tpu.enqueue_dma source(%dma_start3A_1575 : memref<16x128xf32, #tpu.memory_space<hbm>>) target(%dma_start3A_1573 : memref<16x128xf32, #tpu.memory_space<vmem>>) target_semaphore(%dma_start3A_1566 : memref<!tpu.dma_semaphore, #tpu.memory_space<semaphore_mem>>)
        %dma_start3A_1576 = arith.constant 0 : i32
        %dma_start3A_1577 = arith.constant 0 : i32
        %dma_start3A_1578 = arith.constant 0 : i32
        %dma_start3A_1579 = arith.constant 0 : i32
        %dma_start3A_1580 = tpu.memref_slice %arg10[%dma_start3A_1576, %dma_start3A_1578, %dma_start3A_1579] : memref<2x16x1024xf32, #tpu.memory_space<vmem>> -> memref<1x16x1024xf32, #tpu.memory_space<vmem>>
        %dma_start3A_1581 = tpu.memref_squeeze %dma_start3A_1580 : memref<1x16x1024xf32, #tpu.memory_space<vmem>> -> memref<16x1024xf32, #tpu.memory_space<vmem>>
        %dma_start3A_1582 = arith.constant 0 : i32
        %dma_start3A_1583 = arith.constant 256 : i32
        %dma_start3A_1584 = tpu.memref_slice %dma_start3A_1581[%dma_start3A_1582, %dma_start3A_1583] : memref<16x1024xf32, #tpu.memory_space<vmem>> -> memref<16x128xf32, #tpu.memory_space<vmem>>
        %dma_start3A_1585 = arith.constant 0 : i32
        %dma_start3A_1586 = tpu.memref_slice %arg5[%dma_start3A_1585, %multiple_of3A_1553] : memref<16x1000000xf32, #tpu.memory_space<hbm>> -> memref<16x128xf32, #tpu.memory_space<hbm>>
        %dma_start3A_1587 = tpu.memref_slice %arg13[%dma_start3A_1577] : memref<2x!tpu.dma_semaphore, #tpu.memory_space<semaphore_mem>> -> memref<1x!tpu.dma_semaphore, #tpu.memory_space<semaphore_mem>>
        %dma_start3A_1588 = tpu.memref_squeeze %dma_start3A_1587 : memref<1x!tpu.dma_semaphore, #tpu.memory_space<semaphore_mem>> -> memref<!tpu.dma_semaphore, #tpu.memory_space<semaphore_mem>>
        %dma_start3A_1589 = arith.constant 0 : i32
        %dma_start3A_1590 = arith.constant 0 : i32
        %dma_start3A_1591 = tpu.memref_slice %arg10[%dma_start3A_1576, %dma_start3A_1589, %dma_start3A_1590] : memref<2x16x1024xf32, #tpu.memory_space<vmem>> -> memref<1x16x1024xf32, #tpu.memory_space<vmem>>
        %dma_start3A_1592 = tpu.memref_squeeze %dma_start3A_1591 : memref<1x16x1024xf32, #tpu.memory_space<vmem>> -> memref<16x1024xf32, #tpu.memory_space<vmem>>
        %dma_start3A_1593 = arith.constant 0 : i32
        %dma_start3A_1594 = arith.constant 256 : i32
        %dma_start3A_1595 = tpu.memref_slice %dma_start3A_1592[%dma_start3A_1593, %dma_start3A_1594] : memref<16x1024xf32, #tpu.memory_space<vmem>> -> memref<16x128xf32, #tpu.memory_space<vmem>>
        %dma_start3A_1596 = arith.constant 0 : i32
        %dma_start3A_1597 = tpu.memref_slice %arg5[%dma_start3A_1596, %multiple_of3A_1553] : memref<16x1000000xf32, #tpu.memory_space<hbm>> -> memref<16x128xf32, #tpu.memory_space<hbm>>
        tpu.enqueue_dma source(%dma_start3A_1597 : memref<16x128xf32, #tpu.memory_space<hbm>>) target(%dma_start3A_1595 : memref<16x128xf32, #tpu.memory_space<vmem>>) target_semaphore(%dma_start3A_1588 : memref<!tpu.dma_semaphore, #tpu.memory_space<semaphore_mem>>)
        %slice3A_1598 = vector.extract_strided_slice %mul3A_1441 {offsets = [3], sizes = [1], strides = [1]} : vector<16xi32> to vector<1xi32>
        %squeeze3A_1599 = vector.extract %slice3A_1598[0] : i32 from vector<1xi32>
        %multiple_of3A_1600 = tpu.assume_multiple %squeeze3A_1599, 128 : i32
        %slice3A_1601 = vector.extract_strided_slice %mul3A_1447 {offsets = [3], sizes = [1], strides = [1]} : vector<16xi32> to vector<1xi32>
        %squeeze3A_1602 = vector.extract %slice3A_1601[0] : i32 from vector<1xi32>
        %multiple_of3A_1603 = tpu.assume_multiple %squeeze3A_1602, 128 : i32
        %dma_start3A_1604 = arith.constant 0 : i32
        %dma_start3A_1605 = arith.constant 0 : i32
        %dma_start3A_1606 = arith.constant 0 : i32
        %dma_start3A_1607 = arith.constant 0 : i32
        %dma_start3A_1608 = tpu.memref_slice %arg9[%dma_start3A_1604, %dma_start3A_1606, %dma_start3A_1607] : memref<2x16x1024xf32, #tpu.memory_space<vmem>> -> memref<1x16x1024xf32, #tpu.memory_space<vmem>>
        %dma_start3A_1609 = tpu.memref_squeeze %dma_start3A_1608 : memref<1x16x1024xf32, #tpu.memory_space<vmem>> -> memref<16x1024xf32, #tpu.memory_space<vmem>>
        %dma_start3A_1610 = arith.constant 0 : i32
        %dma_start3A_1611 = arith.constant 384 : i32
        %dma_start3A_1612 = tpu.memref_slice %dma_start3A_1609[%dma_start3A_1610, %dma_start3A_1611] : memref<16x1024xf32, #tpu.memory_space<vmem>> -> memref<16x128xf32, #tpu.memory_space<vmem>>
        %dma_start3A_1613 = arith.constant 0 : i32
        %dma_start3A_1614 = tpu.memref_slice %arg4[%dma_start3A_1613, %multiple_of3A_1600] : memref<16x1000000xf32, #tpu.memory_space<hbm>> -> memref<16x128xf32, #tpu.memory_space<hbm>>
        %dma_start3A_1615 = tpu.memref_slice %arg12[%dma_start3A_1605] : memref<2x!tpu.dma_semaphore, #tpu.memory_space<semaphore_mem>> -> memref<1x!tpu.dma_semaphore, #tpu.memory_space<semaphore_mem>>
        %dma_start3A_1616 = tpu.memref_squeeze %dma_start3A_1615 : memref<1x!tpu.dma_semaphore, #tpu.memory_space<semaphore_mem>> -> memref<!tpu.dma_semaphore, #tpu.memory_space<semaphore_mem>>
        %dma_start3A_1617 = arith.constant 0 : i32
        %dma_start3A_1618 = arith.constant 0 : i32
        %dma_start3A_1619 = tpu.memref_slice %arg9[%dma_start3A_1604, %dma_start3A_1617, %dma_start3A_1618] : memref<2x16x1024xf32, #tpu.memory_space<vmem>> -> memref<1x16x1024xf32, #tpu.memory_space<vmem>>
        %dma_start3A_1620 = tpu.memref_squeeze %dma_start3A_1619 : memref<1x16x1024xf32, #tpu.memory_space<vmem>> -> memref<16x1024xf32, #tpu.memory_space<vmem>>
        %dma_start3A_1621 = arith.constant 0 : i32
        %dma_start3A_1622 = arith.constant 384 : i32
        %dma_start3A_1623 = tpu.memref_slice %dma_start3A_1620[%dma_start3A_1621, %dma_start3A_1622] : memref<16x1024xf32, #tpu.memory_space<vmem>> -> memref<16x128xf32, #tpu.memory_space<vmem>>
        %dma_start3A_1624 = arith.constant 0 : i32
        %dma_start3A_1625 = tpu.memref_slice %arg4[%dma_start3A_1624, %multiple_of3A_1600] : memref<16x1000000xf32, #tpu.memory_space<hbm>> -> memref<16x128xf32, #tpu.memory_space<hbm>>
        tpu.enqueue_dma source(%dma_start3A_1625 : memref<16x128xf32, #tpu.memory_space<hbm>>) target(%dma_start3A_1623 : memref<16x128xf32, #tpu.memory_space<vmem>>) target_semaphore(%dma_start3A_1616 : memref<!tpu.dma_semaphore, #tpu.memory_space<semaphore_mem>>)
        %dma_start3A_1626 = arith.constant 0 : i32
        %dma_start3A_1627 = arith.constant 0 : i32
        %dma_start3A_1628 = arith.constant 0 : i32
        %dma_start3A_1629 = arith.constant 0 : i32
        %dma_start3A_1630 = tpu.memref_slice %arg10[%dma_start3A_1626, %dma_start3A_1628, %dma_start3A_1629] : memref<2x16x1024xf32, #tpu.memory_space<vmem>> -> memref<1x16x1024xf32, #tpu.memory_space<vmem>>
        %dma_start3A_1631 = tpu.memref_squeeze %dma_start3A_1630 : memref<1x16x1024xf32, #tpu.memory_space<vmem>> -> memref<16x1024xf32, #tpu.memory_space<vmem>>
        %dma_start3A_1632 = arith.constant 0 : i32
        %dma_start3A_1633 = arith.constant 384 : i32
        %dma_start3A_1634 = tpu.memref_slice %dma_start3A_1631[%dma_start3A_1632, %dma_start3A_1633] : memref<16x1024xf32, #tpu.memory_space<vmem>> -> memref<16x128xf32, #tpu.memory_space<vmem>>
        %dma_start3A_1635 = arith.constant 0 : i32
        %dma_start3A_1636 = tpu.memref_slice %arg5[%dma_start3A_1635, %multiple_of3A_1603] : memref<16x1000000xf32, #tpu.memory_space<hbm>> -> memref<16x128xf32, #tpu.memory_space<hbm>>
        %dma_start3A_1637 = tpu.memref_slice %arg13[%dma_start3A_1627] : memref<2x!tpu.dma_semaphore, #tpu.memory_space<semaphore_mem>> -> memref<1x!tpu.dma_semaphore, #tpu.memory_space<semaphore_mem>>
        %dma_start3A_1638 = tpu.memref_squeeze %dma_start3A_1637 : memref<1x!tpu.dma_semaphore, #tpu.memory_space<semaphore_mem>> -> memref<!tpu.dma_semaphore, #tpu.memory_space<semaphore_mem>>
        %dma_start3A_1639 = arith.constant 0 : i32
        %dma_start3A_1640 = arith.constant 0 : i32
        %dma_start3A_1641 = tpu.memref_slice %arg10[%dma_start3A_1626, %dma_start3A_1639, %dma_start3A_1640] : memref<2x16x1024xf32, #tpu.memory_space<vmem>> -> memref<1x16x1024xf32, #tpu.memory_space<vmem>>
        %dma_start3A_1642 = tpu.memref_squeeze %dma_start3A_1641 : memref<1x16x1024xf32, #tpu.memory_space<vmem>> -> memref<16x1024xf32, #tpu.memory_space<vmem>>
        %dma_start3A_1643 = arith.constant 0 : i32
        %dma_start3A_1644 = arith.constant 384 : i32
        %dma_start3A_1645 = tpu.memref_slice %dma_start3A_1642[%dma_start3A_1643, %dma_start3A_1644] : memref<16x1024xf32, #tpu.memory_space<vmem>> -> memref<16x128xf32, #tpu.memory_space<vmem>>
        %dma_start3A_1646 = arith.constant 0 : i32
        %dma_start3A_1647 = tpu.memref_slice %arg5[%dma_start3A_1646, %multiple_of3A_1603] : memref<16x1000000xf32, #tpu.memory_space<hbm>> -> memref<16x128xf32, #tpu.memory_space<hbm>>
        tpu.enqueue_dma source(%dma_start3A_1647 : memref<16x128xf32, #tpu.memory_space<hbm>>) target(%dma_start3A_1645 : memref<16x128xf32, #tpu.memory_space<vmem>>) target_semaphore(%dma_start3A_1638 : memref<!tpu.dma_semaphore, #tpu.memory_space<semaphore_mem>>)
        %slice3A_1648 = vector.extract_strided_slice %mul3A_1441 {offsets = [4], sizes = [1], strides = [1]} : vector<16xi32> to vector<1xi32>
        %squeeze3A_1649 = vector.extract %slice3A_1648[0] : i32 from vector<1xi32>
        %multiple_of3A_1650 = tpu.assume_multiple %squeeze3A_1649, 128 : i32
        %slice3A_1651 = vector.extract_strided_slice %mul3A_1447 {offsets = [4], sizes = [1], strides = [1]} : vector<16xi32> to vector<1xi32>
        %squeeze3A_1652 = vector.extract %slice3A_1651[0] : i32 from vector<1xi32>
        %multiple_of3A_1653 = tpu.assume_multiple %squeeze3A_1652, 128 : i32
        %dma_start3A_1654 = arith.constant 0 : i32
        %dma_start3A_1655 = arith.constant 0 : i32
        %dma_start3A_1656 = arith.constant 0 : i32
        %dma_start3A_1657 = arith.constant 0 : i32
        %dma_start3A_1658 = tpu.memref_slice %arg9[%dma_start3A_1654, %dma_start3A_1656, %dma_start3A_1657] : memref<2x16x1024xf32, #tpu.memory_space<vmem>> -> memref<1x16x1024xf32, #tpu.memory_space<vmem>>
        %dma_start3A_1659 = tpu.memref_squeeze %dma_start3A_1658 : memref<1x16x1024xf32, #tpu.memory_space<vmem>> -> memref<16x1024xf32, #tpu.memory_space<vmem>>
        %dma_start3A_1660 = arith.constant 0 : i32
        %dma_start3A_1661 = arith.constant 512 : i32
        %dma_start3A_1662 = tpu.memref_slice %dma_start3A_1659[%dma_start3A_1660, %dma_start3A_1661] : memref<16x1024xf32, #tpu.memory_space<vmem>> -> memref<16x128xf32, #tpu.memory_space<vmem>>
        %dma_start3A_1663 = arith.constant 0 : i32
        %dma_start3A_1664 = tpu.memref_slice %arg4[%dma_start3A_1663, %multiple_of3A_1650] : memref<16x1000000xf32, #tpu.memory_space<hbm>> -> memref<16x128xf32, #tpu.memory_space<hbm>>
        %dma_start3A_1665 = tpu.memref_slice %arg12[%dma_start3A_1655] : memref<2x!tpu.dma_semaphore, #tpu.memory_space<semaphore_mem>> -> memref<1x!tpu.dma_semaphore, #tpu.memory_space<semaphore_mem>>
        %dma_start3A_1666 = tpu.memref_squeeze %dma_start3A_1665 : memref<1x!tpu.dma_semaphore, #tpu.memory_space<semaphore_mem>> -> memref<!tpu.dma_semaphore, #tpu.memory_space<semaphore_mem>>
        %dma_start3A_1667 = arith.constant 0 : i32
        %dma_start3A_1668 = arith.constant 0 : i32
        %dma_start3A_1669 = tpu.memref_slice %arg9[%dma_start3A_1654, %dma_start3A_1667, %dma_start3A_1668] : memref<2x16x1024xf32, #tpu.memory_space<vmem>> -> memref<1x16x1024xf32, #tpu.memory_space<vmem>>
        %dma_start3A_1670 = tpu.memref_squeeze %dma_start3A_1669 : memref<1x16x1024xf32, #tpu.memory_space<vmem>> -> memref<16x1024xf32, #tpu.memory_space<vmem>>
        %dma_start3A_1671 = arith.constant 0 : i32
        %dma_start3A_1672 = arith.constant 512 : i32
        %dma_start3A_1673 = tpu.memref_slice %dma_start3A_1670[%dma_start3A_1671, %dma_start3A_1672] : memref<16x1024xf32, #tpu.memory_space<vmem>> -> memref<16x128xf32, #tpu.memory_space<vmem>>
        %dma_start3A_1674 = arith.constant 0 : i32
        %dma_start3A_1675 = tpu.memref_slice %arg4[%dma_start3A_1674, %multiple_of3A_1650] : memref<16x1000000xf32, #tpu.memory_space<hbm>> -> memref<16x128xf32, #tpu.memory_space<hbm>>
        tpu.enqueue_dma source(%dma_start3A_1675 : memref<16x128xf32, #tpu.memory_space<hbm>>) target(%dma_start3A_1673 : memref<16x128xf32, #tpu.memory_space<vmem>>) target_semaphore(%dma_start3A_1666 : memref<!tpu.dma_semaphore, #tpu.memory_space<semaphore_mem>>)
        %dma_start3A_1676 = arith.constant 0 : i32
        %dma_start3A_1677 = arith.constant 0 : i32
        %dma_start3A_1678 = arith.constant 0 : i32
        %dma_start3A_1679 = arith.constant 0 : i32
        %dma_start3A_1680 = tpu.memref_slice %arg10[%dma_start3A_1676, %dma_start3A_1678, %dma_start3A_1679] : memref<2x16x1024xf32, #tpu.memory_space<vmem>> -> memref<1x16x1024xf32, #tpu.memory_space<vmem>>
        %dma_start3A_1681 = tpu.memref_squeeze %dma_start3A_1680 : memref<1x16x1024xf32, #tpu.memory_space<vmem>> -> memref<16x1024xf32, #tpu.memory_space<vmem>>
        %dma_start3A_1682 = arith.constant 0 : i32
        %dma_start3A_1683 = arith.constant 512 : i32
        %dma_start3A_1684 = tpu.memref_slice %dma_start3A_1681[%dma_start3A_1682, %dma_start3A_1683] : memref<16x1024xf32, #tpu.memory_space<vmem>> -> memref<16x128xf32, #tpu.memory_space<vmem>>
        %dma_start3A_1685 = arith.constant 0 : i32
        %dma_start3A_1686 = tpu.memref_slice %arg5[%dma_start3A_1685, %multiple_of3A_1653] : memref<16x1000000xf32, #tpu.memory_space<hbm>> -> memref<16x128xf32, #tpu.memory_space<hbm>>
        %dma_start3A_1687 = tpu.memref_slice %arg13[%dma_start3A_1677] : memref<2x!tpu.dma_semaphore, #tpu.memory_space<semaphore_mem>> -> memref<1x!tpu.dma_semaphore, #tpu.memory_space<semaphore_mem>>
        %dma_start3A_1688 = tpu.memref_squeeze %dma_start3A_1687 : memref<1x!tpu.dma_semaphore, #tpu.memory_space<semaphore_mem>> -> memref<!tpu.dma_semaphore, #tpu.memory_space<semaphore_mem>>
        %dma_start3A_1689 = arith.constant 0 : i32
        %dma_start3A_1690 = arith.constant 0 : i32
        %dma_start3A_1691 = tpu.memref_slice %arg10[%dma_start3A_1676, %dma_start3A_1689, %dma_start3A_1690] : memref<2x16x1024xf32, #tpu.memory_space<vmem>> -> memref<1x16x1024xf32, #tpu.memory_space<vmem>>
        %dma_start3A_1692 = tpu.memref_squeeze %dma_start3A_1691 : memref<1x16x1024xf32, #tpu.memory_space<vmem>> -> memref<16x1024xf32, #tpu.memory_space<vmem>>
        %dma_start3A_1693 = arith.constant 0 : i32
        %dma_start3A_1694 = arith.constant 512 : i32
        %dma_start3A_1695 = tpu.memref_slice %dma_start3A_1692[%dma_start3A_1693, %dma_start3A_1694] : memref<16x1024xf32, #tpu.memory_space<vmem>> -> memref<16x128xf32, #tpu.memory_space<vmem>>
        %dma_start3A_1696 = arith.constant 0 : i32
        %dma_start3A_1697 = tpu.memref_slice %arg5[%dma_start3A_1696, %multiple_of3A_1653] : memref<16x1000000xf32, #tpu.memory_space<hbm>> -> memref<16x128xf32, #tpu.memory_space<hbm>>
        tpu.enqueue_dma source(%dma_start3A_1697 : memref<16x128xf32, #tpu.memory_space<hbm>>) target(%dma_start3A_1695 : memref<16x128xf32, #tpu.memory_space<vmem>>) target_semaphore(%dma_start3A_1688 : memref<!tpu.dma_semaphore, #tpu.memory_space<semaphore_mem>>)
        %slice3A_1698 = vector.extract_strided_slice %mul3A_1441 {offsets = [5], sizes = [1], strides = [1]} : vector<16xi32> to vector<1xi32>
        %squeeze3A_1699 = vector.extract %slice3A_1698[0] : i32 from vector<1xi32>
        %multiple_of3A_1700 = tpu.assume_multiple %squeeze3A_1699, 128 : i32
        %slice3A_1701 = vector.extract_strided_slice %mul3A_1447 {offsets = [5], sizes = [1], strides = [1]} : vector<16xi32> to vector<1xi32>
        %squeeze3A_1702 = vector.extract %slice3A_1701[0] : i32 from vector<1xi32>
        %multiple_of3A_1703 = tpu.assume_multiple %squeeze3A_1702, 128 : i32
        %dma_start3A_1704 = arith.constant 0 : i32
        %dma_start3A_1705 = arith.constant 0 : i32
        %dma_start3A_1706 = arith.constant 0 : i32
        %dma_start3A_1707 = arith.constant 0 : i32
        %dma_start3A_1708 = tpu.memref_slice %arg9[%dma_start3A_1704, %dma_start3A_1706, %dma_start3A_1707] : memref<2x16x1024xf32, #tpu.memory_space<vmem>> -> memref<1x16x1024xf32, #tpu.memory_space<vmem>>
        %dma_start3A_1709 = tpu.memref_squeeze %dma_start3A_1708 : memref<1x16x1024xf32, #tpu.memory_space<vmem>> -> memref<16x1024xf32, #tpu.memory_space<vmem>>
        %dma_start3A_1710 = arith.constant 0 : i32
        %dma_start3A_1711 = arith.constant 640 : i32
        %dma_start3A_1712 = tpu.memref_slice %dma_start3A_1709[%dma_start3A_1710, %dma_start3A_1711] : memref<16x1024xf32, #tpu.memory_space<vmem>> -> memref<16x128xf32, #tpu.memory_space<vmem>>
        %dma_start3A_1713 = arith.constant 0 : i32
        %dma_start3A_1714 = tpu.memref_slice %arg4[%dma_start3A_1713, %multiple_of3A_1700] : memref<16x1000000xf32, #tpu.memory_space<hbm>> -> memref<16x128xf32, #tpu.memory_space<hbm>>
        %dma_start3A_1715 = tpu.memref_slice %arg12[%dma_start3A_1705] : memref<2x!tpu.dma_semaphore, #tpu.memory_space<semaphore_mem>> -> memref<1x!tpu.dma_semaphore, #tpu.memory_space<semaphore_mem>>
        %dma_start3A_1716 = tpu.memref_squeeze %dma_start3A_1715 : memref<1x!tpu.dma_semaphore, #tpu.memory_space<semaphore_mem>> -> memref<!tpu.dma_semaphore, #tpu.memory_space<semaphore_mem>>
        %dma_start3A_1717 = arith.constant 0 : i32
        %dma_start3A_1718 = arith.constant 0 : i32
        %dma_start3A_1719 = tpu.memref_slice %arg9[%dma_start3A_1704, %dma_start3A_1717, %dma_start3A_1718] : memref<2x16x1024xf32, #tpu.memory_space<vmem>> -> memref<1x16x1024xf32, #tpu.memory_space<vmem>>
        %dma_start3A_1720 = tpu.memref_squeeze %dma_start3A_1719 : memref<1x16x1024xf32, #tpu.memory_space<vmem>> -> memref<16x1024xf32, #tpu.memory_space<vmem>>
        %dma_start3A_1721 = arith.constant 0 : i32
        %dma_start3A_1722 = arith.constant 640 : i32
        %dma_start3A_1723 = tpu.memref_slice %dma_start3A_1720[%dma_start3A_1721, %dma_start3A_1722] : memref<16x1024xf32, #tpu.memory_space<vmem>> -> memref<16x128xf32, #tpu.memory_space<vmem>>
        %dma_start3A_1724 = arith.constant 0 : i32
        %dma_start3A_1725 = tpu.memref_slice %arg4[%dma_start3A_1724, %multiple_of3A_1700] : memref<16x1000000xf32, #tpu.memory_space<hbm>> -> memref<16x128xf32, #tpu.memory_space<hbm>>
        tpu.enqueue_dma source(%dma_start3A_1725 : memref<16x128xf32, #tpu.memory_space<hbm>>) target(%dma_start3A_1723 : memref<16x128xf32, #tpu.memory_space<vmem>>) target_semaphore(%dma_start3A_1716 : memref<!tpu.dma_semaphore, #tpu.memory_space<semaphore_mem>>)
        %dma_start3A_1726 = arith.constant 0 : i32
        %dma_start3A_1727 = arith.constant 0 : i32
        %dma_start3A_1728 = arith.constant 0 : i32
        %dma_start3A_1729 = arith.constant 0 : i32
        %dma_start3A_1730 = tpu.memref_slice %arg10[%dma_start3A_1726, %dma_start3A_1728, %dma_start3A_1729] : memref<2x16x1024xf32, #tpu.memory_space<vmem>> -> memref<1x16x1024xf32, #tpu.memory_space<vmem>>
        %dma_start3A_1731 = tpu.memref_squeeze %dma_start3A_1730 : memref<1x16x1024xf32, #tpu.memory_space<vmem>> -> memref<16x1024xf32, #tpu.memory_space<vmem>>
        %dma_start3A_1732 = arith.constant 0 : i32
        %dma_start3A_1733 = arith.constant 640 : i32
        %dma_start3A_1734 = tpu.memref_slice %dma_start3A_1731[%dma_start3A_1732, %dma_start3A_1733] : memref<16x1024xf32, #tpu.memory_space<vmem>> -> memref<16x128xf32, #tpu.memory_space<vmem>>
        %dma_start3A_1735 = arith.constant 0 : i32
        %dma_start3A_1736 = tpu.memref_slice %arg5[%dma_start3A_1735, %multiple_of3A_1703] : memref<16x1000000xf32, #tpu.memory_space<hbm>> -> memref<16x128xf32, #tpu.memory_space<hbm>>
        %dma_start3A_1737 = tpu.memref_slice %arg13[%dma_start3A_1727] : memref<2x!tpu.dma_semaphore, #tpu.memory_space<semaphore_mem>> -> memref<1x!tpu.dma_semaphore, #tpu.memory_space<semaphore_mem>>
        %dma_start3A_1738 = tpu.memref_squeeze %dma_start3A_1737 : memref<1x!tpu.dma_semaphore, #tpu.memory_space<semaphore_mem>> -> memref<!tpu.dma_semaphore, #tpu.memory_space<semaphore_mem>>
        %dma_start3A_1739 = arith.constant 0 : i32
        %dma_start3A_1740 = arith.constant 0 : i32
        %dma_start3A_1741 = tpu.memref_slice %arg10[%dma_start3A_1726, %dma_start3A_1739, %dma_start3A_1740] : memref<2x16x1024xf32, #tpu.memory_space<vmem>> -> memref<1x16x1024xf32, #tpu.memory_space<vmem>>
        %dma_start3A_1742 = tpu.memref_squeeze %dma_start3A_1741 : memref<1x16x1024xf32, #tpu.memory_space<vmem>> -> memref<16x1024xf32, #tpu.memory_space<vmem>>
        %dma_start3A_1743 = arith.constant 0 : i32
        %dma_start3A_1744 = arith.constant 640 : i32
        %dma_start3A_1745 = tpu.memref_slice %dma_start3A_1742[%dma_start3A_1743, %dma_start3A_1744] : memref<16x1024xf32, #tpu.memory_space<vmem>> -> memref<16x128xf32, #tpu.memory_space<vmem>>
        %dma_start3A_1746 = arith.constant 0 : i32
        %dma_start3A_1747 = tpu.memref_slice %arg5[%dma_start3A_1746, %multiple_of3A_1703] : memref<16x1000000xf32, #tpu.memory_space<hbm>> -> memref<16x128xf32, #tpu.memory_space<hbm>>
        tpu.enqueue_dma source(%dma_start3A_1747 : memref<16x128xf32, #tpu.memory_space<hbm>>) target(%dma_start3A_1745 : memref<16x128xf32, #tpu.memory_space<vmem>>) target_semaphore(%dma_start3A_1738 : memref<!tpu.dma_semaphore, #tpu.memory_space<semaphore_mem>>)
        %slice3A_1748 = vector.extract_strided_slice %mul3A_1441 {offsets = [6], sizes = [1], strides = [1]} : vector<16xi32> to vector<1xi32>
        %squeeze3A_1749 = vector.extract %slice3A_1748[0] : i32 from vector<1xi32>
        %multiple_of3A_1750 = tpu.assume_multiple %squeeze3A_1749, 128 : i32
        %slice3A_1751 = vector.extract_strided_slice %mul3A_1447 {offsets = [6], sizes = [1], strides = [1]} : vector<16xi32> to vector<1xi32>
        %squeeze3A_1752 = vector.extract %slice3A_1751[0] : i32 from vector<1xi32>
        %multiple_of3A_1753 = tpu.assume_multiple %squeeze3A_1752, 128 : i32
        %dma_start3A_1754 = arith.constant 0 : i32
        %dma_start3A_1755 = arith.constant 0 : i32
        %dma_start3A_1756 = arith.constant 0 : i32
        %dma_start3A_1757 = arith.constant 0 : i32
        %dma_start3A_1758 = tpu.memref_slice %arg9[%dma_start3A_1754, %dma_start3A_1756, %dma_start3A_1757] : memref<2x16x1024xf32, #tpu.memory_space<vmem>> -> memref<1x16x1024xf32, #tpu.memory_space<vmem>>
        %dma_start3A_1759 = tpu.memref_squeeze %dma_start3A_1758 : memref<1x16x1024xf32, #tpu.memory_space<vmem>> -> memref<16x1024xf32, #tpu.memory_space<vmem>>
        %dma_start3A_1760 = arith.constant 0 : i32
        %dma_start3A_1761 = arith.constant 768 : i32
        %dma_start3A_1762 = tpu.memref_slice %dma_start3A_1759[%dma_start3A_1760, %dma_start3A_1761] : memref<16x1024xf32, #tpu.memory_space<vmem>> -> memref<16x128xf32, #tpu.memory_space<vmem>>
        %dma_start3A_1763 = arith.constant 0 : i32
        %dma_start3A_1764 = tpu.memref_slice %arg4[%dma_start3A_1763, %multiple_of3A_1750] : memref<16x1000000xf32, #tpu.memory_space<hbm>> -> memref<16x128xf32, #tpu.memory_space<hbm>>
        %dma_start3A_1765 = tpu.memref_slice %arg12[%dma_start3A_1755] : memref<2x!tpu.dma_semaphore, #tpu.memory_space<semaphore_mem>> -> memref<1x!tpu.dma_semaphore, #tpu.memory_space<semaphore_mem>>
        %dma_start3A_1766 = tpu.memref_squeeze %dma_start3A_1765 : memref<1x!tpu.dma_semaphore, #tpu.memory_space<semaphore_mem>> -> memref<!tpu.dma_semaphore, #tpu.memory_space<semaphore_mem>>
        %dma_start3A_1767 = arith.constant 0 : i32
        %dma_start3A_1768 = arith.constant 0 : i32
        %dma_start3A_1769 = tpu.memref_slice %arg9[%dma_start3A_1754, %dma_start3A_1767, %dma_start3A_1768] : memref<2x16x1024xf32, #tpu.memory_space<vmem>> -> memref<1x16x1024xf32, #tpu.memory_space<vmem>>
        %dma_start3A_1770 = tpu.memref_squeeze %dma_start3A_1769 : memref<1x16x1024xf32, #tpu.memory_space<vmem>> -> memref<16x1024xf32, #tpu.memory_space<vmem>>
        %dma_start3A_1771 = arith.constant 0 : i32
        %dma_start3A_1772 = arith.constant 768 : i32
        %dma_start3A_1773 = tpu.memref_slice %dma_start3A_1770[%dma_start3A_1771, %dma_start3A_1772] : memref<16x1024xf32, #tpu.memory_space<vmem>> -> memref<16x128xf32, #tpu.memory_space<vmem>>
        %dma_start3A_1774 = arith.constant 0 : i32
        %dma_start3A_1775 = tpu.memref_slice %arg4[%dma_start3A_1774, %multiple_of3A_1750] : memref<16x1000000xf32, #tpu.memory_space<hbm>> -> memref<16x128xf32, #tpu.memory_space<hbm>>
        tpu.enqueue_dma source(%dma_start3A_1775 : memref<16x128xf32, #tpu.memory_space<hbm>>) target(%dma_start3A_1773 : memref<16x128xf32, #tpu.memory_space<vmem>>) target_semaphore(%dma_start3A_1766 : memref<!tpu.dma_semaphore, #tpu.memory_space<semaphore_mem>>)
        %dma_start3A_1776 = arith.constant 0 : i32
        %dma_start3A_1777 = arith.constant 0 : i32
        %dma_start3A_1778 = arith.constant 0 : i32
        %dma_start3A_1779 = arith.constant 0 : i32
        %dma_start3A_1780 = tpu.memref_slice %arg10[%dma_start3A_1776, %dma_start3A_1778, %dma_start3A_1779] : memref<2x16x1024xf32, #tpu.memory_space<vmem>> -> memref<1x16x1024xf32, #tpu.memory_space<vmem>>
        %dma_start3A_1781 = tpu.memref_squeeze %dma_start3A_1780 : memref<1x16x1024xf32, #tpu.memory_space<vmem>> -> memref<16x1024xf32, #tpu.memory_space<vmem>>
        %dma_start3A_1782 = arith.constant 0 : i32
        %dma_start3A_1783 = arith.constant 768 : i32
        %dma_start3A_1784 = tpu.memref_slice %dma_start3A_1781[%dma_start3A_1782, %dma_start3A_1783] : memref<16x1024xf32, #tpu.memory_space<vmem>> -> memref<16x128xf32, #tpu.memory_space<vmem>>
        %dma_start3A_1785 = arith.constant 0 : i32
        %dma_start3A_1786 = tpu.memref_slice %arg5[%dma_start3A_1785, %multiple_of3A_1753] : memref<16x1000000xf32, #tpu.memory_space<hbm>> -> memref<16x128xf32, #tpu.memory_space<hbm>>
        %dma_start3A_1787 = tpu.memref_slice %arg13[%dma_start3A_1777] : memref<2x!tpu.dma_semaphore, #tpu.memory_space<semaphore_mem>> -> memref<1x!tpu.dma_semaphore, #tpu.memory_space<semaphore_mem>>
        %dma_start3A_1788 = tpu.memref_squeeze %dma_start3A_1787 : memref<1x!tpu.dma_semaphore, #tpu.memory_space<semaphore_mem>> -> memref<!tpu.dma_semaphore, #tpu.memory_space<semaphore_mem>>
        %dma_start3A_1789 = arith.constant 0 : i32
        %dma_start3A_1790 = arith.constant 0 : i32
        %dma_start3A_1791 = tpu.memref_slice %arg10[%dma_start3A_1776, %dma_start3A_1789, %dma_start3A_1790] : memref<2x16x1024xf32, #tpu.memory_space<vmem>> -> memref<1x16x1024xf32, #tpu.memory_space<vmem>>
        %dma_start3A_1792 = tpu.memref_squeeze %dma_start3A_1791 : memref<1x16x1024xf32, #tpu.memory_space<vmem>> -> memref<16x1024xf32, #tpu.memory_space<vmem>>
        %dma_start3A_1793 = arith.constant 0 : i32
        %dma_start3A_1794 = arith.constant 768 : i32
        %dma_start3A_1795 = tpu.memref_slice %dma_start3A_1792[%dma_start3A_1793, %dma_start3A_1794] : memref<16x1024xf32, #tpu.memory_space<vmem>> -> memref<16x128xf32, #tpu.memory_space<vmem>>
        %dma_start3A_1796 = arith.constant 0 : i32
        %dma_start3A_1797 = tpu.memref_slice %arg5[%dma_start3A_1796, %multiple_of3A_1753] : memref<16x1000000xf32, #tpu.memory_space<hbm>> -> memref<16x128xf32, #tpu.memory_space<hbm>>
        tpu.enqueue_dma source(%dma_start3A_1797 : memref<16x128xf32, #tpu.memory_space<hbm>>) target(%dma_start3A_1795 : memref<16x128xf32, #tpu.memory_space<vmem>>) target_semaphore(%dma_start3A_1788 : memref<!tpu.dma_semaphore, #tpu.memory_space<semaphore_mem>>)
        %slice3A_1798 = vector.extract_strided_slice %mul3A_1441 {offsets = [7], sizes = [1], strides = [1]} : vector<16xi32> to vector<1xi32>
        %squeeze3A_1799 = vector.extract %slice3A_1798[0] : i32 from vector<1xi32>
        %multiple_of3A_1800 = tpu.assume_multiple %squeeze3A_1799, 128 : i32
        %slice3A_1801 = vector.extract_strided_slice %mul3A_1447 {offsets = [7], sizes = [1], strides = [1]} : vector<16xi32> to vector<1xi32>
        %squeeze3A_1802 = vector.extract %slice3A_1801[0] : i32 from vector<1xi32>
        %multiple_of3A_1803 = tpu.assume_multiple %squeeze3A_1802, 128 : i32
        %dma_start3A_1804 = arith.constant 0 : i32
        %dma_start3A_1805 = arith.constant 0 : i32
        %dma_start3A_1806 = arith.constant 0 : i32
        %dma_start3A_1807 = arith.constant 0 : i32
        %dma_start3A_1808 = tpu.memref_slice %arg9[%dma_start3A_1804, %dma_start3A_1806, %dma_start3A_1807] : memref<2x16x1024xf32, #tpu.memory_space<vmem>> -> memref<1x16x1024xf32, #tpu.memory_space<vmem>>
        %dma_start3A_1809 = tpu.memref_squeeze %dma_start3A_1808 : memref<1x16x1024xf32, #tpu.memory_space<vmem>> -> memref<16x1024xf32, #tpu.memory_space<vmem>>
        %dma_start3A_1810 = arith.constant 0 : i32
        %dma_start3A_1811 = arith.constant 896 : i32
        %dma_start3A_1812 = tpu.memref_slice %dma_start3A_1809[%dma_start3A_1810, %dma_start3A_1811] : memref<16x1024xf32, #tpu.memory_space<vmem>> -> memref<16x128xf32, #tpu.memory_space<vmem>>
        %dma_start3A_1813 = arith.constant 0 : i32
        %dma_start3A_1814 = tpu.memref_slice %arg4[%dma_start3A_1813, %multiple_of3A_1800] : memref<16x1000000xf32, #tpu.memory_space<hbm>> -> memref<16x128xf32, #tpu.memory_space<hbm>>
        %dma_start3A_1815 = tpu.memref_slice %arg12[%dma_start3A_1805] : memref<2x!tpu.dma_semaphore, #tpu.memory_space<semaphore_mem>> -> memref<1x!tpu.dma_semaphore, #tpu.memory_space<semaphore_mem>>
        %dma_start3A_1816 = tpu.memref_squeeze %dma_start3A_1815 : memref<1x!tpu.dma_semaphore, #tpu.memory_space<semaphore_mem>> -> memref<!tpu.dma_semaphore, #tpu.memory_space<semaphore_mem>>
        %dma_start3A_1817 = arith.constant 0 : i32
        %dma_start3A_1818 = arith.constant 0 : i32
        %dma_start3A_1819 = tpu.memref_slice %arg9[%dma_start3A_1804, %dma_start3A_1817, %dma_start3A_1818] : memref<2x16x1024xf32, #tpu.memory_space<vmem>> -> memref<1x16x1024xf32, #tpu.memory_space<vmem>>
        %dma_start3A_1820 = tpu.memref_squeeze %dma_start3A_1819 : memref<1x16x1024xf32, #tpu.memory_space<vmem>> -> memref<16x1024xf32, #tpu.memory_space<vmem>>
        %dma_start3A_1821 = arith.constant 0 : i32
        %dma_start3A_1822 = arith.constant 896 : i32
        %dma_start3A_1823 = tpu.memref_slice %dma_start3A_1820[%dma_start3A_1821, %dma_start3A_1822] : memref<16x1024xf32, #tpu.memory_space<vmem>> -> memref<16x128xf32, #tpu.memory_space<vmem>>
        %dma_start3A_1824 = arith.constant 0 : i32
        %dma_start3A_1825 = tpu.memref_slice %arg4[%dma_start3A_1824, %multiple_of3A_1800] : memref<16x1000000xf32, #tpu.memory_space<hbm>> -> memref<16x128xf32, #tpu.memory_space<hbm>>
        tpu.enqueue_dma source(%dma_start3A_1825 : memref<16x128xf32, #tpu.memory_space<hbm>>) target(%dma_start3A_1823 : memref<16x128xf32, #tpu.memory_space<vmem>>) target_semaphore(%dma_start3A_1816 : memref<!tpu.dma_semaphore, #tpu.memory_space<semaphore_mem>>)
        %dma_start3A_1826 = arith.constant 0 : i32
        %dma_start3A_1827 = arith.constant 0 : i32
        %dma_start3A_1828 = arith.constant 0 : i32
        %dma_start3A_1829 = arith.constant 0 : i32
        %dma_start3A_1830 = tpu.memref_slice %arg10[%dma_start3A_1826, %dma_start3A_1828, %dma_start3A_1829] : memref<2x16x1024xf32, #tpu.memory_space<vmem>> -> memref<1x16x1024xf32, #tpu.memory_space<vmem>>
        %dma_start3A_1831 = tpu.memref_squeeze %dma_start3A_1830 : memref<1x16x1024xf32, #tpu.memory_space<vmem>> -> memref<16x1024xf32, #tpu.memory_space<vmem>>
        %dma_start3A_1832 = arith.constant 0 : i32
        %dma_start3A_1833 = arith.constant 896 : i32
        %dma_start3A_1834 = tpu.memref_slice %dma_start3A_1831[%dma_start3A_1832, %dma_start3A_1833] : memref<16x1024xf32, #tpu.memory_space<vmem>> -> memref<16x128xf32, #tpu.memory_space<vmem>>
        %dma_start3A_1835 = arith.constant 0 : i32
        %dma_start3A_1836 = tpu.memref_slice %arg5[%dma_start3A_1835, %multiple_of3A_1803] : memref<16x1000000xf32, #tpu.memory_space<hbm>> -> memref<16x128xf32, #tpu.memory_space<hbm>>
        %dma_start3A_1837 = tpu.memref_slice %arg13[%dma_start3A_1827] : memref<2x!tpu.dma_semaphore, #tpu.memory_space<semaphore_mem>> -> memref<1x!tpu.dma_semaphore, #tpu.memory_space<semaphore_mem>>
        %dma_start3A_1838 = tpu.memref_squeeze %dma_start3A_1837 : memref<1x!tpu.dma_semaphore, #tpu.memory_space<semaphore_mem>> -> memref<!tpu.dma_semaphore, #tpu.memory_space<semaphore_mem>>
        %dma_start3A_1839 = arith.constant 0 : i32
        %dma_start3A_1840 = arith.constant 0 : i32
        %dma_start3A_1841 = tpu.memref_slice %arg10[%dma_start3A_1826, %dma_start3A_1839, %dma_start3A_1840] : memref<2x16x1024xf32, #tpu.memory_space<vmem>> -> memref<1x16x1024xf32, #tpu.memory_space<vmem>>
        %dma_start3A_1842 = tpu.memref_squeeze %dma_start3A_1841 : memref<1x16x1024xf32, #tpu.memory_space<vmem>> -> memref<16x1024xf32, #tpu.memory_space<vmem>>
        %dma_start3A_1843 = arith.constant 0 : i32
        %dma_start3A_1844 = arith.constant 896 : i32
        %dma_start3A_1845 = tpu.memref_slice %dma_start3A_1842[%dma_start3A_1843, %dma_start3A_1844] : memref<16x1024xf32, #tpu.memory_space<vmem>> -> memref<16x128xf32, #tpu.memory_space<vmem>>
        %dma_start3A_1846 = arith.constant 0 : i32
        %dma_start3A_1847 = tpu.memref_slice %arg5[%dma_start3A_1846, %multiple_of3A_1803] : memref<16x1000000xf32, #tpu.memory_space<hbm>> -> memref<16x128xf32, #tpu.memory_space<hbm>>
        tpu.enqueue_dma source(%dma_start3A_1847 : memref<16x128xf32, #tpu.memory_space<hbm>>) target(%dma_start3A_1845 : memref<16x128xf32, #tpu.memory_space<vmem>>) target_semaphore(%dma_start3A_1838 : memref<!tpu.dma_semaphore, #tpu.memory_space<semaphore_mem>>)
      } else {
      }
      %dma_wait3A_1150 = arith.constant 1 : i32
      %dma_wait3A_1151 = arith.constant 1 : i32
      %dma_wait3A_1152 = arith.constant 0 : i32
      %dma_wait3A_1153 = arith.constant 0 : i32
      %dma_wait3A_1154 = tpu.memref_slice %arg9[%dma_wait3A_1150, %dma_wait3A_1152, %dma_wait3A_1153] : memref<2x16x1024xf32, #tpu.memory_space<vmem>> -> memref<1x16x1024xf32, #tpu.memory_space<vmem>>
      %dma_wait3A_1155 = tpu.memref_squeeze %dma_wait3A_1154 : memref<1x16x1024xf32, #tpu.memory_space<vmem>> -> memref<16x1024xf32, #tpu.memory_space<vmem>>
      %dma_wait3A_1156 = arith.constant 0 : i32
      %dma_wait3A_1157 = arith.constant 0 : i32
      %dma_wait3A_1158 = tpu.memref_slice %arg4[%dma_wait3A_1156, %dma_wait3A_1157] : memref<16x1000000xf32, #tpu.memory_space<hbm>> -> memref<16x1024xf32, #tpu.memory_space<hbm>>
      %dma_wait3A_1159 = tpu.memref_slice %arg12[%dma_wait3A_1151] : memref<2x!tpu.dma_semaphore, #tpu.memory_space<semaphore_mem>> -> memref<1x!tpu.dma_semaphore, #tpu.memory_space<semaphore_mem>>
      %dma_wait3A_1160 = tpu.memref_squeeze %dma_wait3A_1159 : memref<1x!tpu.dma_semaphore, #tpu.memory_space<semaphore_mem>> -> memref<!tpu.dma_semaphore, #tpu.memory_space<semaphore_mem>>
      %dma_wait3A_1161 = arith.constant 0 : i32
      %dma_wait3A_1162 = arith.constant 0 : i32
      %dma_wait3A_1163 = tpu.memref_slice %arg9[%dma_wait3A_1150, %dma_wait3A_1161, %dma_wait3A_1162] : memref<2x16x1024xf32, #tpu.memory_space<vmem>> -> memref<1x16x1024xf32, #tpu.memory_space<vmem>>
      %dma_wait3A_1164 = tpu.memref_squeeze %dma_wait3A_1163 : memref<1x16x1024xf32, #tpu.memory_space<vmem>> -> memref<16x1024xf32, #tpu.memory_space<vmem>>
      %dma_wait3A_1165 = arith.constant 0 : i32
      %dma_wait3A_1166 = arith.constant 0 : i32
      %dma_wait3A_1167 = tpu.memref_slice %arg4[%dma_wait3A_1165, %dma_wait3A_1166] : memref<16x1000000xf32, #tpu.memory_space<hbm>> -> memref<16x1024xf32, #tpu.memory_space<hbm>>
      tpu.wait_dma2 semaphore(%dma_wait3A_1160 : memref<!tpu.dma_semaphore, #tpu.memory_space<semaphore_mem>>) src(%dma_wait3A_1167 : memref<16x1024xf32, #tpu.memory_space<hbm>>) dst(%dma_wait3A_1164 : memref<16x1024xf32, #tpu.memory_space<vmem>>)
      %dma_wait3A_1168 = arith.constant 1 : i32
      %dma_wait3A_1169 = arith.constant 1 : i32
      %dma_wait3A_1170 = arith.constant 0 : i32
      %dma_wait3A_1171 = arith.constant 0 : i32
      %dma_wait3A_1172 = tpu.memref_slice %arg10[%dma_wait3A_1168, %dma_wait3A_1170, %dma_wait3A_1171] : memref<2x16x1024xf32, #tpu.memory_space<vmem>> -> memref<1x16x1024xf32, #tpu.memory_space<vmem>>
      %dma_wait3A_1173 = tpu.memref_squeeze %dma_wait3A_1172 : memref<1x16x1024xf32, #tpu.memory_space<vmem>> -> memref<16x1024xf32, #tpu.memory_space<vmem>>
      %dma_wait3A_1174 = arith.constant 0 : i32
      %dma_wait3A_1175 = arith.constant 0 : i32
      %dma_wait3A_1176 = tpu.memref_slice %arg5[%dma_wait3A_1174, %dma_wait3A_1175] : memref<16x1000000xf32, #tpu.memory_space<hbm>> -> memref<16x1024xf32, #tpu.memory_space<hbm>>
      %dma_wait3A_1177 = tpu.memref_slice %arg13[%dma_wait3A_1169] : memref<2x!tpu.dma_semaphore, #tpu.memory_space<semaphore_mem>> -> memref<1x!tpu.dma_semaphore, #tpu.memory_space<semaphore_mem>>
      %dma_wait3A_1178 = tpu.memref_squeeze %dma_wait3A_1177 : memref<1x!tpu.dma_semaphore, #tpu.memory_space<semaphore_mem>> -> memref<!tpu.dma_semaphore, #tpu.memory_space<semaphore_mem>>
      %dma_wait3A_1179 = arith.constant 0 : i32
      %dma_wait3A_1180 = arith.constant 0 : i32
      %dma_wait3A_1181 = tpu.memref_slice %arg10[%dma_wait3A_1168, %dma_wait3A_1179, %dma_wait3A_1180] : memref<2x16x1024xf32, #tpu.memory_space<vmem>> -> memref<1x16x1024xf32, #tpu.memory_space<vmem>>
      %dma_wait3A_1182 = tpu.memref_squeeze %dma_wait3A_1181 : memref<1x16x1024xf32, #tpu.memory_space<vmem>> -> memref<16x1024xf32, #tpu.memory_space<vmem>>
      %dma_wait3A_1183 = arith.constant 0 : i32
      %dma_wait3A_1184 = arith.constant 0 : i32
      %dma_wait3A_1185 = tpu.memref_slice %arg5[%dma_wait3A_1183, %dma_wait3A_1184] : memref<16x1000000xf32, #tpu.memory_space<hbm>> -> memref<16x1024xf32, #tpu.memory_space<hbm>>
      tpu.wait_dma2 semaphore(%dma_wait3A_1178 : memref<!tpu.dma_semaphore, #tpu.memory_space<semaphore_mem>>) src(%dma_wait3A_1185 : memref<16x1024xf32, #tpu.memory_space<hbm>>) dst(%dma_wait3A_1182 : memref<16x1024xf32, #tpu.memory_space<vmem>>)
      %and3A_1186 = arith.constant 127 : i32
      %and3A_1187 = vector.broadcast %and3A_1186 : i32 to vector<16xi32>
      %and3A_1188 = arith.andi %get3A_464, %and3A_1187 : vector<16xi32>
      %add3A_1189 = arith.addi %mul3A_7, %and3A_1188 : vector<16xi32>
      %and3A_1190 = arith.constant 127 : i32
      %and3A_1191 = vector.broadcast %and3A_1190 : i32 to vector<16xi32>
      %and3A_1192 = arith.andi %get3A_466, %and3A_1191 : vector<16xi32>
      %add3A_1193 = arith.addi %mul3A_7, %and3A_1192 : vector<16xi32>
      %broadcast_in_dim3A_1194 = arith.constant 0.000000e+00 : f32
      %broadcast_in_dim3A_1195 = vector.broadcast %broadcast_in_dim3A_1194 : f32 to vector<16xf32>
      %gather3A_1196 = arith.constant 1 : i32
      %gather3A_1197 = arith.constant 0 : i32
      %gather3A_1198 = arith.constant 0 : i32
      %gather3A_1199 = tpu.memref_slice %arg9[%gather3A_1196, %gather3A_1197, %gather3A_1198] : memref<2x16x1024xf32, #tpu.memory_space<vmem>> -> memref<1x16x1024xf32, #tpu.memory_space<vmem>>
      %gather3A_1200 = tpu.memref_squeeze %gather3A_1199 : memref<1x16x1024xf32, #tpu.memory_space<vmem>> -> memref<16x1024xf32, #tpu.memory_space<vmem>>
      %gather3A_1201 = tpu.vector_load_idx %gather3A_1200[%broadcast_in_dim3A_11, %add3A_1189] : memref<16x1024xf32, #tpu.memory_space<vmem>>[vector<16xi32>, vector<16xi32>], vector<16xf32>,
      %gather3A_1202 = arith.constant 1 : i32
      %gather3A_1203 = arith.constant 0 : i32
      %gather3A_1204 = arith.constant 0 : i32
      %gather3A_1205 = tpu.memref_slice %arg10[%gather3A_1202, %gather3A_1203, %gather3A_1204] : memref<2x16x1024xf32, #tpu.memory_space<vmem>> -> memref<1x16x1024xf32, #tpu.memory_space<vmem>>
      %gather3A_1206 = tpu.memref_squeeze %gather3A_1205 : memref<1x16x1024xf32, #tpu.memory_space<vmem>> -> memref<16x1024xf32, #tpu.memory_space<vmem>>
      %gather3A_1207 = tpu.vector_load_idx %gather3A_1206[%broadcast_in_dim3A_11, %add3A_1193] : memref<16x1024xf32, #tpu.memory_space<vmem>>[vector<16xi32>, vector<16xi32>], vector<16xf32>,
      %mul3A_1208 = arith.mulf %gather3A_1201, %gather3A_1207 : vector<16xf32>
      %add3A_1209 = arith.addf %broadcast_in_dim3A_1195, %mul3A_1208 : vector<16xf32>
      %gather3A_1210 = arith.constant 1 : i32
      %gather3A_1211 = arith.constant 0 : i32
      %gather3A_1212 = arith.constant 0 : i32
      %gather3A_1213 = tpu.memref_slice %arg9[%gather3A_1210, %gather3A_1211, %gather3A_1212] : memref<2x16x1024xf32, #tpu.memory_space<vmem>> -> memref<1x16x1024xf32, #tpu.memory_space<vmem>>
      %gather3A_1214 = tpu.memref_squeeze %gather3A_1213 : memref<1x16x1024xf32, #tpu.memory_space<vmem>> -> memref<16x1024xf32, #tpu.memory_space<vmem>>
      %gather3A_1215 = tpu.vector_load_idx %gather3A_1214[%broadcast_in_dim3A_13, %add3A_1189] : memref<16x1024xf32, #tpu.memory_space<vmem>>[vector<16xi32>, vector<16xi32>], vector<16xf32>,
      %gather3A_1216 = arith.constant 1 : i32
      %gather3A_1217 = arith.constant 0 : i32
      %gather3A_1218 = arith.constant 0 : i32
      %gather3A_1219 = tpu.memref_slice %arg10[%gather3A_1216, %gather3A_1217, %gather3A_1218] : memref<2x16x1024xf32, #tpu.memory_space<vmem>> -> memref<1x16x1024xf32, #tpu.memory_space<vmem>>
      %gather3A_1220 = tpu.memref_squeeze %gather3A_1219 : memref<1x16x1024xf32, #tpu.memory_space<vmem>> -> memref<16x1024xf32, #tpu.memory_space<vmem>>
      %gather3A_1221 = tpu.vector_load_idx %gather3A_1220[%broadcast_in_dim3A_13, %add3A_1193] : memref<16x1024xf32, #tpu.memory_space<vmem>>[vector<16xi32>, vector<16xi32>], vector<16xf32>,
      %mul3A_1222 = arith.mulf %gather3A_1215, %gather3A_1221 : vector<16xf32>
      %add3A_1223 = arith.addf %add3A_1209, %mul3A_1222 : vector<16xf32>
      %gather3A_1224 = arith.constant 1 : i32
      %gather3A_1225 = arith.constant 0 : i32
      %gather3A_1226 = arith.constant 0 : i32
      %gather3A_1227 = tpu.memref_slice %arg9[%gather3A_1224, %gather3A_1225, %gather3A_1226] : memref<2x16x1024xf32, #tpu.memory_space<vmem>> -> memref<1x16x1024xf32, #tpu.memory_space<vmem>>
      %gather3A_1228 = tpu.memref_squeeze %gather3A_1227 : memref<1x16x1024xf32, #tpu.memory_space<vmem>> -> memref<16x1024xf32, #tpu.memory_space<vmem>>
      %gather3A_1229 = tpu.vector_load_idx %gather3A_1228[%broadcast_in_dim3A_15, %add3A_1189] : memref<16x1024xf32, #tpu.memory_space<vmem>>[vector<16xi32>, vector<16xi32>], vector<16xf32>,
      %gather3A_1230 = arith.constant 1 : i32
      %gather3A_1231 = arith.constant 0 : i32
      %gather3A_1232 = arith.constant 0 : i32
      %gather3A_1233 = tpu.memref_slice %arg10[%gather3A_1230, %gather3A_1231, %gather3A_1232] : memref<2x16x1024xf32, #tpu.memory_space<vmem>> -> memref<1x16x1024xf32, #tpu.memory_space<vmem>>
      %gather3A_1234 = tpu.memref_squeeze %gather3A_1233 : memref<1x16x1024xf32, #tpu.memory_space<vmem>> -> memref<16x1024xf32, #tpu.memory_space<vmem>>
      %gather3A_1235 = tpu.vector_load_idx %gather3A_1234[%broadcast_in_dim3A_15, %add3A_1193] : memref<16x1024xf32, #tpu.memory_space<vmem>>[vector<16xi32>, vector<16xi32>], vector<16xf32>,
      %mul3A_1236 = arith.mulf %gather3A_1229, %gather3A_1235 : vector<16xf32>
      %add3A_1237 = arith.addf %add3A_1223, %mul3A_1236 : vector<16xf32>
      %gather3A_1238 = arith.constant 1 : i32
      %gather3A_1239 = arith.constant 0 : i32
      %gather3A_1240 = arith.constant 0 : i32
      %gather3A_1241 = tpu.memref_slice %arg9[%gather3A_1238, %gather3A_1239, %gather3A_1240] : memref<2x16x1024xf32, #tpu.memory_space<vmem>> -> memref<1x16x1024xf32, #tpu.memory_space<vmem>>
      %gather3A_1242 = tpu.memref_squeeze %gather3A_1241 : memref<1x16x1024xf32, #tpu.memory_space<vmem>> -> memref<16x1024xf32, #tpu.memory_space<vmem>>
      %gather3A_1243 = tpu.vector_load_idx %gather3A_1242[%broadcast_in_dim3A_17, %add3A_1189] : memref<16x1024xf32, #tpu.memory_space<vmem>>[vector<16xi32>, vector<16xi32>], vector<16xf32>,
      %gather3A_1244 = arith.constant 1 : i32
      %gather3A_1245 = arith.constant 0 : i32
      %gather3A_1246 = arith.constant 0 : i32
      %gather3A_1247 = tpu.memref_slice %arg10[%gather3A_1244, %gather3A_1245, %gather3A_1246] : memref<2x16x1024xf32, #tpu.memory_space<vmem>> -> memref<1x16x1024xf32, #tpu.memory_space<vmem>>
      %gather3A_1248 = tpu.memref_squeeze %gather3A_1247 : memref<1x16x1024xf32, #tpu.memory_space<vmem>> -> memref<16x1024xf32, #tpu.memory_space<vmem>>
      %gather3A_1249 = tpu.vector_load_idx %gather3A_1248[%broadcast_in_dim3A_17, %add3A_1193] : memref<16x1024xf32, #tpu.memory_space<vmem>>[vector<16xi32>, vector<16xi32>], vector<16xf32>,
      %mul3A_1250 = arith.mulf %gather3A_1243, %gather3A_1249 : vector<16xf32>
      %add3A_1251 = arith.addf %add3A_1237, %mul3A_1250 : vector<16xf32>
      %gather3A_1252 = arith.constant 1 : i32
      %gather3A_1253 = arith.constant 0 : i32
      %gather3A_1254 = arith.constant 0 : i32
      %gather3A_1255 = tpu.memref_slice %arg9[%gather3A_1252, %gather3A_1253, %gather3A_1254] : memref<2x16x1024xf32, #tpu.memory_space<vmem>> -> memref<1x16x1024xf32, #tpu.memory_space<vmem>>
      %gather3A_1256 = tpu.memref_squeeze %gather3A_1255 : memref<1x16x1024xf32, #tpu.memory_space<vmem>> -> memref<16x1024xf32, #tpu.memory_space<vmem>>
      %gather3A_1257 = tpu.vector_load_idx %gather3A_1256[%broadcast_in_dim3A_19, %add3A_1189] : memref<16x1024xf32, #tpu.memory_space<vmem>>[vector<16xi32>, vector<16xi32>], vector<16xf32>,
      %gather3A_1258 = arith.constant 1 : i32
      %gather3A_1259 = arith.constant 0 : i32
      %gather3A_1260 = arith.constant 0 : i32
      %gather3A_1261 = tpu.memref_slice %arg10[%gather3A_1258, %gather3A_1259, %gather3A_1260] : memref<2x16x1024xf32, #tpu.memory_space<vmem>> -> memref<1x16x1024xf32, #tpu.memory_space<vmem>>
      %gather3A_1262 = tpu.memref_squeeze %gather3A_1261 : memref<1x16x1024xf32, #tpu.memory_space<vmem>> -> memref<16x1024xf32, #tpu.memory_space<vmem>>
      %gather3A_1263 = tpu.vector_load_idx %gather3A_1262[%broadcast_in_dim3A_19, %add3A_1193] : memref<16x1024xf32, #tpu.memory_space<vmem>>[vector<16xi32>, vector<16xi32>], vector<16xf32>,
      %mul3A_1264 = arith.mulf %gather3A_1257, %gather3A_1263 : vector<16xf32>
      %add3A_1265 = arith.addf %add3A_1251, %mul3A_1264 : vector<16xf32>
      %gather3A_1266 = arith.constant 1 : i32
      %gather3A_1267 = arith.constant 0 : i32
      %gather3A_1268 = arith.constant 0 : i32
      %gather3A_1269 = tpu.memref_slice %arg9[%gather3A_1266, %gather3A_1267, %gather3A_1268] : memref<2x16x1024xf32, #tpu.memory_space<vmem>> -> memref<1x16x1024xf32, #tpu.memory_space<vmem>>
      %gather3A_1270 = tpu.memref_squeeze %gather3A_1269 : memref<1x16x1024xf32, #tpu.memory_space<vmem>> -> memref<16x1024xf32, #tpu.memory_space<vmem>>
      %gather3A_1271 = tpu.vector_load_idx %gather3A_1270[%broadcast_in_dim3A_21, %add3A_1189] : memref<16x1024xf32, #tpu.memory_space<vmem>>[vector<16xi32>, vector<16xi32>], vector<16xf32>,
      %gather3A_1272 = arith.constant 1 : i32
      %gather3A_1273 = arith.constant 0 : i32
      %gather3A_1274 = arith.constant 0 : i32
      %gather3A_1275 = tpu.memref_slice %arg10[%gather3A_1272, %gather3A_1273, %gather3A_1274] : memref<2x16x1024xf32, #tpu.memory_space<vmem>> -> memref<1x16x1024xf32, #tpu.memory_space<vmem>>
      %gather3A_1276 = tpu.memref_squeeze %gather3A_1275 : memref<1x16x1024xf32, #tpu.memory_space<vmem>> -> memref<16x1024xf32, #tpu.memory_space<vmem>>
      %gather3A_1277 = tpu.vector_load_idx %gather3A_1276[%broadcast_in_dim3A_21, %add3A_1193] : memref<16x1024xf32, #tpu.memory_space<vmem>>[vector<16xi32>, vector<16xi32>], vector<16xf32>,
      %mul3A_1278 = arith.mulf %gather3A_1271, %gather3A_1277 : vector<16xf32>
      %add3A_1279 = arith.addf %add3A_1265, %mul3A_1278 : vector<16xf32>
      %gather3A_1280 = arith.constant 1 : i32
      %gather3A_1281 = arith.constant 0 : i32
      %gather3A_1282 = arith.constant 0 : i32
      %gather3A_1283 = tpu.memref_slice %arg9[%gather3A_1280, %gather3A_1281, %gather3A_1282] : memref<2x16x1024xf32, #tpu.memory_space<vmem>> -> memref<1x16x1024xf32, #tpu.memory_space<vmem>>
      %gather3A_1284 = tpu.memref_squeeze %gather3A_1283 : memref<1x16x1024xf32, #tpu.memory_space<vmem>> -> memref<16x1024xf32, #tpu.memory_space<vmem>>
      %gather3A_1285 = tpu.vector_load_idx %gather3A_1284[%broadcast_in_dim3A_23, %add3A_1189] : memref<16x1024xf32, #tpu.memory_space<vmem>>[vector<16xi32>, vector<16xi32>], vector<16xf32>,
      %gather3A_1286 = arith.constant 1 : i32
      %gather3A_1287 = arith.constant 0 : i32
      %gather3A_1288 = arith.constant 0 : i32
      %gather3A_1289 = tpu.memref_slice %arg10[%gather3A_1286, %gather3A_1287, %gather3A_1288] : memref<2x16x1024xf32, #tpu.memory_space<vmem>> -> memref<1x16x1024xf32, #tpu.memory_space<vmem>>
      %gather3A_1290 = tpu.memref_squeeze %gather3A_1289 : memref<1x16x1024xf32, #tpu.memory_space<vmem>> -> memref<16x1024xf32, #tpu.memory_space<vmem>>
      %gather3A_1291 = tpu.vector_load_idx %gather3A_1290[%broadcast_in_dim3A_23, %add3A_1193] : memref<16x1024xf32, #tpu.memory_space<vmem>>[vector<16xi32>, vector<16xi32>], vector<16xf32>,
      %mul3A_1292 = arith.mulf %gather3A_1285, %gather3A_1291 : vector<16xf32>
      %add3A_1293 = arith.addf %add3A_1279, %mul3A_1292 : vector<16xf32>
      %gather3A_1294 = arith.constant 1 : i32
      %gather3A_1295 = arith.constant 0 : i32
      %gather3A_1296 = arith.constant 0 : i32
      %gather3A_1297 = tpu.memref_slice %arg9[%gather3A_1294, %gather3A_1295, %gather3A_1296] : memref<2x16x1024xf32, #tpu.memory_space<vmem>> -> memref<1x16x1024xf32, #tpu.memory_space<vmem>>
      %gather3A_1298 = tpu.memref_squeeze %gather3A_1297 : memref<1x16x1024xf32, #tpu.memory_space<vmem>> -> memref<16x1024xf32, #tpu.memory_space<vmem>>
      %gather3A_1299 = tpu.vector_load_idx %gather3A_1298[%broadcast_in_dim3A_25, %add3A_1189] : memref<16x1024xf32, #tpu.memory_space<vmem>>[vector<16xi32>, vector<16xi32>], vector<16xf32>,
      %gather3A_1300 = arith.constant 1 : i32
      %gather3A_1301 = arith.constant 0 : i32
      %gather3A_1302 = arith.constant 0 : i32
      %gather3A_1303 = tpu.memref_slice %arg10[%gather3A_1300, %gather3A_1301, %gather3A_1302] : memref<2x16x1024xf32, #tpu.memory_space<vmem>> -> memref<1x16x1024xf32, #tpu.memory_space<vmem>>
      %gather3A_1304 = tpu.memref_squeeze %gather3A_1303 : memref<1x16x1024xf32, #tpu.memory_space<vmem>> -> memref<16x1024xf32, #tpu.memory_space<vmem>>
      %gather3A_1305 = tpu.vector_load_idx %gather3A_1304[%broadcast_in_dim3A_25, %add3A_1193] : memref<16x1024xf32, #tpu.memory_space<vmem>>[vector<16xi32>, vector<16xi32>], vector<16xf32>,
      %mul3A_1306 = arith.mulf %gather3A_1299, %gather3A_1305 : vector<16xf32>
      %add3A_1307 = arith.addf %add3A_1293, %mul3A_1306 : vector<16xf32>
      %gather3A_1308 = arith.constant 1 : i32
      %gather3A_1309 = arith.constant 0 : i32
      %gather3A_1310 = arith.constant 0 : i32
      %gather3A_1311 = tpu.memref_slice %arg9[%gather3A_1308, %gather3A_1309, %gather3A_1310] : memref<2x16x1024xf32, #tpu.memory_space<vmem>> -> memref<1x16x1024xf32, #tpu.memory_space<vmem>>
      %gather3A_1312 = tpu.memref_squeeze %gather3A_1311 : memref<1x16x1024xf32, #tpu.memory_space<vmem>> -> memref<16x1024xf32, #tpu.memory_space<vmem>>
      %gather3A_1313 = tpu.vector_load_idx %gather3A_1312[%broadcast_in_dim3A_27, %add3A_1189] : memref<16x1024xf32, #tpu.memory_space<vmem>>[vector<16xi32>, vector<16xi32>], vector<16xf32>,
      %gather3A_1314 = arith.constant 1 : i32
      %gather3A_1315 = arith.constant 0 : i32
      %gather3A_1316 = arith.constant 0 : i32
      %gather3A_1317 = tpu.memref_slice %arg10[%gather3A_1314, %gather3A_1315, %gather3A_1316] : memref<2x16x1024xf32, #tpu.memory_space<vmem>> -> memref<1x16x1024xf32, #tpu.memory_space<vmem>>
      %gather3A_1318 = tpu.memref_squeeze %gather3A_1317 : memref<1x16x1024xf32, #tpu.memory_space<vmem>> -> memref<16x1024xf32, #tpu.memory_space<vmem>>
      %gather3A_1319 = tpu.vector_load_idx %gather3A_1318[%broadcast_in_dim3A_27, %add3A_1193] : memref<16x1024xf32, #tpu.memory_space<vmem>>[vector<16xi32>, vector<16xi32>], vector<16xf32>,
      %mul3A_1320 = arith.mulf %gather3A_1313, %gather3A_1319 : vector<16xf32>
      %add3A_1321 = arith.addf %add3A_1307, %mul3A_1320 : vector<16xf32>
      %gather3A_1322 = arith.constant 1 : i32
      %gather3A_1323 = arith.constant 0 : i32
      %gather3A_1324 = arith.constant 0 : i32
      %gather3A_1325 = tpu.memref_slice %arg9[%gather3A_1322, %gather3A_1323, %gather3A_1324] : memref<2x16x1024xf32, #tpu.memory_space<vmem>> -> memref<1x16x1024xf32, #tpu.memory_space<vmem>>
      %gather3A_1326 = tpu.memref_squeeze %gather3A_1325 : memref<1x16x1024xf32, #tpu.memory_space<vmem>> -> memref<16x1024xf32, #tpu.memory_space<vmem>>
      %gather3A_1327 = tpu.vector_load_idx %gather3A_1326[%broadcast_in_dim3A_29, %add3A_1189] : memref<16x1024xf32, #tpu.memory_space<vmem>>[vector<16xi32>, vector<16xi32>], vector<16xf32>,
      %gather3A_1328 = arith.constant 1 : i32
      %gather3A_1329 = arith.constant 0 : i32
      %gather3A_1330 = arith.constant 0 : i32
      %gather3A_1331 = tpu.memref_slice %arg10[%gather3A_1328, %gather3A_1329, %gather3A_1330] : memref<2x16x1024xf32, #tpu.memory_space<vmem>> -> memref<1x16x1024xf32, #tpu.memory_space<vmem>>
      %gather3A_1332 = tpu.memref_squeeze %gather3A_1331 : memref<1x16x1024xf32, #tpu.memory_space<vmem>> -> memref<16x1024xf32, #tpu.memory_space<vmem>>
      %gather3A_1333 = tpu.vector_load_idx %gather3A_1332[%broadcast_in_dim3A_29, %add3A_1193] : memref<16x1024xf32, #tpu.memory_space<vmem>>[vector<16xi32>, vector<16xi32>], vector<16xf32>,
      %mul3A_1334 = arith.mulf %gather3A_1327, %gather3A_1333 : vector<16xf32>
      %add3A_1335 = arith.addf %add3A_1321, %mul3A_1334 : vector<16xf32>
      %gather3A_1336 = arith.constant 1 : i32
      %gather3A_1337 = arith.constant 0 : i32
      %gather3A_1338 = arith.constant 0 : i32
      %gather3A_1339 = tpu.memref_slice %arg9[%gather3A_1336, %gather3A_1337, %gather3A_1338] : memref<2x16x1024xf32, #tpu.memory_space<vmem>> -> memref<1x16x1024xf32, #tpu.memory_space<vmem>>
      %gather3A_1340 = tpu.memref_squeeze %gather3A_1339 : memref<1x16x1024xf32, #tpu.memory_space<vmem>> -> memref<16x1024xf32, #tpu.memory_space<vmem>>
      %gather3A_1341 = tpu.vector_load_idx %gather3A_1340[%broadcast_in_dim3A_31, %add3A_1189] : memref<16x1024xf32, #tpu.memory_space<vmem>>[vector<16xi32>, vector<16xi32>], vector<16xf32>,
      %gather3A_1342 = arith.constant 1 : i32
      %gather3A_1343 = arith.constant 0 : i32
      %gather3A_1344 = arith.constant 0 : i32
      %gather3A_1345 = tpu.memref_slice %arg10[%gather3A_1342, %gather3A_1343, %gather3A_1344] : memref<2x16x1024xf32, #tpu.memory_space<vmem>> -> memref<1x16x1024xf32, #tpu.memory_space<vmem>>
      %gather3A_1346 = tpu.memref_squeeze %gather3A_1345 : memref<1x16x1024xf32, #tpu.memory_space<vmem>> -> memref<16x1024xf32, #tpu.memory_space<vmem>>
      %gather3A_1347 = tpu.vector_load_idx %gather3A_1346[%broadcast_in_dim3A_31, %add3A_1193] : memref<16x1024xf32, #tpu.memory_space<vmem>>[vector<16xi32>, vector<16xi32>], vector<16xf32>,
      %mul3A_1348 = arith.mulf %gather3A_1341, %gather3A_1347 : vector<16xf32>
      %add3A_1349 = arith.addf %add3A_1335, %mul3A_1348 : vector<16xf32>
      %gather3A_1350 = arith.constant 1 : i32
      %gather3A_1351 = arith.constant 0 : i32
      %gather3A_1352 = arith.constant 0 : i32
      %gather3A_1353 = tpu.memref_slice %arg9[%gather3A_1350, %gather3A_1351, %gather3A_1352] : memref<2x16x1024xf32, #tpu.memory_space<vmem>> -> memref<1x16x1024xf32, #tpu.memory_space<vmem>>
      %gather3A_1354 = tpu.memref_squeeze %gather3A_1353 : memref<1x16x1024xf32, #tpu.memory_space<vmem>> -> memref<16x1024xf32, #tpu.memory_space<vmem>>
      %gather3A_1355 = tpu.vector_load_idx %gather3A_1354[%broadcast_in_dim3A_33, %add3A_1189] : memref<16x1024xf32, #tpu.memory_space<vmem>>[vector<16xi32>, vector<16xi32>], vector<16xf32>,
      %gather3A_1356 = arith.constant 1 : i32
      %gather3A_1357 = arith.constant 0 : i32
      %gather3A_1358 = arith.constant 0 : i32
      %gather3A_1359 = tpu.memref_slice %arg10[%gather3A_1356, %gather3A_1357, %gather3A_1358] : memref<2x16x1024xf32, #tpu.memory_space<vmem>> -> memref<1x16x1024xf32, #tpu.memory_space<vmem>>
      %gather3A_1360 = tpu.memref_squeeze %gather3A_1359 : memref<1x16x1024xf32, #tpu.memory_space<vmem>> -> memref<16x1024xf32, #tpu.memory_space<vmem>>
      %gather3A_1361 = tpu.vector_load_idx %gather3A_1360[%broadcast_in_dim3A_33, %add3A_1193] : memref<16x1024xf32, #tpu.memory_space<vmem>>[vector<16xi32>, vector<16xi32>], vector<16xf32>,
      %mul3A_1362 = arith.mulf %gather3A_1355, %gather3A_1361 : vector<16xf32>
      %add3A_1363 = arith.addf %add3A_1349, %mul3A_1362 : vector<16xf32>
      %gather3A_1364 = arith.constant 1 : i32
      %gather3A_1365 = arith.constant 0 : i32
      %gather3A_1366 = arith.constant 0 : i32
      %gather3A_1367 = tpu.memref_slice %arg9[%gather3A_1364, %gather3A_1365, %gather3A_1366] : memref<2x16x1024xf32, #tpu.memory_space<vmem>> -> memref<1x16x1024xf32, #tpu.memory_space<vmem>>
      %gather3A_1368 = tpu.memref_squeeze %gather3A_1367 : memref<1x16x1024xf32, #tpu.memory_space<vmem>> -> memref<16x1024xf32, #tpu.memory_space<vmem>>
      %gather3A_1369 = tpu.vector_load_idx %gather3A_1368[%broadcast_in_dim3A_35, %add3A_1189] : memref<16x1024xf32, #tpu.memory_space<vmem>>[vector<16xi32>, vector<16xi32>], vector<16xf32>,
      %gather3A_1370 = arith.constant 1 : i32
      %gather3A_1371 = arith.constant 0 : i32
      %gather3A_1372 = arith.constant 0 : i32
      %gather3A_1373 = tpu.memref_slice %arg10[%gather3A_1370, %gather3A_1371, %gather3A_1372] : memref<2x16x1024xf32, #tpu.memory_space<vmem>> -> memref<1x16x1024xf32, #tpu.memory_space<vmem>>
      %gather3A_1374 = tpu.memref_squeeze %gather3A_1373 : memref<1x16x1024xf32, #tpu.memory_space<vmem>> -> memref<16x1024xf32, #tpu.memory_space<vmem>>
      %gather3A_1375 = tpu.vector_load_idx %gather3A_1374[%broadcast_in_dim3A_35, %add3A_1193] : memref<16x1024xf32, #tpu.memory_space<vmem>>[vector<16xi32>, vector<16xi32>], vector<16xf32>,
      %mul3A_1376 = arith.mulf %gather3A_1369, %gather3A_1375 : vector<16xf32>
      %add3A_1377 = arith.addf %add3A_1363, %mul3A_1376 : vector<16xf32>
      %gather3A_1378 = arith.constant 1 : i32
      %gather3A_1379 = arith.constant 0 : i32
      %gather3A_1380 = arith.constant 0 : i32
      %gather3A_1381 = tpu.memref_slice %arg9[%gather3A_1378, %gather3A_1379, %gather3A_1380] : memref<2x16x1024xf32, #tpu.memory_space<vmem>> -> memref<1x16x1024xf32, #tpu.memory_space<vmem>>
      %gather3A_1382 = tpu.memref_squeeze %gather3A_1381 : memref<1x16x1024xf32, #tpu.memory_space<vmem>> -> memref<16x1024xf32, #tpu.memory_space<vmem>>
      %gather3A_1383 = tpu.vector_load_idx %gather3A_1382[%broadcast_in_dim3A_37, %add3A_1189] : memref<16x1024xf32, #tpu.memory_space<vmem>>[vector<16xi32>, vector<16xi32>], vector<16xf32>,
      %gather3A_1384 = arith.constant 1 : i32
      %gather3A_1385 = arith.constant 0 : i32
      %gather3A_1386 = arith.constant 0 : i32
      %gather3A_1387 = tpu.memref_slice %arg10[%gather3A_1384, %gather3A_1385, %gather3A_1386] : memref<2x16x1024xf32, #tpu.memory_space<vmem>> -> memref<1x16x1024xf32, #tpu.memory_space<vmem>>
      %gather3A_1388 = tpu.memref_squeeze %gather3A_1387 : memref<1x16x1024xf32, #tpu.memory_space<vmem>> -> memref<16x1024xf32, #tpu.memory_space<vmem>>
      %gather3A_1389 = tpu.vector_load_idx %gather3A_1388[%broadcast_in_dim3A_37, %add3A_1193] : memref<16x1024xf32, #tpu.memory_space<vmem>>[vector<16xi32>, vector<16xi32>], vector<16xf32>,
      %mul3A_1390 = arith.mulf %gather3A_1383, %gather3A_1389 : vector<16xf32>
      %add3A_1391 = arith.addf %add3A_1377, %mul3A_1390 : vector<16xf32>
      %gather3A_1392 = arith.constant 1 : i32
      %gather3A_1393 = arith.constant 0 : i32
      %gather3A_1394 = arith.constant 0 : i32
      %gather3A_1395 = tpu.memref_slice %arg9[%gather3A_1392, %gather3A_1393, %gather3A_1394] : memref<2x16x1024xf32, #tpu.memory_space<vmem>> -> memref<1x16x1024xf32, #tpu.memory_space<vmem>>
      %gather3A_1396 = tpu.memref_squeeze %gather3A_1395 : memref<1x16x1024xf32, #tpu.memory_space<vmem>> -> memref<16x1024xf32, #tpu.memory_space<vmem>>
      %gather3A_1397 = tpu.vector_load_idx %gather3A_1396[%broadcast_in_dim3A_39, %add3A_1189] : memref<16x1024xf32, #tpu.memory_space<vmem>>[vector<16xi32>, vector<16xi32>], vector<16xf32>,
      %gather3A_1398 = arith.constant 1 : i32
      %gather3A_1399 = arith.constant 0 : i32
      %gather3A_1400 = arith.constant 0 : i32
      %gather3A_1401 = tpu.memref_slice %arg10[%gather3A_1398, %gather3A_1399, %gather3A_1400] : memref<2x16x1024xf32, #tpu.memory_space<vmem>> -> memref<1x16x1024xf32, #tpu.memory_space<vmem>>
      %gather3A_1402 = tpu.memref_squeeze %gather3A_1401 : memref<1x16x1024xf32, #tpu.memory_space<vmem>> -> memref<16x1024xf32, #tpu.memory_space<vmem>>
      %gather3A_1403 = tpu.vector_load_idx %gather3A_1402[%broadcast_in_dim3A_39, %add3A_1193] : memref<16x1024xf32, #tpu.memory_space<vmem>>[vector<16xi32>, vector<16xi32>], vector<16xf32>,
      %mul3A_1404 = arith.mulf %gather3A_1397, %gather3A_1403 : vector<16xf32>
      %add3A_1405 = arith.addf %add3A_1391, %mul3A_1404 : vector<16xf32>
      %gather3A_1406 = arith.constant 1 : i32
      %gather3A_1407 = arith.constant 0 : i32
      %gather3A_1408 = arith.constant 0 : i32
      %gather3A_1409 = tpu.memref_slice %arg9[%gather3A_1406, %gather3A_1407, %gather3A_1408] : memref<2x16x1024xf32, #tpu.memory_space<vmem>> -> memref<1x16x1024xf32, #tpu.memory_space<vmem>>
      %gather3A_1410 = tpu.memref_squeeze %gather3A_1409 : memref<1x16x1024xf32, #tpu.memory_space<vmem>> -> memref<16x1024xf32, #tpu.memory_space<vmem>>
      %gather3A_1411 = tpu.vector_load_idx %gather3A_1410[%broadcast_in_dim3A_41, %add3A_1189] : memref<16x1024xf32, #tpu.memory_space<vmem>>[vector<16xi32>, vector<16xi32>], vector<16xf32>,
      %gather3A_1412 = arith.constant 1 : i32
      %gather3A_1413 = arith.constant 0 : i32
      %gather3A_1414 = arith.constant 0 : i32
      %gather3A_1415 = tpu.memref_slice %arg10[%gather3A_1412, %gather3A_1413, %gather3A_1414] : memref<2x16x1024xf32, #tpu.memory_space<vmem>> -> memref<1x16x1024xf32, #tpu.memory_space<vmem>>
      %gather3A_1416 = tpu.memref_squeeze %gather3A_1415 : memref<1x16x1024xf32, #tpu.memory_space<vmem>> -> memref<16x1024xf32, #tpu.memory_space<vmem>>
      %gather3A_1417 = tpu.vector_load_idx %gather3A_1416[%broadcast_in_dim3A_41, %add3A_1193] : memref<16x1024xf32, #tpu.memory_space<vmem>>[vector<16xi32>, vector<16xi32>], vector<16xf32>,
      %mul3A_1418 = arith.mulf %gather3A_1411, %gather3A_1417 : vector<16xf32>
      %add3A_1419 = arith.addf %add3A_1405, %mul3A_1418 : vector<16xf32>
      %select_n3A = arith.select %lt3A_10, %add3A_1146, %add3A_1419 : vector<16xi1>, vector<16xf32>
      %neg3A = arith.constant 0.000000e+00 : f32
      %neg3A_1420 = vector.broadcast %neg3A : f32 to vector<16xf32>
      %neg3A_1421 = arith.subf %neg3A_1420, %select_n3A : vector<16xf32>
      %exp3A = math.exp %neg3A_1421 : vector<16xf32>
      %add3A_1422 = arith.constant 1.000000e+00 : f32
      %add3A_1423 = vector.broadcast %add3A_1422 : f32 to vector<16xf32>
      %add3A_1424 = arith.addf %add3A_1423, %exp3A : vector<16xf32>
      %div3A = arith.constant 1.000000e+00 : f32
      %div3A_1425 = vector.broadcast %div3A : f32 to vector<16xf32>
      %div3A_1426 = arith.divf %div3A_1425, %add3A_1424 : vector<16xf32>
      %swap3A = arith.index_cast %mul3A_462 : i32 to index
      %swap3A_1427 = tpu.vector_load %arg11[%swap3A] {strides = array<i32>} : memref<512xf32, #tpu.memory_space<vmem>>, vector<16xf32>,
      tpu.vector_store %arg11[%swap3A], %div3A_1426 {strides = array<i32>} : memref<512xf32, #tpu.memory_space<vmem>>, vector<16xf32>,
    }
    %scan3A_455 = arith.constant 32 : i32
    "tpu.region"() ({
      %run_scoped3A = tpu.sem_alloc : memref<!tpu.dma_semaphore, #tpu.memory_space<semaphore_mem>>
      %dma_start3A_456 = tpu.memref_slice %arg6[%mul3A_2] : memref<16384xf32, #tpu.memory_space<hbm>> -> memref<512xf32, #tpu.memory_space<hbm>>
      %dma_start3A_457 = tpu.memref_slice %arg6[%mul3A_2] : memref<16384xf32, #tpu.memory_space<hbm>> -> memref<512xf32, #tpu.memory_space<hbm>>
      tpu.enqueue_dma source(%arg11 : memref<512xf32, #tpu.memory_space<vmem>>) target(%dma_start3A_457 : memref<512xf32, #tpu.memory_space<hbm>>) target_semaphore(%run_scoped3A : memref<!tpu.dma_semaphore, #tpu.memory_space<semaphore_mem>>)
      %dma_wait3A = tpu.memref_slice %arg6[%mul3A_2] : memref<16384xf32, #tpu.memory_space<hbm>> -> memref<512xf32, #tpu.memory_space<hbm>>
      %dma_wait3A_458 = tpu.memref_slice %arg6[%mul3A_2] : memref<16384xf32, #tpu.memory_space<hbm>> -> memref<512xf32, #tpu.memory_space<hbm>>
      tpu.wait_dma2 semaphore(%run_scoped3A : memref<!tpu.dma_semaphore, #tpu.memory_space<semaphore_mem>>) src(%arg11 : memref<512xf32, #tpu.memory_space<vmem>>) dst(%dma_wait3A_458 : memref<512xf32, #tpu.memory_space<hbm>>)
      tpu.yield
    }) : () -> ()
    return
  }
}

</mosaic_0001>

<sc_bundles>
// kernel: kernel.3.cloned.1.call-start
scs
__scs_entry_jumppad:
0x0: {  	(pc) =	sbr.rel $0x88, $3  }
0x1: {  	(tag) =	ssettag $0x0;
	lr =	simm.s32 $0x1  }
0x2: {  	[smem:$0x3F9D] =	sst lr;
	_ =	strace $0xD0000000  }
0x3: {  	_ = 	snop  }
0x4: {  	_ = 	snop  }
0x5: {  	_ = 	snop  }
0x6: {  	_ = 	snop  }
0x7: {  	_ = 	snop  }
__scs_overlays_trampoline_lowered:
0x8: {  	[smem:$0x3FAC] =	sst s0  }
0x9: {  	[smem:$0x3FAD] =	sst s1  }
0xa: {  	[smem:$0x3FAE] =	sst s2  }
0xb: {  	[smem:$0x3FAF] =	sst s3  }
0xc: {  	[smem:$0x3FB0] =	sst s4  }
0xd: {  	[smem:$0x3FB1] =	sst s5  }
0xe: {  	[smem:$0x3FB2] =	sst s6  }
0xf: {  	[smem:$0x3FB3] =	sst s7  }
0x10: {  	[smem:$0x3FB4] =	sst s8  }
0x11: {  	[smem:$0x3FB5] =	sst s9;
	s0 =	simm.s32 @!p0 $0x0  }
0x12: {  	s1 =	sld [smem:$0x3F9B];
	s0 =	simm.s32 @p0 $0x1  }
0x13: {  	[smem:$0x3FB6] =	sst s0;
	s0 =	simm.s32 @!p1 $0x0  }
0x14: {  	s2 =	sld [smem:$0x3F9A];
	s0 =	simm.s32 @p1 $0x1  }
0x15: {  	[smem:$0x3FB7] =	sst s0;
	s0 =	simm.s32 @!p2 $0x0  }
0x16: {  	s3 =	sld [smem:$0x3FDB];
	s0 =	simm.s32 @p2 $0x1  }
0x17: {  	s4 =	simm.s32 $0x1BF5;
	[smem:$0x3FB9] =	sst s0  }
0x18: {  	s0 =	sld [smem:$0x3F9C];
	_ =	swait.ge [sflag:s4], $0x0  }
0x19: {  	s7 =	sld [smem:$0x3F9D]  }
0x1a: {  	s8 =	sadd.s32 $0xFFFFE003, lr  }
0x1b: {  	s9 =	sadd.s32 $0xFFFFFEF7, lr;
	s5 =	simm.s32 $0xFFFFFFFF;
	p2 =	slt.u32 s8, $0xFFFFF086  }
0x1c: {  	p1 =	slt.u32 s9, $0xF7A;
	s5 =	simm.s32 @!p2 $0x0  }
0x1d: {  	s5 =	simm.s32 @p1 $0x1;
	p0 =	seq.s32 s7, s2  }
0x1e: {  	s7 =	smul.u32 @!p0 $0xF7A, s2;
	p2 =	seq.s32 @!p0 s5, $0x0  }
0x1f: {  	s9 =	smul.u32 $0xF7A, s1;
	s8 =	simm.s32 @!p0 $0x1BF5;
	p2 =	por !p2, p0  }
0x20: {  	[sflag:s8] =	ssyncset.s32 @!p0 $0xFFFFF086;
	s6 =	sadd.s32 @!p0 s3, s7;
	s7 =	simm.s32 @!p0 $0x108  }
0x21: {  	s3 =	sadd.s32 s3, s9;
	s6 =	sadd.s32 @!p0 $0x88, s6;
	s7 =	simm.s32 @p2 $0x1082  }
0x22: {  	[simem:s7], [sflag:s8] =	dma.local @!p0 [hbm:s6], $0xF7A  }
0x23: {  	s9 =	sor.u32 $0xD0000000, s2;
	s6 =	simm.s32 $0x108;
	_ =	swait.ge @!p0 [sflag:s8], $0x0  }
0x24: {  	s3 =	sadd.s32 $0x88, s3;
	s6 =	simm.s32 @!p1 $0x1082;
	[sflag:s4] =	ssyncset.s32 $0xFFFFF086  }
0x25: {  	[simem:s6], [sflag:s4] =	dma.local [hbm:s3], $0xF7A  }
0x26: {  	[smem:$0x3F9D] =	sst s1;
	(tag) =	ssettag s2;
	_ =	strace s9  }
0x27: {  	s1 =	sld [smem:$0x3FAD]  }
0x28: {  	s2 =	sld [smem:$0x3FAE]  }
0x29: {  	s4 =	sld [smem:$0x3FB0]  }
0x2a: {  	p0 =	seq.s32 s5, $0x0;
	s5 =	sld [smem:$0x3FB1]  }
0x2b: {  	s6 =	sld [smem:$0x3FB2]  }
0x2c: {  	s7 =	sld [smem:$0x3FB3]  }
0x2d: {  	s3 =	simm.s32 $0x108;
	s8 =	sld [smem:$0x3FB4]  }
0x2e: {  	s3 =	simm.s32 @!p0 $0x1082;
	s9 =	sld [smem:$0x3FB5]  }
0x2f: {  	lr =	sadd.s32 s0, s3;
	s0 =	sld [smem:$0x3FAC]  }
0x30: {  	s3 =	sld [smem:$0x3FAF]  }
0x31: {  	[smem:$0x3FB8] =	sst s10  }
0x32: {  	s10 =	sld [smem:$0x3FB6];
	_ =	sdelay $0x3  }
0x33: {  	p0 =	seq.s32 s10, $0x1;
	s10 =	sld [smem:$0x3FB8];
	_ =	sdelay $0x3  }
0x34: {  	[smem:$0x3FB8] =	sst s10  }
0x35: {  	s10 =	sld [smem:$0x3FB7];
	_ =	sdelay $0x3  }
0x36: {  	p1 =	seq.s32 s10, $0x1;
	s10 =	sld [smem:$0x3FB8];
	_ =	sdelay $0x3  }
0x37: {  	[smem:$0x3FB8] =	sst s10  }
0x38: {  	s10 =	sld [smem:$0x3FB9]  }
0x39: {  	_ = 	snop;
	(pc) =	sbr.ind lr, $3  }
0x3a: {  	_ = 	snop  }
0x3b: {  	_ = 	snop  }
0x3c: {  	p2 =	seq.s32 s10, $0x1;
	s10 =	sld [smem:$0x3FB8]  }
0x3d: {  	_ =	shalt  }
0x3e: {  	_ =	shalt  }
0x3f: {  	_ =	shalt  }
0x40: {  	_ =	shalt  }
0x41: {  	_ =	shalt  }
0x42: {  	_ =	shalt  }
0x43: {  	_ =	shalt  }
0x44: {  	_ =	shalt  }
0x45: {  	_ =	shalt  }
0x46: {  	_ =	shalt  }
0x47: {  	_ =	shalt  }
0x48: {  	_ =	shalt  }
0x49: {  	_ =	shalt  }
0x4a: {  	_ =	shalt  }
0x4b: {  	_ =	shalt  }
0x4c: {  	_ =	shalt  }
0x4d: {  	_ =	shalt  }
0x4e: {  	_ =	shalt  }
0x4f: {  	_ =	shalt  }
0x50: {  	_ =	shalt  }
0x51: {  	_ =	shalt  }
0x52: {  	_ =	shalt  }
0x53: {  	_ =	shalt  }
0x54: {  	_ =	shalt  }
0x55: {  	_ =	shalt  }
0x56: {  	_ =	shalt  }
0x57: {  	_ =	shalt  }
0x58: {  	_ =	shalt  }
0x59: {  	_ =	shalt  }
0x5a: {  	_ =	shalt  }
0x5b: {  	_ =	shalt  }
0x5c: {  	_ =	shalt  }
0x5d: {  	_ =	shalt  }
0x5e: {  	_ =	shalt  }
0x5f: {  	_ =	shalt  }
0x60: {  	_ =	shalt  }
0x61: {  	_ =	shalt  }
0x62: {  	_ =	shalt  }
0x63: {  	_ =	shalt  }
0x64: {  	_ =	shalt  }
0x65: {  	_ =	shalt  }
0x66: {  	_ =	shalt  }
0x67: {  	_ =	shalt  }
0x68: {  	_ =	shalt  }
0x69: {  	_ =	shalt  }
0x6a: {  	_ =	shalt  }
0x6b: {  	_ =	shalt  }
0x6c: {  	_ =	shalt  }
0x6d: {  	_ =	shalt  }
0x6e: {  	_ =	shalt  }
0x6f: {  	_ =	shalt  }
0x70: {  	_ =	shalt  }
0x71: {  	_ =	shalt  }
0x72: {  	_ =	shalt  }
0x73: {  	_ =	shalt  }
0x74: {  	_ =	shalt  }
0x75: {  	_ =	shalt  }
0x76: {  	_ =	shalt  }
0x77: {  	_ =	shalt  }
0x78: {  	_ =	shalt  }
0x79: {  	_ =	shalt  }
0x7a: {  	_ =	shalt  }
0x7b: {  	_ =	shalt  }
0x7c: {  	_ =	shalt  }
0x7d: {  	_ =	shalt  }
0x7e: {  	_ =	shalt  }
0x7f: {  	_ =	shalt  }
0x80: {  	_ =	shalt  }
0x81: {  	_ =	shalt  }
0x82: {  	_ =	shalt  }
0x83: {  	_ =	shalt  }
0x84: {  	_ =	shalt  }
0x85: {  	_ =	shalt  }
0x86: {  	_ =	shalt  }
0x87: {  	_ =	shalt  }
.Lfunc_end0:
.L_simem_size_0:
called_computation_lowered:
.L_overlay_start_0:
0x88: {  	s2 =	sld [smem:$0x3FD9]  }
0x89: {  	s3 =	sld [smem:$0x3FFE];
	_ =	sdelay $0x1  }
0x8a: {  	s1 =	srdreg.scid  }
0x8b: {  	s0 =	sand.u32 $0x1, s1  }
0x8c: {  	s18 =	sshll.u32 s0, $0xA;
	s2 =	sadd.s32 s3, s2  }
0x8d: {  	s2 =	sadd.s32 s2, s18  }
0x8e: {  	[smem:$0x3FC4] =	sst s2  }
0x8f: {  	_ = 	snop  }
0x90: {  	s2 =	sld [smem:$0x3FC9]  }
0x91: {  	s19 =	sld [smem:$0x3FC8]  }
0x92: {  	s4 =	sld [smem:$0x3FC7]  }
0x93: {  	s5 =	sld [smem:$0x3FC6]  }
0x94: {  	s6 =	sld [smem:$0x3FD0];
	(tm) =	ssettm $0x1  }
0x95: {  	s7 =	sld [smem:$0x3FFB];
	_ =	sdelay $0x3  }
0x96: {  	_ =	strace s7  }
0x97: {  	s7 =	sld [smem:$0x3FFC];
	_ =	sdelay $0x3  }
0x98: {  	_ =	strace s7  }
0x99: {  	s7 =	sld [smem:$0x3FFD];
	_ =	sdelay $0x3  }
0x9a: {  	_ =	strace s7  }
0x9b: {  	_ =	strace $0x8FFFFFFF  }
0x9c: {  	s20 =	sld [smem:$0x3FDB];
	_ =	sdelay $0x1  }
0x9d: {  	s8 =	simm.s32 $_scs_section_size  }
0x9e: {  	s9 =	simm.s32 $_size__tile_overlayer_lowered;
	s10 =	simm.s32 $_tile_overlayer_lowered  }
0x9f: {  	s23 =	simm.s32 $0x1BFF;
	s22 =	sshll.u32 s10, $0x1;
	s7 =	sadd.s32 s8, s20  }
0xa0: {  	s11 =	simm.s32 $0x0;
	s21 =	sshll.u32 s9, $0x1;
	s9 =	sadd.s32 s22, s7  }
0xa1: {  	[timem:s11], [sflag:s23] =	dma.local [hbm:s9], s21  }
0xa2: {  	_ =	swait.ge [sflag:s23], s21  }
0xa3: {  	s8 =	ssub.s32 $0x0, s21;
	[sflag:s23] =	ssyncset.done $0x0  }
0xa4: {  	[sflag:s23] =	ssyncadd.s32 s8;
	_ =	sdelay $0x1  }
0xa5: {  	s24 =	simm.s32 $0x1B8B  }
0xa6: {  	_ =	swait.ge [sflag:s24], $0x1  }
0xa7: {  	[sflag:s24] =	ssyncset.done $0x0  }
0xa8: {  	s25 =	simm.s32 $0x1B8E;
	[sflag:s24] =	ssyncadd.s32 $0xFFFFFFFF  }
0xa9: {  	s26 =	simm.s32 $execute0_lowered;
	[smem:$0x3FD2] =	sst s25  }
0xaa: {  	s8 =	sshll.u32 s26, $0x1;
	_ =	strace $0x80000046;
	[dreg:$0x1] =	wrdreg $0xFFFFFFFF  }
0xab: {  	s28 =	simm.s32 $_size_execute0_lowered;
	s7 =	sadd.s32 s7, s8;
	[dreg:$0x0] =	wrdreg $0x0  }
0xac: {  	s8 =	sshll.u32 s28, $0x1;
	[dreg:$0x2] =	wrdreg s7  }
0xad: {  	[dreg:$0x3] =	wrdreg s8  }
0xae: {  	[dreg:$0x4] =	wrdreg $0xC0  }
0xaf: {  	_ =	task [dreg:s11], $0x5FFFF  }
0xb0: {  	[dreg:$0x1] =	wrdreg $0xFFFFFFFF  }
0xb1: {  	[dreg:$0x0] =	wrdreg $0x60  }
0xb2: {  	[dreg:$0x2] =	wrdreg s2  }
0xb3: {  	[dreg:$0x3] =	wrdreg s19  }
0xb4: {  	[dreg:$0x4] =	wrdreg s4  }
0xb5: {  	[dreg:$0x5] =	wrdreg s5  }
0xb6: {  	[dreg:$0x6] =	wrdreg s6  }
0xb7: {  	[dreg:$0x7] =	wrdreg $0x9  }
0xb8: {  	_ =	task.clear_ibuf [dreg:s11], $0x8FFFF;
	_ =	strace $0x90000046  }
0xb9: {  	s29 =	simm.s32 $0x9;
	_ =	strace $0x80000048  }
0xba: {  	_ =	swait.ge [sflag:s29], $0x1  }
0xbb: {  	[sflag:s29] =	ssyncadd.s32 $0xFFFFFFFF  }
0xbc: {  	_ =	strace $0x90000048  }
0xbd: {  	_ =	sfence  }
0xbe: {  	s30 =	sld [smem:$0x0];
	_ =	sdelay $0x2  }
0xbf: {  	s31 =	sshll.u32 s1, $0xD;
	s1 =	sshrl.u32 s1, $0x2  }
0xc0: {  	s3 =	sand.u32 $0x4000, s31;
	s1 =	sadd.s32 s1, s30  }
0xc1: {  	s0 =	sor.u32 s3, s0;
	s1 =	sshll.u32 s1, $0x11  }
0xc2: {  	s0 =	sor.u32 s1, s0  }
0xc3: {  	s0 =	sadd.s32 $0x8F2B, s0  }
0xc4: {  	[sflag:s0] =	ssyncadd.remote.s32 $0x1  }
0xc5: {  	_ =	sfence.sel $0xFFFF  }
0xc6: {  	[dreg:$0x0] =	wrdreg $0xFFFFFFFF;
	(pc) =	sbr.abs _section_cstart, $3  }
0xc7: {  	[dreg:$0x1] =	wrdreg $0xFFFFFFFF  }
0xc8: {  	_ =	task.clear_ibuf [dreg:s11], $0x2FFFF;
	_ =	strace $0x9FFFFFFF  }
0xc9: {  	(tm) =	ssettm $0x7FFFFFFF  }
tec
execute0_lowered:
.L_overlay_start_1:
0x0: {  	(tag) =	ssettag $0x1  }
0x1: {  	s0 =	rddreg [dreg:$0x0]  }
0x2: {  	s3 =	rddreg [dreg:$0x1];
	v0 =	vlaneseq.u32  }
0x3: {  	s1 =	rddreg [dreg:$0x2];
	v0 =	vand.u32 $0x7, v0  }
0x4: {  	s2 =	rddreg [dreg:$0x3];
	s4 =	simm.s32 $0x0;
	v0 =	vmul.u32 $0x400, v0  }
0x5: {  	[smem:$0x7FF] =	sst s4  }
0x6: {  	s5 =	rddreg [dreg:$0x4];
	_ =	strace $0x80000047;
	v1 =	vor.u32 $0x80, v0;
	[tilespmem:$0x1FFE0] =	vst v0  }
0x7: {  	s6 =	srdreg.scid;
	s8 =	stileid.u32;
	v51 =	vor.u32 $0x100, v0;
	[tilespmem:$0x1FF00] =	vst v1  }
0x8: {  	s30 =	simm.s32 $0x5;
	s11 =	simm.s32 $0x400;
	s13 =	simm.s32 $0x8400;
	v52 =	vor.u32 $0x180, v0;
	[tilespmem:$0x1FF10] =	vst v51  }
0x9: {  	s17 =	simm.s32 $0x4400;
	s19 =	simm.s32 $0xC400;
	s12 =	simm.s32 $0xD800;
	v53 =	vor.u32 $0x200, v0;
	[tilespmem:$0x1FF20] =	vst v52  }
0xa: {  	s14 =	simm.s32 $0xF800;
	s15 =	simm.s32 $0x5C00;
	s16 =	simm.s32 $0x7C00;
	v54 =	vor.u32 $0x280, v0;
	[tilespmem:$0x1FF30] =	vst v53  }
0xb: {  	s18 =	simm.s32 $0xDC00;
	s20 =	simm.s32 $0xFC00;
	s21 =	simm.s32 $0x6000;
	v55 =	vor.u32 $0x300, v0;
	[tilespmem:$0x1FF40] =	vst v54  }
0xc: {  	s22 =	simm.s32 $0x8000;
	s23 =	simm.s32 $0xE000;
	s24 =	simm.s32 $0x10000;
	v56 =	vor.u32 $0x380, v0;
	[tilespmem:$0x1FF50] =	vst v55  }
0xd: {  	s28 =	simm.s32 $0x2;
	s29 =	simm.s32 $0x4;
	s6 =	sand.u32 $0x1, s6;
	v57 =	vor.u32 $0x2000, v0;
	[tilespmem:$0x1FF60] =	vst v56  }
0xe: {  	s8 =	sshll.u32 s8, $0x7;
	s7 =	ssub.s32 $0x2, s6;
	s6 =	sshll.u32 s6, $0x6;
	v58 =	vor.u32 $0x2080, v0;
	[tilespmem:$0x1FF70] =	vst v57  }
0xf: {  	s10 =	simm.s32 $0x0;
	s9 =	sshrl.u32 s7, $0x1;
	s6 =	sor.u32 s6, s8;
	v59 =	vor.u32 $0x2100, v0;
	[tilespmem:$0x1FF80] =	vst v58  }
0x10: {  	s8 =	simm.s32 $0x5800;
	s7 =	ssub.s32 s7, s9;
	s0 =	sadd.s32 s0, s6;
	v60 =	vor.u32 $0x2180, v0;
	[tilespmem:$0x1FF90] =	vst v59  }
.Ltmp0:
0x11: {  	s25 =	sadd.s32 s3, s6;
	s26 =	sadd.s32 s5, s6;
	v61 =	vor.u32 $0x2200, v0;
	[tilespmem:$0x1FFA0] =	vst v60;
	(pc) =	sbr.rel .LBB2_1-.Ltmp0, $4  }
0x12: {  	s3 =	simm.s32 $0x6400;
	s5 =	simm.s32 $0x7400;
	v62 =	vor.u32 $0x2280, v0;
	[dreg:$0x6] =	wrdreg s0;
	[tilespmem:$0x1FFB0] =	vst v61  }
0x13: {  	s6 =	simm.s32 $0xD400;
	s9 =	simm.s32 $0x7800;
	v63 =	vor.u32 $0x2300, v0;
	[dreg:$0x7] =	wrdreg s25;
	[tilespmem:$0x1FFC0] =	vst v62  }
0x14: {  	v0 =	vor.u32 $0x2380, v0;
	[dreg:$0x8] =	wrdreg s26;
	s31 =	smax.u32 s7, $0x1;
	s7 =	simm.s32 $0xF400;
	[tilespmem:$0x1FFD0] =	vst v63  }
0x15: {  	vm0 =	vmmov $0xff;
	s25 =	simm.s32 $0x1;
	s26 =	simm.s32 $0x3;
	[tilespmem:$0x1FFF0] =	vst v0;
	[dreg:$0x9] =	wrdreg s31  }
.LBB2_5:
0x16: {  	s0 =	rddreg [dreg:$0x8];
	s10 =	simm.s32 $0x10400;
	s30 =	simm.s32 $0x5  }
0x17: {  	[hbm4b:s0+s4] =	stream.linear.scatter [tilespmem:s10], [sflag:$0x5], $0x200, $0x38;
	[tilespmem:$0x10600] =	vst v63  }
0x18: {  	_ =	swait.ge [sflag:s30], $0x200  }
0x19: {  	s0 =	rddreg [dreg:$0xa]  }
0x1a: {  	s31 =	rddreg [dreg:$0x9];
	s10 =	sadd.s32 $0x1, s0  }
0x1b: {  	p0 =	sne.s32 s10, s31  }
.Ltmp1:
0x1c: {  	_ = 	snop;
	(pc) =	sbr.rel @!p0 .LBB2_6-.Ltmp1, $3  }
0x1d: {  	_ =	sdelay $0x1  }
0x1e: {  	[sflag:s30] =	ssyncset.done $0x0  }
0x1f: {  	[sflag:s30] =	ssyncadd.s32 $0xFFFFFE00  }
.LBB2_1:
0x20: {  	[dreg:$0xa] =	wrdreg s10  }
0x21: {  	s0 =	rddreg [dreg:$0x6]  }
0x22: {  	[tilespmem:s4], [sflag:$0x5] =	stream.linear.gather [hbm4b:s0+s4], $0x200, $0x38;
	[tilespmem:$0x10600] =	vst v63  }
0x23: {  	_ =	swait.ge [sflag:s30], $0x200  }
0x24: {  	[sflag:s30] =	ssyncset.done $0x0  }
0x25: {  	s31 =	simm.s32 $0x200;
	s10 =	rddreg [dreg:$0x7];
	[sflag:s30] =	ssyncadd.s32 $0xFFFFFE00  }
0x26: {  	[tilespmem:s31], [sflag:$0x5] =	stream.linear.gather [hbm4b:s10+s4], $0x200, $0x38;
	[tilespmem:$0x10600] =	vst v63  }
0x27: {  	_ =	swait.ge [sflag:s30], $0x200  }
0x28: {  	[sflag:s30] =	ssyncset.done $0x0  }
0x29: {  	[sflag:s30] =	ssyncadd.s32 $0xFFFFFE00  }
0x2a: {  	v0 =	vld [tilespmem:$0x0];
	_ =	sdelay $0x3  }
0x2b: {  	v1 =	vld [tilespmem:$0x200]  }
0x2c: {  	v0 =	vand.u32 $0xFFFFFF80, v0  }
0x2d: {  	v0 =	vadd.s32 s1, v0  }
0x2e: {  	(v2sf) =	vpush v0, $0x0;
	_ =	sdelay $0x1  }
0x2f: {  	v1 =	vand.u32 $0xFFFFFF80, v1  }
0x30: {  	v1 =	vadd.s32 s2, v1  }
0x31: {  	(v2sf) =	vpush v1, $0x0;
	_ =	sdelay $0x3  }
0x32: {  	(v2sf) =	vpush v0, $0x1;
	_ =	sdelay $0x3  }
0x33: {  	(v2sf) =	vpush v1, $0x1;
	_ =	sdelay $0x2  }
0x34: {  	s30 =	spop (v2sf)  }
0x35: {  	(v2sf) =	vpush v0, $0x2;
	[tilespmem:s11], [sflag:$0x1] =	stream.linear.gather [hbm4b:s30+s4], $0x400, $0x38;
	[tilespmem:$0x10600] =	vst v63  }
0x36: {  	s10 =	simm.s32 $0x2400;
	s30 =	sadd.s32 $0xF4280, s30  }
0x37: {  	[tilespmem:s10], [sflag:$0x1] =	stream.linear.gather [hbm4b:s30+s4], $0x400, $0x38;
	[tilespmem:$0x10600] =	vst v63  }
0x38: {  	s30 =	spop (v2sf)  }
0x39: {  	(v2sf) =	vpush v1, $0x2;
	[tilespmem:s13], [sflag:$0x3] =	stream.linear.gather [hbm4b:s30+s4], $0x400, $0x38;
	[tilespmem:$0x10600] =	vst v63  }
0x3a: {  	s31 =	simm.s32 $0xA400;
	s30 =	sadd.s32 $0xF4280, s30  }
0x3b: {  	[tilespmem:s31], [sflag:$0x3] =	stream.linear.gather [hbm4b:s30+s4], $0x400, $0x38;
	[tilespmem:$0x10600] =	vst v63  }
0x3c: {  	s10 =	simm.s32 $0x800;
	s30 =	spop (v2sf)  }
0x3d: {  	(v2sf) =	vpush v0, $0x3;
	[tilespmem:s10], [sflag:$0x1] =	stream.linear.gather [hbm4b:s30+s4], $0x400, $0x38;
	[tilespmem:$0x10600] =	vst v63  }
0x3e: {  	s31 =	simm.s32 $0x2800;
	s30 =	sadd.s32 $0xF4280, s30  }
0x3f: {  	[tilespmem:s31], [sflag:$0x1] =	stream.linear.gather [hbm4b:s30+s4], $0x400, $0x38;
	[tilespmem:$0x10600] =	vst v63  }
0x40: {  	s10 =	simm.s32 $0x8800;
	s30 =	spop (v2sf)  }
0x41: {  	(v2sf) =	vpush v1, $0x3;
	[tilespmem:s10], [sflag:$0x3] =	stream.linear.gather [hbm4b:s30+s4], $0x400, $0x38;
	[tilespmem:$0x10600] =	vst v63  }
0x42: {  	s31 =	simm.s32 $0xA800;
	s30 =	sadd.s32 $0xF4280, s30  }
0x43: {  	[tilespmem:s31], [sflag:$0x3] =	stream.linear.gather [hbm4b:s30+s4], $0x400, $0x38;
	[tilespmem:$0x10600] =	vst v63  }
0x44: {  	s10 =	simm.s32 $0xC00;
	s30 =	spop (v2sf)  }
0x45: {  	(v2sf) =	vpush v0, $0x4;
	[tilespmem:s10], [sflag:$0x1] =	stream.linear.gather [hbm4b:s30+s4], $0x400, $0x38;
	[tilespmem:$0x10600] =	vst v63  }
0x46: {  	s31 =	simm.s32 $0x2C00;
	s30 =	sadd.s32 $0xF4280, s30  }
0x47: {  	[tilespmem:s31], [sflag:$0x1] =	stream.linear.gather [hbm4b:s30+s4], $0x400, $0x38;
	[tilespmem:$0x10600] =	vst v63  }
0x48: {  	s10 =	simm.s32 $0x8C00;
	s30 =	spop (v2sf)  }
0x49: {  	(v2sf) =	vpush v1, $0x4;
	[tilespmem:s10], [sflag:$0x3] =	stream.linear.gather [hbm4b:s30+s4], $0x400, $0x38;
	[tilespmem:$0x10600] =	vst v63  }
0x4a: {  	s31 =	simm.s32 $0xAC00;
	s30 =	sadd.s32 $0xF4280, s30  }
0x4b: {  	[tilespmem:s31], [sflag:$0x3] =	stream.linear.gather [hbm4b:s30+s4], $0x400, $0x38;
	[tilespmem:$0x10600] =	vst v63  }
0x4c: {  	s10 =	simm.s32 $0x1000;
	s30 =	spop (v2sf)  }
0x4d: {  	(v2sf) =	vpush v0, $0x5;
	[tilespmem:s10], [sflag:$0x1] =	stream.linear.gather [hbm4b:s30+s4], $0x400, $0x38;
	[tilespmem:$0x10600] =	vst v63  }
0x4e: {  	s31 =	simm.s32 $0x3000;
	s30 =	sadd.s32 $0xF4280, s30  }
0x4f: {  	[tilespmem:s31], [sflag:$0x1] =	stream.linear.gather [hbm4b:s30+s4], $0x400, $0x38;
	[tilespmem:$0x10600] =	vst v63  }
0x50: {  	s10 =	simm.s32 $0x9000;
	s30 =	spop (v2sf)  }
0x51: {  	(v2sf) =	vpush v1, $0x5;
	[tilespmem:s10], [sflag:$0x3] =	stream.linear.gather [hbm4b:s30+s4], $0x400, $0x38;
	[tilespmem:$0x10600] =	vst v63  }
0x52: {  	s31 =	simm.s32 $0xB000;
	s30 =	sadd.s32 $0xF4280, s30  }
0x53: {  	[tilespmem:s31], [sflag:$0x3] =	stream.linear.gather [hbm4b:s30+s4], $0x400, $0x38;
	[tilespmem:$0x10600] =	vst v63  }
0x54: {  	s10 =	simm.s32 $0x1400;
	s30 =	spop (v2sf)  }
0x55: {  	(v2sf) =	vpush v0, $0x6;
	[tilespmem:s10], [sflag:$0x1] =	stream.linear.gather [hbm4b:s30+s4], $0x400, $0x38;
	[tilespmem:$0x10600] =	vst v63  }
0x56: {  	s31 =	simm.s32 $0x3400;
	s30 =	sadd.s32 $0xF4280, s30  }
0x57: {  	[tilespmem:s31], [sflag:$0x1] =	stream.linear.gather [hbm4b:s30+s4], $0x400, $0x38;
	[tilespmem:$0x10600] =	vst v63  }
0x58: {  	s10 =	simm.s32 $0x9400;
	s30 =	spop (v2sf)  }
0x59: {  	(v2sf) =	vpush v1, $0x6;
	[tilespmem:s10], [sflag:$0x3] =	stream.linear.gather [hbm4b:s30+s4], $0x400, $0x38;
	[tilespmem:$0x10600] =	vst v63  }
0x5a: {  	s31 =	simm.s32 $0xB400;
	s30 =	sadd.s32 $0xF4280, s30  }
0x5b: {  	[tilespmem:s31], [sflag:$0x3] =	stream.linear.gather [hbm4b:s30+s4], $0x400, $0x38;
	[tilespmem:$0x10600] =	vst v63  }
0x5c: {  	s10 =	simm.s32 $0x1800;
	s30 =	spop (v2sf)  }
0x5d: {  	(v2sf) =	vpush v0, $0x7;
	[tilespmem:s10], [sflag:$0x1] =	stream.linear.gather [hbm4b:s30+s4], $0x400, $0x38;
	[tilespmem:$0x10600] =	vst v63  }
0x5e: {  	s31 =	simm.s32 $0x3800;
	s30 =	sadd.s32 $0xF4280, s30  }
0x5f: {  	[tilespmem:s31], [sflag:$0x1] =	stream.linear.gather [hbm4b:s30+s4], $0x400, $0x38;
	[tilespmem:$0x10600] =	vst v63  }
0x60: {  	s10 =	simm.s32 $0x9800;
	s30 =	spop (v2sf)  }
0x61: {  	(v2sf) =	vpush v1, $0x7;
	[tilespmem:s10], [sflag:$0x3] =	stream.linear.gather [hbm4b:s30+s4], $0x400, $0x38;
	[tilespmem:$0x10600] =	vst v63  }
0x62: {  	s31 =	simm.s32 $0xB800;
	s30 =	sadd.s32 $0xF4280, s30  }
0x63: {  	[tilespmem:s31], [sflag:$0x3] =	stream.linear.gather [hbm4b:s30+s4], $0x400, $0x38;
	[tilespmem:$0x10600] =	vst v63  }
0x64: {  	s10 =	simm.s32 $0x1C00;
	s30 =	spop (v2sf)  }
0x65: {  	[tilespmem:s10], [sflag:$0x1] =	stream.linear.gather [hbm4b:s30+s4], $0x400, $0x38;
	[tilespmem:$0x10600] =	vst v63  }
0x66: {  	s31 =	simm.s32 $0x3C00;
	s30 =	sadd.s32 $0xF4280, s30  }
0x67: {  	[tilespmem:s31], [sflag:$0x1] =	stream.linear.gather [hbm4b:s30+s4], $0x400, $0x38;
	[tilespmem:$0x10600] =	vst v63  }
0x68: {  	s10 =	simm.s32 $0x9C00;
	s30 =	spop (v2sf)  }
0x69: {  	[tilespmem:s10], [sflag:$0x3] =	stream.linear.gather [hbm4b:s30+s4], $0x400, $0x38;
	[tilespmem:$0x10600] =	vst v63  }
0x6a: {  	s31 =	simm.s32 $0xBC00;
	s30 =	sadd.s32 $0xF4280, s30  }
0x6b: {  	[tilespmem:s31], [sflag:$0x3] =	stream.linear.gather [hbm4b:s30+s4], $0x400, $0x38;
	[tilespmem:$0x10600] =	vst v63  }
0x6c: {  	s10 =	simm.s32 $0x2000;
	s30 =	spop (v2sf)  }
0x6d: {  	[tilespmem:s10], [sflag:$0x1] =	stream.linear.gather [hbm4b:s30+s4], $0x400, $0x38;
	[tilespmem:$0x10600] =	vst v63  }
0x6e: {  	s31 =	simm.s32 $0x4000;
	s30 =	sadd.s32 $0xF4280, s30  }
0x6f: {  	[tilespmem:s31], [sflag:$0x1] =	stream.linear.gather [hbm4b:s30+s4], $0x400, $0x38;
	[tilespmem:$0x10600] =	vst v63  }
.Ltmp2:
0x70: {  	s10 =	simm.s32 $0xA000;
	s30 =	spop (v2sf);
	(pc) =	sbr.rel .LBB2_2-.Ltmp2, $4  }
0x71: {  	[tilespmem:s10], [sflag:$0x3] =	stream.linear.gather [hbm4b:s30+s4], $0x400, $0x38;
	[tilespmem:$0x10600] =	vst v63  }
0x72: {  	s31 =	simm.s32 $0xC000;
	s30 =	sadd.s32 $0xF4280, s30  }
0x73: {  	[tilespmem:s31], [sflag:$0x3] =	stream.linear.gather [hbm4b:s30+s4], $0x400, $0x38;
	[tilespmem:$0x10600] =	vst v63  }
0x74: {  	s30 =	simm.s32 $0x0  }
.LBB2_4:
0x75: {  	_ =	swait.ge [sflag:s28], $0x4000  }
0x76: {  	[sflag:s28] =	ssyncset.done $0x0  }
0x77: {  	[sflag:s28] =	ssyncadd.s32 $0xFFFFC000  }
0x78: {  	_ =	swait.ge [sflag:s29], $0x4000  }
0x79: {  	[sflag:s29] =	ssyncset.done $0x0  }
0x7a: {  	[sflag:s29] =	ssyncadd.s32 $0xFFFFC000  }
0x7b: {  	v16 =	vld.idx.msk [tilespmem:v62+s17+$0x0], $0xffff  }
0x7c: {  	v0 =	vld.idx.msk [tilespmem:v0+s19+$0x0], $0xffff  }
0x7d: {  	v4 =	vld.idx.msk [tilespmem:v4+s17+$0x0], $0xffff  }
0x7e: {  	v6 =	vld.idx.msk [tilespmem:v6+s19+$0x0], $0xffff  }
0x7f: {  	v10 =	vld.idx.msk [tilespmem:v10+s17+$0x0], $0xffff  }
0x80: {  	v11 =	vld.idx.msk [tilespmem:v11+s19+$0x0], $0xffff  }
0x81: {  	v12 =	vld.idx.msk [tilespmem:v12+s17+$0x0], $0xffff  }
0x82: {  	v13 =	vmul.f32 v15, v13;
	v7 =	vld.idx.msk [tilespmem:v7+s19+$0x0], $0xffff  }
0x83: {  	v5 =	vld.idx.msk [tilespmem:v5+s17+$0x0], $0xffff;
	v0 =	vmul.f32 v0, v16  }
0x84: {  	v8 =	vmul.f32 v14, v8;
	v13 =	vadd.f32 $0.0e+00, v13;
	v1 =	vld.idx.msk [tilespmem:v1+s19+$0x0], $0xffff  }
0x85: {  	v62 =	vld.idx.msk [tilespmem:v63+s17+$0x0], $0xffff;
	v4 =	vmul.f32 v6, v4;
	v0 =	vadd.f32 $0.0e+00, v0  }
0x86: {  	v2 =	vmul.f32 v9, v2;
	v15 =	vadd.f32 v8, v13;
	v63 =	vld.idx.msk [tilespmem:v59+s19+$0x0], $0xffff  }
0x87: {  	v13 =	vld.idx.msk [tilespmem:v58+s17+$0x0], $0xffff;
	v16 =	vmul.f32 v11, v10;
	v0 =	vadd.f32 v4, v0  }
0x88: {  	v3 =	vmul.f32 v3, v60;
	v2 =	vadd.f32 v2, v15;
	v15 =	vld.idx.msk [tilespmem:v55+s19+$0x0], $0xffff  }
0x89: {  	v55 =	vld.idx.msk [tilespmem:v51+s19+$0x0], $0xffff;
	v12 =	vmul.f32 v7, v12;
	v0 =	vadd.f32 v16, v0  }
0x8a: {  	v14 =	vmul.f32 v61, v56;
	v59 =	vld.idx.msk [tilespmem:v47+s19+$0x0], $0xffff;
	v2 =	vadd.f32 v3, v2  }
0x8b: {  	v1 =	vmul.f32 v1, v5;
	v56 =	vmul.f32 v63, v62;
	v62 =	vld [tilespmem:$0x1FEF0];
	v0 =	vadd.f32 v12, v0  }
0x8c: {  	v16 =	vld.idx.msk [tilespmem:v54+s17+$0x0], $0xffff  }
0x8d: {  	v61 =	vld.idx.msk [tilespmem:v46+s17+$0x0], $0xffff;
	v2 =	vadd.f32 v14, v2;
	v54 =	vmul.f32 v57, v52;
	v0 =	vadd.f32 v1, v0  }
0x8e: {  	v58 =	vmul.f32 v53, v49;
	v57 =	vld.idx.msk [tilespmem:v50+s17+$0x0], $0xffff  }
0x8f: {  	v46 =	vld.idx.msk [tilespmem:v31+s19+$0x0], $0xffff;
	v60 =	vmul.f32 v15, v13;
	v2 =	vadd.f32 v54, v2;
	v0 =	vadd.f32 v56, v0  }
0x90: {  	v63 =	vld.idx.msk [tilespmem:v43+s19+$0x0], $0xffff;
	v3 =	vmul.f32 v62, v45  }
0x91: {  	v13 =	vld.idx.msk [tilespmem:v42+s17+$0x0], $0xffff;
	v2 =	vadd.f32 v58, v2;
	v12 =	vmul.f32 v55, v16;
	v0 =	vadd.f32 v60, v0  }
0x92: {  	v14 =	vmul.f32 v48, v41;
	v15 =	vld.idx.msk [tilespmem:v39+s19+$0x0], $0xffff  }
0x93: {  	v39 =	vld.idx.msk [tilespmem:v38+s17+$0x0], $0xffff;
	v16 =	vmul.f32 v59, v57;
	v2 =	vadd.f32 v3, v2;
	v0 =	vadd.f32 v12, v0  }
0x94: {  	v41 =	vmul.f32 v44, v37;
	v42 =	vld.idx.msk [tilespmem:v35+s19+$0x0], $0xffff  }
0x95: {  	v44 =	vld.idx.msk [tilespmem:v34+s17+$0x0], $0xffff;
	v43 =	vmul.f32 v63, v61;
	v2 =	vadd.f32 v14, v2;
	v0 =	vadd.f32 v16, v0  }
0x96: {  	v48 =	vld.idx.msk [tilespmem:v30+s17+$0x0], $0xffff;
	v45 =	vmul.f32 v40, v33  }
0x97: {  	v47 =	vmul.f32 v15, v13;
	v50 =	vld.idx.msk [tilespmem:v27+s19+$0x0], $0xffff;
	v2 =	vadd.f32 v41, v2;
	v0 =	vadd.f32 v43, v0  }
0x98: {  	v49 =	vmul.f32 v36, v29;
	v52 =	vld.idx.msk [tilespmem:v26+s17+$0x0], $0xffff  }
0x99: {  	v51 =	vmul.f32 v42, v39;
	v54 =	vld.idx.msk [tilespmem:v23+s19+$0x0], $0xffff;
	v2 =	vadd.f32 v45, v2;
	v0 =	vadd.f32 v47, v0  }
0x9a: {  	v53 =	vmul.f32 v32, v25  }
0x9b: {  	v58 =	vld.idx.msk [tilespmem:v20+s19+$0x0], $0xffff;
	v55 =	vmul.f32 v46, v44;
	v2 =	vadd.f32 v49, v2;
	v0 =	vadd.f32 v51, v0  }
0x9c: {  	v57 =	vmul.f32 v28, v24;
	v56 =	vld.idx.msk [tilespmem:v22+s17+$0x0], $0xffff  }
0x9d: {  	v59 =	vmul.f32 v50, v48;
	v2 =	vadd.f32 v53, v2;
	v0 =	vadd.f32 v55, v0  }
0x9e: {  	v61 =	vmul.f32 v54, v52  }
0x9f: {  	v60 =	vmul.f32 v21, v18;
	v2 =	vadd.f32 v57, v2;
	v0 =	vadd.f32 v59, v0  }
0xa0: {  	v62 =	vmul.f32 v19, v17  }
0xa1: {  	v63 =	vmul.f32 v58, v56;
	v2 =	vadd.f32 v60, v2;
	v0 =	vadd.f32 v61, v0;
	_ =	sdelay $0x1  }
0xa2: {  	v2 =	vadd.f32 v62, v2;
	v0 =	vadd.f32 v63, v0;
	_ =	sdelay $0x1  }
0xa3: {  	v0 =	vsel vm0, v2, v0  }
0xa4: {  	v0 =	vsub.f32 $0.0e+00, v0;
	_ =	sdelay $0x1  }
0xa5: {  	v0 =	vmul.f32 $1.442695020e+00, v0;
	_ =	sdelay $0x1  }
0xa6: {  	(erf) = vpow2.f32 v0;
	_ =	sdelay $0x8  }
0xa7: {  	v0 =	vpop (erf)  }
0xa8: {  	v0 =	vadd.f32 $1.000000000e+00, v0;
	_ =	sdelay $0x1  }
0xa9: {  	(erf) = vrcp.f32 v0;
	_ =	sdelay $0x3  }
0xaa: {  	s30 =	sadd.s32 $0x40, s30  }
0xab: {  	p0 =	sne.s32 s30, $0x800  }
.Ltmp3:
0xac: {  	_ = 	snop;
	(pc) =	sbr.rel @!p0 .LBB2_5-.Ltmp3, $3  }
0xad: {  	_ =	sdelay $0x1  }
0xae: {  	v0 =	vpop (erf)  }
0xaf: {  	[tilespmem:s31+$0x10400] =	vst v0  }
.LBB2_2:
0xb0: {  	s31 =	sshra.s32 s30, $0x2  }
0xb1: {  	v0 =	vld [tilespmem:s31+$0x0];
	_ =	sdelay $0x3  }
0xb2: {  	v1 =	vld [tilespmem:s31+$0x200]  }
0xb3: {  	v2 =	vand.u32 $0xFFFFFF80, v0  }
0xb4: {  	v2 =	vadd.s32 s1, v2  }
0xb5: {  	(v2sf) =	vpush v2, $0x8;
	_ =	sdelay $0x1  }
0xb6: {  	v3 =	vand.u32 $0xFFFFFF80, v1  }
0xb7: {  	v3 =	vadd.s32 s2, v3  }
0xb8: {  	(v2sf) =	vpush v3, $0x8;
	_ =	sdelay $0x3  }
0xb9: {  	(v2sf) =	vpush v2, $0x9;
	_ =	sdelay $0x3  }
0xba: {  	(v2sf) =	vpush v3, $0x9;
	_ =	sdelay $0x2  }
0xbb: {  	s0 =	spop (v2sf)  }
0xbc: {  	(v2sf) =	vpush v2, $0xA;
	[tilespmem:s17], [sflag:$0x2] =	stream.linear.gather [hbm4b:s0+s4], $0x400, $0x38;
	[tilespmem:$0x10600] =	vst v63  }
0xbd: {  	s0 =	sadd.s32 $0xF4280, s0  }
0xbe: {  	[tilespmem:s3], [sflag:$0x2] =	stream.linear.gather [hbm4b:s0+s4], $0x400, $0x38;
	[tilespmem:$0x10600] =	vst v63  }
0xbf: {  	s10 =	spop (v2sf)  }
0xc0: {  	(v2sf) =	vpush v3, $0xA;
	[tilespmem:s19], [sflag:$0x4] =	stream.linear.gather [hbm4b:s10+s4], $0x400, $0x38;
	[tilespmem:$0x10600] =	vst v63  }
0xc1: {  	s0 =	sadd.s32 $0xF4280, s10;
	s10 =	simm.s32 $0xE400  }
0xc2: {  	[tilespmem:s10], [sflag:$0x4] =	stream.linear.gather [hbm4b:s0+s4], $0x400, $0x38;
	[tilespmem:$0x10600] =	vst v63  }
0xc3: {  	s0 =	spop (v2sf);
	s10 =	simm.s32 $0x4800  }
0xc4: {  	(v2sf) =	vpush v2, $0xB;
	[tilespmem:s10], [sflag:$0x2] =	stream.linear.gather [hbm4b:s0+s4], $0x400, $0x38;
	[tilespmem:$0x10600] =	vst v63  }
0xc5: {  	s0 =	sadd.s32 $0xF4280, s0;
	s10 =	simm.s32 $0x6800  }
0xc6: {  	[tilespmem:s10], [sflag:$0x2] =	stream.linear.gather [hbm4b:s0+s4], $0x400, $0x38;
	[tilespmem:$0x10600] =	vst v63  }
0xc7: {  	s0 =	spop (v2sf);
	s10 =	simm.s32 $0xC800  }
0xc8: {  	(v2sf) =	vpush v3, $0xB;
	[tilespmem:s10], [sflag:$0x4] =	stream.linear.gather [hbm4b:s0+s4], $0x400, $0x38;
	[tilespmem:$0x10600] =	vst v63  }
0xc9: {  	s0 =	sadd.s32 $0xF4280, s0;
	s10 =	simm.s32 $0xE800  }
0xca: {  	[tilespmem:s10], [sflag:$0x4] =	stream.linear.gather [hbm4b:s0+s4], $0x400, $0x38;
	[tilespmem:$0x10600] =	vst v63  }
0xcb: {  	s0 =	spop (v2sf);
	s10 =	simm.s32 $0x4C00  }
0xcc: {  	(v2sf) =	vpush v2, $0xC;
	[tilespmem:s10], [sflag:$0x2] =	stream.linear.gather [hbm4b:s0+s4], $0x400, $0x38;
	[tilespmem:$0x10600] =	vst v63  }
0xcd: {  	s0 =	sadd.s32 $0xF4280, s0;
	s10 =	simm.s32 $0x6C00  }
0xce: {  	[tilespmem:s10], [sflag:$0x2] =	stream.linear.gather [hbm4b:s0+s4], $0x400, $0x38;
	[tilespmem:$0x10600] =	vst v63  }
0xcf: {  	s0 =	spop (v2sf);
	s10 =	simm.s32 $0xCC00  }
0xd0: {  	(v2sf) =	vpush v3, $0xC;
	[tilespmem:s10], [sflag:$0x4] =	stream.linear.gather [hbm4b:s0+s4], $0x400, $0x38;
	[tilespmem:$0x10600] =	vst v63  }
0xd1: {  	s0 =	sadd.s32 $0xF4280, s0;
	s10 =	simm.s32 $0xEC00  }
0xd2: {  	[tilespmem:s10], [sflag:$0x4] =	stream.linear.gather [hbm4b:s0+s4], $0x400, $0x38;
	[tilespmem:$0x10600] =	vst v63  }
0xd3: {  	s0 =	spop (v2sf);
	s10 =	simm.s32 $0x5000  }
0xd4: {  	(v2sf) =	vpush v2, $0xD;
	[tilespmem:s10], [sflag:$0x2] =	stream.linear.gather [hbm4b:s0+s4], $0x400, $0x38;
	[tilespmem:$0x10600] =	vst v63  }
0xd5: {  	s0 =	sadd.s32 $0xF4280, s0;
	s10 =	simm.s32 $0x7000  }
0xd6: {  	[tilespmem:s10], [sflag:$0x2] =	stream.linear.gather [hbm4b:s0+s4], $0x400, $0x38;
	[tilespmem:$0x10600] =	vst v63  }
0xd7: {  	s0 =	spop (v2sf);
	s10 =	simm.s32 $0xD000  }
0xd8: {  	(v2sf) =	vpush v3, $0xD;
	[tilespmem:s10], [sflag:$0x4] =	stream.linear.gather [hbm4b:s0+s4], $0x400, $0x38;
	[tilespmem:$0x10600] =	vst v63  }
0xd9: {  	s0 =	sadd.s32 $0xF4280, s0;
	s10 =	simm.s32 $0xF000  }
0xda: {  	[tilespmem:s10], [sflag:$0x4] =	stream.linear.gather [hbm4b:s0+s4], $0x400, $0x38;
	[tilespmem:$0x10600] =	vst v63  }
0xdb: {  	s0 =	spop (v2sf);
	s10 =	simm.s32 $0x5400  }
0xdc: {  	(v2sf) =	vpush v2, $0xE;
	[tilespmem:s10], [sflag:$0x2] =	stream.linear.gather [hbm4b:s0+s4], $0x400, $0x38;
	[tilespmem:$0x10600] =	vst v63  }
0xdd: {  	s0 =	sadd.s32 $0xF4280, s0  }
0xde: {  	[tilespmem:s5], [sflag:$0x2] =	stream.linear.gather [hbm4b:s0+s4], $0x400, $0x38;
	[tilespmem:$0x10600] =	vst v63  }
0xdf: {  	s10 =	spop (v2sf)  }
0xe0: {  	(v2sf) =	vpush v3, $0xE;
	[tilespmem:s6], [sflag:$0x4] =	stream.linear.gather [hbm4b:s10+s4], $0x400, $0x38;
	[tilespmem:$0x10600] =	vst v63  }
0xe1: {  	s0 =	sadd.s32 $0xF4280, s10  }
0xe2: {  	[tilespmem:s7], [sflag:$0x4] =	stream.linear.gather [hbm4b:s0+s4], $0x400, $0x38;
	[tilespmem:$0x10600] =	vst v63  }
0xe3: {  	s10 =	spop (v2sf)  }
0xe4: {  	(v2sf) =	vpush v2, $0xF;
	[tilespmem:s8], [sflag:$0x2] =	stream.linear.gather [hbm4b:s10+s4], $0x400, $0x38;
	[tilespmem:$0x10600] =	vst v63  }
0xe5: {  	s0 =	sadd.s32 $0xF4280, s10  }
0xe6: {  	[tilespmem:s9], [sflag:$0x2] =	stream.linear.gather [hbm4b:s0+s4], $0x400, $0x38;
	[tilespmem:$0x10600] =	vst v63  }
0xe7: {  	s10 =	spop (v2sf)  }
0xe8: {  	(v2sf) =	vpush v3, $0xF;
	[tilespmem:s12], [sflag:$0x4] =	stream.linear.gather [hbm4b:s10+s4], $0x400, $0x38;
	[tilespmem:$0x10600] =	vst v63  }
0xe9: {  	s0 =	sadd.s32 $0xF4280, s10  }
0xea: {  	[tilespmem:s14], [sflag:$0x4] =	stream.linear.gather [hbm4b:s0+s4], $0x400, $0x38;
	[tilespmem:$0x10600] =	vst v63  }
0xeb: {  	s10 =	spop (v2sf)  }
0xec: {  	[tilespmem:s15], [sflag:$0x2] =	stream.linear.gather [hbm4b:s10+s4], $0x400, $0x38;
	[tilespmem:$0x10600] =	vst v63  }
0xed: {  	s0 =	sadd.s32 $0xF4280, s10  }
0xee: {  	[tilespmem:s16], [sflag:$0x2] =	stream.linear.gather [hbm4b:s0+s4], $0x400, $0x38;
	[tilespmem:$0x10600] =	vst v63  }
0xef: {  	s10 =	spop (v2sf)  }
0xf0: {  	[tilespmem:s18], [sflag:$0x4] =	stream.linear.gather [hbm4b:s10+s4], $0x400, $0x38;
	[tilespmem:$0x10600] =	vst v63  }
0xf1: {  	s0 =	sadd.s32 $0xF4280, s10  }
0xf2: {  	[tilespmem:s20], [sflag:$0x4] =	stream.linear.gather [hbm4b:s0+s4], $0x400, $0x38;
	[tilespmem:$0x10600] =	vst v63  }
0xf3: {  	s10 =	spop (v2sf)  }
0xf4: {  	[tilespmem:s21], [sflag:$0x2] =	stream.linear.gather [hbm4b:s10+s4], $0x400, $0x38;
	[tilespmem:$0x10600] =	vst v63  }
0xf5: {  	s0 =	sadd.s32 $0xF4280, s10  }
0xf6: {  	[tilespmem:s22], [sflag:$0x2] =	stream.linear.gather [hbm4b:s0+s4], $0x400, $0x38;
	[tilespmem:$0x10600] =	vst v63  }
0xf7: {  	s10 =	spop (v2sf)  }
0xf8: {  	[tilespmem:s23], [sflag:$0x4] =	stream.linear.gather [hbm4b:s10+s4], $0x400, $0x38;
	[tilespmem:$0x10600] =	vst v63  }
0xf9: {  	s0 =	sadd.s32 $0xF4280, s10  }
0xfa: {  	[tilespmem:s24], [sflag:$0x4] =	stream.linear.gather [hbm4b:s0+s4], $0x400, $0x38;
	[tilespmem:$0x10600] =	vst v63  }
0xfb: {  	_ =	swait.ge [sflag:s25], $0x4000  }
0xfc: {  	[sflag:s25] =	ssyncset.done $0x0  }
0xfd: {  	[sflag:s25] =	ssyncadd.s32 $0xFFFFC000  }
0xfe: {  	v16 =	vand.u32 $0x7F, v0;
	v0 =	vld [tilespmem:$0x1FFE0];
	_ =	swait.ge [sflag:s26], $0x4000  }
0xff: {  	v18 =	vld [tilespmem:$0x1FF50];
	_ =	sdelay $0x3  }
0x100: {  	v17 =	vand.u32 $0x7F, v1  }
0x101: {  	v58 =	vor.u32 v18, v16;
	v55 =	vor.u32 v18, v17;
	v18 =	vld [tilespmem:$0x1FF60];
	_ =	sdelay $0x4  }
0x102: {  	v54 =	vor.u32 v18, v16;
	v51 =	vor.u32 v18, v17;
	v18 =	vld [tilespmem:$0x1FF70];
	_ =	sdelay $0x4  }
0x103: {  	v50 =	vor.u32 v18, v16;
	v47 =	vor.u32 v18, v17;
	v18 =	vld [tilespmem:$0x1FF80]  }
0x104: {  	v1 =	vld [tilespmem:$0x1FF00];
	_ =	sdelay $0x1  }
0x105: {  	[sflag:s26] =	ssyncset.done $0x0;
	v62 =	vor.u32 v0, v16  }
0x106: {  	v3 =	vld [tilespmem:$0x1FF40];
	[sflag:s26] =	ssyncadd.s32 $0xFFFFC000;
	v0 =	vor.u32 v0, v17  }
0x107: {  	v46 =	vor.u32 v18, v16;
	v43 =	vor.u32 v18, v17;
	v18 =	vld.idx.msk [tilespmem:v51+s13+$0x0], $0xffff  }
0x108: {  	v4 =	vor.u32 v1, v16;
	v6 =	vor.u32 v1, v17;
	v1 =	vld [tilespmem:$0x1FF10];
	_ =	sdelay $0x1  }
0x109: {  	v13 =	vld.idx.msk [tilespmem:v62+s11+$0x0], $0xffff  }
0x10a: {  	v63 =	vor.u32 v3, v16;
	v15 =	vld.idx.msk [tilespmem:v0+s13+$0x0], $0xffff  }
0x10b: {  	[tilespmem:$0x1FEF0] =	vst v18;
	v18 =	vld [tilespmem:$0x1FF90]  }
0x10c: {  	v59 =	vor.u32 v3, v17;
	v10 =	vor.u32 v1, v16;
	v11 =	vor.u32 v1, v17;
	v1 =	vld [tilespmem:$0x1FF20]  }
0x10d: {  	v8 =	vld.idx.msk [tilespmem:v4+s11+$0x0], $0xffff  }
0x10e: {  	v14 =	vld.idx.msk [tilespmem:v6+s13+$0x0], $0xffff  }
0x10f: {  	v52 =	vld.idx.msk [tilespmem:v63+s11+$0x0], $0xffff  }
0x110: {  	v42 =	vor.u32 v18, v16;
	v39 =	vor.u32 v18, v17;
	v18 =	vld [tilespmem:$0x1FFA0]  }
0x111: {  	v57 =	vld.idx.msk [tilespmem:v59+s13+$0x0], $0xffff  }
0x112: {  	v49 =	vld.idx.msk [tilespmem:v58+s11+$0x0], $0xffff  }
0x113: {  	v53 =	vld.idx.msk [tilespmem:v55+s13+$0x0], $0xffff  }
0x114: {  	v12 =	vor.u32 v1, v16;
	v7 =	vor.u32 v1, v17;
	v1 =	vld [tilespmem:$0x1FF30]  }
0x115: {  	v38 =	vor.u32 v18, v16;
	v35 =	vor.u32 v18, v17;
	v18 =	vld [tilespmem:$0x1FFB0]  }
0x116: {  	v2 =	vld.idx.msk [tilespmem:v10+s11+$0x0], $0xffff  }
0x117: {  	v9 =	vld.idx.msk [tilespmem:v11+s13+$0x0], $0xffff  }
0x118: {  	v45 =	vld.idx.msk [tilespmem:v54+s11+$0x0], $0xffff  }
0x119: {  	v5 =	vor.u32 v1, v16;
	v60 =	vld.idx.msk [tilespmem:v12+s11+$0x0], $0xffff  }
0x11a: {  	v34 =	vor.u32 v18, v16;
	v31 =	vor.u32 v18, v17;
	v18 =	vld [tilespmem:$0x1FFC0]  }
0x11b: {  	v1 =	vor.u32 v1, v17;
	v3 =	vld.idx.msk [tilespmem:v7+s13+$0x0], $0xffff  }
0x11c: {  	v41 =	vld.idx.msk [tilespmem:v50+s11+$0x0], $0xffff  }
0x11d: {  	v48 =	vld.idx.msk [tilespmem:v47+s13+$0x0], $0xffff  }
0x11e: {  	v56 =	vld.idx.msk [tilespmem:v5+s11+$0x0], $0xffff  }
0x11f: {  	v30 =	vor.u32 v18, v16;
	v27 =	vor.u32 v18, v17;
	v18 =	vld [tilespmem:$0x1FFD0]  }
0x120: {  	v61 =	vld.idx.msk [tilespmem:v1+s13+$0x0], $0xffff  }
0x121: {  	v37 =	vld.idx.msk [tilespmem:v46+s11+$0x0], $0xffff  }
0x122: {  	v44 =	vld.idx.msk [tilespmem:v43+s13+$0x0], $0xffff  }
0x123: {  	v33 =	vld.idx.msk [tilespmem:v42+s11+$0x0], $0xffff  }
0x124: {  	v26 =	vor.u32 v18, v16;
	v23 =	vor.u32 v18, v17;
	v18 =	vld [tilespmem:$0x1FFF0]  }
0x125: {  	v40 =	vld.idx.msk [tilespmem:v39+s13+$0x0], $0xffff  }
0x126: {  	v29 =	vld.idx.msk [tilespmem:v38+s11+$0x0], $0xffff  }
0x127: {  	v36 =	vld.idx.msk [tilespmem:v35+s13+$0x0], $0xffff  }
0x128: {  	v25 =	vld.idx.msk [tilespmem:v34+s11+$0x0], $0xffff  }
0x129: {  	v32 =	vld.idx.msk [tilespmem:v31+s13+$0x0], $0xffff;
	v22 =	vor.u32 v18, v16  }
0x12a: {  	p0 =	seq.s32 s30, $0x7C0;
	v24 =	vld.idx.msk [tilespmem:v30+s11+$0x0], $0xffff;
	v20 =	vor.u32 v18, v17  }
.Ltmp4:
0x12b: {  	v28 =	vld.idx.msk [tilespmem:v27+s13+$0x0], $0xffff;
	(pc) =	sbr.rel @p0 .LBB2_4-.Ltmp4, $4  }
0x12c: {  	v18 =	vld.idx.msk [tilespmem:v26+s11+$0x0], $0xffff  }
0x12d: {  	v21 =	vld.idx.msk [tilespmem:v23+s13+$0x0], $0xffff  }
0x12e: {  	v17 =	vld.idx.msk [tilespmem:v22+s11+$0x0], $0xffff  }
0x12f: {  	v19 =	vld.idx.msk [tilespmem:v20+s13+$0x0], $0xffff  }
0x130: {  	v16 =	vld [tilespmem:s31+$0x10]  }
0x131: {  	[tilespmem:$0x1FEE0] =	vst v49;
	v49 =	vmov v48;
	v48 =	vmov v45  }
0x132: {  	v45 =	vmovc v44;
	v44 =	vmovc v41;
	v41 =	vmov v40;
	v40 =	vmov v37;
	v37 =	vmov v36  }
0x133: {  	v36 =	vmovc v33;
	v33 =	vmovc v32;
	v32 =	vmov v29;
	v29 =	vmov v28;
	v28 =	vmov v25  }
0x134: {  	v25 =	vmovc v24;
	v24 =	vmovc v21;
	v21 =	vmov v19;
	v19 =	vmov v18;
	v18 =	vmov v17;
	v17 =	vld [tilespmem:s31+$0x210]  }
0x135: {  	v16 =	vand.u32 $0xFFFFFF80, v16  }
0x136: {  	v16 =	vadd.s32 s1, v16  }
0x137: {  	(v2sf) =	vpush v16, $0x0;
	_ =	sdelay $0x1  }
0x138: {  	v17 =	vand.u32 $0xFFFFFF80, v17  }
0x139: {  	v17 =	vadd.s32 s2, v17  }
0x13a: {  	(v2sf) =	vpush v17, $0x0;
	_ =	sdelay $0x3  }
0x13b: {  	(v2sf) =	vpush v16, $0x1;
	_ =	sdelay $0x3  }
0x13c: {  	(v2sf) =	vpush v17, $0x1;
	_ =	sdelay $0x2  }
0x13d: {  	s0 =	spop (v2sf)  }
0x13e: {  	(v2sf) =	vpush v16, $0x2;
	[tilespmem:s11], [sflag:$0x1] =	stream.linear.gather [hbm4b:s0+s4], $0x400, $0x38;
	[tilespmem:$0x10600] =	vst v63  }
0x13f: {  	s3 =	simm.s32 $0x2400;
	s0 =	sadd.s32 $0xF4280, s0  }
0x140: {  	[tilespmem:s3], [sflag:$0x1] =	stream.linear.gather [hbm4b:s0+s4], $0x400, $0x38;
	[tilespmem:$0x10600] =	vst v63  }
0x141: {  	s3 =	spop (v2sf)  }
0x142: {  	(v2sf) =	vpush v17, $0x2;
	[tilespmem:s13], [sflag:$0x3] =	stream.linear.gather [hbm4b:s3+s4], $0x400, $0x38;
	[tilespmem:$0x10600] =	vst v63  }
0x143: {  	s10 =	simm.s32 $0xA400;
	s0 =	sadd.s32 $0xF4280, s3  }
0x144: {  	[tilespmem:s10], [sflag:$0x3] =	stream.linear.gather [hbm4b:s0+s4], $0x400, $0x38;
	[tilespmem:$0x10600] =	vst v63  }
0x145: {  	s0 =	spop (v2sf);
	s10 =	simm.s32 $0x800  }
0x146: {  	(v2sf) =	vpush v16, $0x3;
	[tilespmem:s10], [sflag:$0x1] =	stream.linear.gather [hbm4b:s0+s4], $0x400, $0x38;
	[tilespmem:$0x10600] =	vst v63  }
0x147: {  	s0 =	sadd.s32 $0xF4280, s0;
	s10 =	simm.s32 $0x2800  }
0x148: {  	[tilespmem:s10], [sflag:$0x1] =	stream.linear.gather [hbm4b:s0+s4], $0x400, $0x38;
	[tilespmem:$0x10600] =	vst v63  }
0x149: {  	s0 =	spop (v2sf);
	s10 =	simm.s32 $0x8800  }
0x14a: {  	(v2sf) =	vpush v17, $0x3;
	[tilespmem:s10], [sflag:$0x3] =	stream.linear.gather [hbm4b:s0+s4], $0x400, $0x38;
	[tilespmem:$0x10600] =	vst v63  }
0x14b: {  	s0 =	sadd.s32 $0xF4280, s0;
	s10 =	simm.s32 $0xA800  }
0x14c: {  	[tilespmem:s10], [sflag:$0x3] =	stream.linear.gather [hbm4b:s0+s4], $0x400, $0x38;
	[tilespmem:$0x10600] =	vst v63  }
0x14d: {  	s0 =	spop (v2sf);
	s10 =	simm.s32 $0xC00  }
0x14e: {  	(v2sf) =	vpush v16, $0x4;
	[tilespmem:s10], [sflag:$0x1] =	stream.linear.gather [hbm4b:s0+s4], $0x400, $0x38;
	[tilespmem:$0x10600] =	vst v63  }
0x14f: {  	s0 =	sadd.s32 $0xF4280, s0;
	s10 =	simm.s32 $0x2C00  }
0x150: {  	[tilespmem:s10], [sflag:$0x1] =	stream.linear.gather [hbm4b:s0+s4], $0x400, $0x38;
	[tilespmem:$0x10600] =	vst v63  }
0x151: {  	s0 =	spop (v2sf);
	s10 =	simm.s32 $0x8C00  }
0x152: {  	(v2sf) =	vpush v17, $0x4;
	[tilespmem:s10], [sflag:$0x3] =	stream.linear.gather [hbm4b:s0+s4], $0x400, $0x38;
	[tilespmem:$0x10600] =	vst v63  }
0x153: {  	s0 =	sadd.s32 $0xF4280, s0;
	s10 =	simm.s32 $0xAC00  }
0x154: {  	[tilespmem:s10], [sflag:$0x3] =	stream.linear.gather [hbm4b:s0+s4], $0x400, $0x38;
	[tilespmem:$0x10600] =	vst v63  }
0x155: {  	s0 =	spop (v2sf);
	s10 =	simm.s32 $0x1000  }
0x156: {  	(v2sf) =	vpush v16, $0x5;
	[tilespmem:s10], [sflag:$0x1] =	stream.linear.gather [hbm4b:s0+s4], $0x400, $0x38;
	[tilespmem:$0x10600] =	vst v63  }
0x157: {  	s0 =	sadd.s32 $0xF4280, s0;
	s10 =	simm.s32 $0x3000  }
0x158: {  	[tilespmem:s10], [sflag:$0x1] =	stream.linear.gather [hbm4b:s0+s4], $0x400, $0x38;
	[tilespmem:$0x10600] =	vst v63  }
0x159: {  	s0 =	spop (v2sf);
	s10 =	simm.s32 $0x9000  }
0x15a: {  	(v2sf) =	vpush v17, $0x5;
	[tilespmem:s10], [sflag:$0x3] =	stream.linear.gather [hbm4b:s0+s4], $0x400, $0x38;
	[tilespmem:$0x10600] =	vst v63  }
0x15b: {  	s0 =	sadd.s32 $0xF4280, s0;
	s10 =	simm.s32 $0xB000  }
0x15c: {  	[tilespmem:s10], [sflag:$0x3] =	stream.linear.gather [hbm4b:s0+s4], $0x400, $0x38;
	[tilespmem:$0x10600] =	vst v63  }
0x15d: {  	s0 =	spop (v2sf);
	s10 =	simm.s32 $0x1400  }
0x15e: {  	(v2sf) =	vpush v16, $0x6;
	[tilespmem:s10], [sflag:$0x1] =	stream.linear.gather [hbm4b:s0+s4], $0x400, $0x38;
	[tilespmem:$0x10600] =	vst v63  }
0x15f: {  	s0 =	sadd.s32 $0xF4280, s0;
	s10 =	simm.s32 $0x3400  }
0x160: {  	[tilespmem:s10], [sflag:$0x1] =	stream.linear.gather [hbm4b:s0+s4], $0x400, $0x38;
	[tilespmem:$0x10600] =	vst v63  }
0x161: {  	s0 =	spop (v2sf);
	s10 =	simm.s32 $0x9400  }
0x162: {  	(v2sf) =	vpush v17, $0x6;
	[tilespmem:s10], [sflag:$0x3] =	stream.linear.gather [hbm4b:s0+s4], $0x400, $0x38;
	[tilespmem:$0x10600] =	vst v63  }
0x163: {  	s0 =	sadd.s32 $0xF4280, s0;
	s10 =	simm.s32 $0xB400  }
0x164: {  	[tilespmem:s10], [sflag:$0x3] =	stream.linear.gather [hbm4b:s0+s4], $0x400, $0x38;
	[tilespmem:$0x10600] =	vst v63  }
0x165: {  	s0 =	spop (v2sf);
	s10 =	simm.s32 $0x1800  }
0x166: {  	(v2sf) =	vpush v16, $0x7;
	[tilespmem:s10], [sflag:$0x1] =	stream.linear.gather [hbm4b:s0+s4], $0x400, $0x38;
	[tilespmem:$0x10600] =	vst v63  }
0x167: {  	s0 =	sadd.s32 $0xF4280, s0;
	s10 =	simm.s32 $0x3800  }
0x168: {  	[tilespmem:s10], [sflag:$0x1] =	stream.linear.gather [hbm4b:s0+s4], $0x400, $0x38;
	[tilespmem:$0x10600] =	vst v63  }
0x169: {  	s0 =	spop (v2sf);
	s10 =	simm.s32 $0x9800  }
0x16a: {  	[tilespmem:s10], [sflag:$0x3] =	stream.linear.gather [hbm4b:s0+s4], $0x400, $0x38;
	[tilespmem:$0x10600] =	vst v63  }
0x16b: {  	(v2sf) =	vpush v17, $0x7;
	s0 =	sadd.s32 $0xF4280, s0;
	s10 =	simm.s32 $0xB800  }
0x16c: {  	[tilespmem:s10], [sflag:$0x3] =	stream.linear.gather [hbm4b:s0+s4], $0x400, $0x38;
	[tilespmem:$0x10600] =	vst v63  }
0x16d: {  	s0 =	spop (v2sf);
	s10 =	simm.s32 $0x1C00  }
0x16e: {  	[tilespmem:s10], [sflag:$0x1] =	stream.linear.gather [hbm4b:s0+s4], $0x400, $0x38;
	[tilespmem:$0x10600] =	vst v63  }
0x16f: {  	s0 =	sadd.s32 $0xF4280, s0;
	s10 =	simm.s32 $0x3C00  }
0x170: {  	[tilespmem:s10], [sflag:$0x1] =	stream.linear.gather [hbm4b:s0+s4], $0x400, $0x38;
	[tilespmem:$0x10600] =	vst v63  }
0x171: {  	s0 =	spop (v2sf);
	s10 =	simm.s32 $0x9C00  }
0x172: {  	[tilespmem:s10], [sflag:$0x3] =	stream.linear.gather [hbm4b:s0+s4], $0x400, $0x38;
	[tilespmem:$0x10600] =	vst v63  }
0x173: {  	s0 =	sadd.s32 $0xF4280, s0;
	s10 =	simm.s32 $0xBC00  }
0x174: {  	[tilespmem:s10], [sflag:$0x3] =	stream.linear.gather [hbm4b:s0+s4], $0x400, $0x38;
	[tilespmem:$0x10600] =	vst v63  }
0x175: {  	s0 =	spop (v2sf);
	s10 =	simm.s32 $0x2000  }
0x176: {  	[tilespmem:s10], [sflag:$0x1] =	stream.linear.gather [hbm4b:s0+s4], $0x400, $0x38;
	[tilespmem:$0x10600] =	vst v63  }
0x177: {  	s0 =	sadd.s32 $0xF4280, s0;
	s10 =	simm.s32 $0x4000  }
0x178: {  	[tilespmem:s10], [sflag:$0x1] =	stream.linear.gather [hbm4b:s0+s4], $0x400, $0x38;
	[tilespmem:$0x10600] =	vst v63  }
.Ltmp5:
0x179: {  	_ = 	snop;
	(pc) =	sbr.rel .LBB2_4-.Ltmp5, $4  }
0x17a: {  	v17 =	vmov v18;
	v18 =	vmov v19;
	s0 =	spop (v2sf);
	s10 =	simm.s32 $0xA000  }
0x17b: {  	v19 =	vmovc v21;
	v21 =	vmovc v24;
	v24 =	vmov v25;
	v25 =	vmov v28;
	v28 =	vmov v29;
	[tilespmem:s10], [sflag:$0x3] =	stream.linear.gather [hbm4b:s0+s4], $0x400, $0x38;
	[tilespmem:$0x10600] =	vst v63  }
0x17c: {  	s3 =	simm.s32 $0x6400;
	v29 =	vmovc v32;
	v32 =	vmovc v33;
	v33 =	vmov v36;
	v36 =	vmov v37;
	v37 =	vmov v40;
	s0 =	sadd.s32 $0xF4280, s0;
	s10 =	simm.s32 $0xC000  }
0x17d: {  	v40 =	vmovc v41;
	v41 =	vmovc v44;
	v44 =	vmov v45;
	v45 =	vmov v48;
	v48 =	vmov v49;
	v49 =	vld [tilespmem:$0x1FEE0];
	[tilespmem:s10], [sflag:$0x3] =	stream.linear.gather [hbm4b:s0+s4], $0x400, $0x38  }
.LBB2_6:
0x17e: {  	_ =	sfence.sel $0x180000  }
0x17f: {  	[bflag:$0x0] =	sbarrier.arrive $0xFFFF  }
0x180: {  	_ =	strace $0x90000047  }
0x181: {  	s0 =	stileid.u32;
	[bflag:$0x2] =	sbarrier.arrive $0xFFFF  }
0x182: {  	p0 =	sne.s32 s0, $0x0;
	s0 =	rddreg [dreg:$0x5]  }
0x183: {  	s0 =	sadd.s32 @!p0 $0x100000, s0  }
0x184: {  	[sflag:s0] =	ssyncadd.tile.s32 @!p0 $0x1;
	_ =	shalt  }
.Lfunc_end2:
_tile_overlayer_lowered:
.L_overlay_start_2:
0x185: {  	(tag) =	ssettag $0x2  }
0x186: {  	s0 =	rddreg [dreg:$0x0];
	s2 =	stileid.u32  }
0x187: {  	s1 =	rddreg [dreg:$0x1];
	p0 =	sne.s32 s2, $0x0  }
0x188: {  	s3 =	rddreg [dreg:$0x2];
	[bflag:$0x3] =	sbarrier.arrive $0xFFFF;
	s2 =	simm.s32 @!p0 $0x1C05  }
0x189: {  	[timem:s3], [sflag:s2] =	dma.local @!p0 [hbm:s0], s1  }
0x18a: {  	s0 =	simm.s32 @!p0 $0x5  }
0x18b: {  	_ =	swait.ge @!p0 [sflag:s0], s1  }
0x18c: {  	s1 =	ssub.s32 @!p0 $0x0, s1;
	[sflag:s0] =	ssyncset.done @!p0 $0x0  }
0x18d: {  	[sflag:s0] =	ssyncadd.s32 @!p0 s1  }
0x18e: {  	[bflag:$0x3] =	sbarrier.arrive $0xFFFF  }
0x18f: {  	_ =	shalt  }

</sc_bundles>
